<compile_context>
chip_gen: v7x
topology: tpu7x:2x2x1
jax: 0.10.2.dev20260603
libtpu: 0.0.44.dev20260713+nightly
codegen_flags: <defaults>
</compile_context>

<pallas_src>
import functools

import jax
import jax.numpy as jnp
from jax import lax
from jax.experimental import pallas as pl
from jax.experimental.pallas import tpu as pltpu
from jax.experimental.pallas import tpu_sc as plsc



def _matvec_body(emb_ref, w_ref, v_ref):
    v_ref[...] = jnp.sum(emb_ref[...] * w_ref[...], axis=1, keepdims=True)


def _emb_matvec(emb, W, interpret=False):
    V, D = emb.shape
    BV = 5000
    return pl.pallas_call(
        _matvec_body,
        grid=(V // BV,),
        in_specs=[pl.BlockSpec((BV, D), lambda i: (i, 0)),
                  pl.BlockSpec((1, D), lambda i: (0, 0))],
        out_specs=pl.BlockSpec((BV, 1), lambda i: (i, 0)),
        out_shape=jax.ShapeDtypeStruct((V, 1), jnp.float32),
        interpret=interpret,
    )(emb, W.reshape(1, D))



_NW = 32
_ROWS = 80
_CHT = _ROWS * 128
_TP = _NW * _CHT


def _sc_gather(vext, tok3d):
    mesh = plsc.VectorSubcoreMesh(core_axis_name="c", subcore_axis_name="s")

    @functools.partial(
        pl.kernel, mesh=mesh,
        out_type=jax.ShapeDtypeStruct((_NW, _ROWS, 128), jnp.float32),
        scratch_types=[pltpu.VMEM((_ROWS, 128), jnp.int32),
                       pltpu.VMEM((_ROWS, 128), jnp.float32),
                       pltpu.SemaphoreType.DMA],
    )
    def k(v_hbm, tok_hbm, p_hbm, ibuf, pbuf, sem):
        nc = 2
        wid = lax.axis_index("s") * nc + lax.axis_index("c")
        pltpu.sync_copy(tok_hbm.at[wid], ibuf)

        def gather_group(g, _):
            base_r = g * 16
            hs = [pltpu.async_copy(v_hbm.at[ibuf.at[base_r + i]],
                                   pbuf.at[base_r + i], sem)
                  for i in range(16)]
            for h in hs:
                h.wait()
            return 0

        lax.fori_loop(0, _ROWS // 16, gather_group, 0)
        pltpu.sync_copy(pbuf, p_hbm.at[wid])

    return k(vext, tok3d)


def _prefix_body(p_ref, e_ref):
    X = p_ref[...]
    R, C = X.shape
    li = lax.broadcasted_iota(jnp.int32, (C, C), 0)
    lj = lax.broadcasted_iota(jnp.int32, (C, C), 1)
    U = (li < lj).astype(jnp.float32)
    ones = jnp.ones((C, 1), jnp.float32)
    hp = lax.Precision.HIGHEST
    lane_excl = jnp.dot(X, U, precision=hp)
    rowsum = jnp.dot(X, ones, precision=hp)
    GS = 32
    NG = R // GS
    gi = lax.broadcasted_iota(jnp.int32, (R, R), 0)
    gj = lax.broadcasted_iota(jnp.int32, (R, R), 1)
    within = ((gi // GS == gj // GS) & (gj < gi)).astype(jnp.float32)
    sgi = lax.broadcasted_iota(jnp.int32, (NG, R), 0)
    sgj = lax.broadcasted_iota(jnp.int32, (NG, R), 1)
    Gsel = (sgi == sgj // GS).astype(jnp.float32)
    gsum = jnp.dot(Gsel, rowsum, precision=hp)
    mgi = lax.broadcasted_iota(jnp.int32, (NG, NG), 0)
    mgj = lax.broadcasted_iota(jnp.int32, (NG, NG), 1)
    Mg = (mgj < mgi).astype(jnp.float32)
    gpre = jnp.dot(Mg, gsum, precision=hp)
    pgi = lax.broadcasted_iota(jnp.int32, (R, NG), 0)
    pgj = lax.broadcasted_iota(jnp.int32, (R, NG), 1)
    Pexp = (pgj == pgi // GS).astype(jnp.float32)
    rowbase = (jnp.dot(Pexp, gpre, precision=hp)
               + jnp.dot(within, rowsum, precision=hp))
    e_ref[...] = rowbase + lane_excl


def _prefix_tc(p2d):
    R, C = p2d.shape
    return pl.pallas_call(
        _prefix_body,
        out_shape=jax.ShapeDtypeStruct((R, C), jnp.float32),
    )(p2d)


def _sc_boundaries(e, o3d, n3d):
    NW, K, L = o3d.shape
    mesh = plsc.VectorSubcoreMesh(core_axis_name="c", subcore_axis_name="s")

    @functools.partial(
        pl.kernel, mesh=mesh,
        out_type=jax.ShapeDtypeStruct((NW, K, L), jnp.float32),
        scratch_types=[pltpu.VMEM((K, L), jnp.int32),
                       pltpu.VMEM((K, L), jnp.int32),
                       pltpu.VMEM((K, L), jnp.float32),
                       pltpu.VMEM((K, L), jnp.float32),
                       pltpu.VMEM((K, L), jnp.float32),
                       pltpu.SemaphoreType.DMA],
    )
    def k(e_hbm, o_hbm, n_hbm, wh_hbm, obuf, nbuf, e1, e2, whbuf, sem):
        nc = 2
        wid = lax.axis_index("s") * nc + lax.axis_index("c")
        pltpu.sync_copy(o_hbm.at[wid], obuf)
        pltpu.sync_copy(n_hbm.at[wid], nbuf)
        hs = []
        for kk in range(K):
            hs.append(pltpu.async_copy(e_hbm.at[obuf.at[kk]], e1.at[kk], sem))
            hs.append(pltpu.async_copy(e_hbm.at[nbuf.at[kk]], e2.at[kk], sem))
        for h in hs:
            h.wait()
        for kk in range(K):
            for g in range(L // 16):
                sl = pl.ds(g * 16, 16)
                o = obuf[kk, sl]
                onx = nbuf[kk, sl]
                cnt = (onx - o).astype(jnp.float32)
                whbuf[kk, sl] = (e2[kk, sl] - e1[kk, sl]) / jnp.maximum(cnt, 1.0)
        pltpu.sync_copy(whbuf, wh_hbm.at[wid])

    return k(e, o3d, n3d)


def _segment_wh_sc(v, tok, opad, onext, NP):
    T, = tok.shape
    V, = v.shape
    vext = jnp.concatenate([v, jnp.zeros((16,), jnp.float32)])
    tok3d = jnp.concatenate(
        [tok, jnp.full((_TP - T,), V, jnp.int32)]).reshape(_NW, _ROWS, 128)
    p = _sc_gather(vext, tok3d)
    e2d = _prefix_tc(p.reshape(640, 512))
    e = e2d.reshape(_TP)
    K = NP // (_NW * 128)
    o3d = opad.reshape(_NW, K, 128)
    n3d = onext.reshape(_NW, K, 128)
    wh = _sc_boundaries(e, o3d, n3d)
    return wh.reshape(NP)



def _factors(a_ref, whr_ref, whc_ref, j, BC):
    a0 = a_ref[0]
    a1 = a_ref[1]
    whc_all = whc_ref[0:1, :]
    D = jnp.max(whc_all * a1)
    whc_j = whc_ref[0:1, pl.ds(j * BC, BC)]
    d = whc_j * a1
    c1 = jnp.exp(d - D)
    c2 = jnp.exp(0.2 * (d - D))
    s = whr_ref[...] * a0
    sD = s + D
    m = jnp.where(sD > 0, sD, 0.2 * sD)
    r1 = jnp.exp(sD - m)
    r2 = jnp.exp(0.2 * sD - m)
    pos = d > (-s)
    return pos, r1, r2, c1, c2


def _attn_s1_body(a_ref, whr_ref, whc_ref, adj_ref, s1_ref,
                  P, Q, *, BC, NBJ, NN):
    j = pl.program_id(1)
    pos, r1, r2, c1, c2 = _factors(a_ref, whr_ref, whc_ref, j, BC)
    adj = adj_ref[...]
    col = lax.broadcasted_iota(jnp.int32, (1, BC), 1) + j * BC
    avalid = jnp.where(col < NN, adj, 0.0)
    ap = jnp.where(pos, avalid, 0.0)
    an = avalid - ap
    pP = jnp.sum(ap * c1, axis=1, keepdims=True)
    pQ = jnp.sum(an * c2, axis=1, keepdims=True)
    first = j == 0
    Pn = jnp.where(first, pP, P[...] + pP)
    Qn = jnp.where(first, pQ, Q[...] + pQ)
    P[...] = Pn
    Q[...] = Qn

    @pl.when(j == NBJ - 1)
    def _():
        s1_ref[...] = r1 * Pn + r2 * Qn


def _attn_out_body(a_ref, whr_ref, whc_ref, whcol_ref, s1_ref, adj_ref,
                   out_ref, ACC, *, BC, NBJ, NN):
    j = pl.program_id(1)
    pos, r1, r2, c1, c2 = _factors(a_ref, whr_ref, whc_ref, j, BC)
    adj = adj_ref[...]
    col = lax.broadcasted_iota(jnp.int32, (1, BC), 1) + j * BC
    avalid = jnp.where(col < NN, adj, 0.0)
    w = jnp.where(pos, r1 * c1, r2 * c2) * avalid
    S1 = s1_ref[...]
    rs = jnp.where(S1 > 0, 1.0 / S1, 0.0)
    uni = 1.0 / jnp.float32(NN)
    alpha = jnp.where(S1 > 0, w * rs, uni)
    partial = jnp.dot(alpha, whcol_ref[...],
                      preferred_element_type=jnp.float32)
    acc = jnp.where(j == 0, partial, ACC[...] + partial)
    ACC[...] = acc

    @pl.when(j == NBJ - 1)
    def _():
        out_ref[...] = acc


def _attention(adj, whr, whc, a2, interpret=False):
    NN = adj.shape[0]
    NP = whc.shape[1]
    BR, BC = 512, 2048
    NBI = (NN + BR - 1) // BR
    NBJ = (NN + BC - 1) // BC
    s1 = pl.pallas_call(
        functools.partial(_attn_s1_body, BC=BC, NBJ=NBJ, NN=NN),
        grid=(NBI, NBJ),
        in_specs=[pl.BlockSpec(memory_space=pltpu.SMEM),
                  pl.BlockSpec((BR, 1), lambda i, j: (i, 0)),
                  pl.BlockSpec((1, NP), lambda i, j: (0, 0)),
                  pl.BlockSpec((BR, BC), lambda i, j: (i, j))],
        out_specs=pl.BlockSpec((BR, 1), lambda i, j: (i, 0)),
        out_shape=jax.ShapeDtypeStruct((NN, 1), jnp.float32),
        scratch_shapes=[pltpu.VMEM((BR, 1), jnp.float32)] * 2,
        compiler_params=pltpu.CompilerParams(
            dimension_semantics=("arbitrary", "arbitrary")),
        interpret=interpret,
    )(a2, whr, whc, adj)
    whcol = whc.reshape(NP, 1)
    return pl.pallas_call(
        functools.partial(_attn_out_body, BC=BC, NBJ=NBJ, NN=NN),
        grid=(NBI, NBJ),
        in_specs=[pl.BlockSpec(memory_space=pltpu.SMEM),
                  pl.BlockSpec((BR, 1), lambda i, j: (i, 0)),
                  pl.BlockSpec((1, NP), lambda i, j: (0, 0)),
                  pl.BlockSpec((BC, 1), lambda i, j: (j, 0)),
                  pl.BlockSpec((BR, 1), lambda i, j: (i, 0)),
                  pl.BlockSpec((BR, BC), lambda i, j: (i, j))],
        out_specs=pl.BlockSpec((BR, 1), lambda i, j: (i, 0)),
        out_shape=jax.ShapeDtypeStruct((NN, 1), jnp.float32),
        scratch_shapes=[pltpu.VMEM((BR, 1), jnp.float32)],
        compiler_params=pltpu.CompilerParams(
            dimension_semantics=("arbitrary", "arbitrary")),
        interpret=interpret,
    )(a2, whr, whc, whcol, s1, adj)



def kernel(inputs, offsets, adj_matrix, emb_table, W, a):
    T = inputs.shape[0]
    N = offsets.shape[0]
    NP = 12288

    tok = inputs.astype(jnp.int32)
    offs = offsets.astype(jnp.int32)
    opad = jnp.concatenate([offs, jnp.full((NP - N,), T, jnp.int32)])
    onext = jnp.concatenate([offs[1:], jnp.full((NP - N + 1,), T, jnp.int32)])

    v = _emb_matvec(emb_table, W).reshape(-1)
    wh = _segment_wh_sc(v, tok, opad, onext, NP)
    whr = wh[:N].reshape(N, 1)
    whc = wh[:10240].reshape(1, 10240)
    a2 = a.reshape(2).astype(jnp.float32)
    return _attention(adj_matrix, whr, whc, a2)

# --- scband reference (transcript-rebuilt; emitter-appended) ---
"""Pipeline reference for scband-glove-gat-15049565405198 (READ-ONLY COPY).

The authoritative reference and input builder live on the scoring server;
editing this copy changes nothing except your own understanding.
"""

import jax, jax.numpy as jnp
import numpy as np

N_NODES = 10000
TOTAL_TOK = 320000
VOCAB = 100000
EMBED_DIM = 256


def setup_inputs(seed: int = 0) -> dict:
    key = jax.random.key(seed)
    k1, k2, k3, k4, k5, k6 = jax.random.split(key, 6)
    inputs = jax.random.randint(k1, (TOTAL_TOK,), 0, VOCAB, dtype=jnp.int64 if jax.config.jax_enable_x64 else jnp.int32)
    offsets = jnp.sort(jax.random.randint(k2, (N_NODES,), 0, TOTAL_TOK))
    offsets = offsets.at[0].set(0)
    adj_matrix = jax.random.randint(k3, (N_NODES, N_NODES), 0, 2).astype(jnp.float32)
    emb_table = jax.random.normal(k4, (VOCAB, EMBED_DIM), dtype=jnp.float32) * 0.02  # pretrained GloVe vectors (frozen)
    W = jax.random.normal(k5, (EMBED_DIM, 1), dtype=jnp.float32) * (1.0 / np.sqrt(EMBED_DIM))  # GAT linear, output_size=1, K=1 head
    a = jax.random.normal(k6, (2, 1), dtype=jnp.float32) * 0.1  # attention vector [a_src; a_dst]
    return {"inputs": inputs, "offsets": offsets, "adj_matrix": adj_matrix,
            "emb_table": emb_table, "W": W, "a": a}


def reference(inputs, offsets, adj_matrix, emb_table, W, a):
    # nn.EmbeddingBag (mode='mean' default) with offsets
    T = inputs.shape[0]
    gathered = jnp.take(emb_table, inputs, axis=0)              # [T, D] gather
    seg = jnp.searchsorted(offsets, jnp.arange(T), side='right') - 1
    seg = jnp.clip(seg, 0, offsets.shape[0] - 1)
    sums = jax.ops.segment_sum(gathered, seg, num_segments=offsets.shape[0])   # [N, D] scatter-add
    cnts = jax.ops.segment_sum(jnp.ones((T,), jnp.float32), seg, num_segments=offsets.shape[0])
    x = (sums / jnp.maximum(cnts, 1.0)[:, None]).astype(jnp.float32)           # [N, D]
    # GATFinal: single-head GAT over dense adjacency, out_features=1
    Wh = x @ W                                                  # [N, 1]
    f_src = Wh * a[0]                                           # [N, 1]
    f_dst = Wh * a[1]                                           # [N, 1]
    e = jax.nn.leaky_relu(f_src + f_dst.T, negative_slope=0.2)  # [N, N]
    e = jnp.where(adj_matrix > 0, e, jnp.float32(-1e9))
    alpha = jax.nn.softmax(e, axis=-1)                          # [N, N]
    out = alpha @ Wh                                            # [N, 1]
    return out

if __name__ == "__main__":
    import jax
    _d = setup_inputs()
    print(jax.jit(kernel)(*tuple(_d.values())))

</pallas_src>

<mosaic_0001>
#map = affine_map<(d0, d1) -> (0)>
#map1 = affine_map<(d0, d1) -> (0, 0, 0)>
module attributes {stable_mosaic.version = 14 : i64} {
  func.func @k(%arg0: i32, %arg1: i32, %arg2: memref<327680xf32, #tpu.memory_space<hbm>>, %arg3: memref<32x3x128xi32, #tpu.memory_space<hbm>>, %arg4: memref<32x3x128xi32, #tpu.memory_space<hbm>>, %arg5: memref<32x3x128xf32, #tpu.memory_space<hbm>>, %arg6: memref<3x128xi32, #tpu.memory_space<vmem>>, %arg7: memref<3x128xi32, #tpu.memory_space<vmem>>, %arg8: memref<3x128xf32, #tpu.memory_space<vmem>>, %arg9: memref<3x128xf32, #tpu.memory_space<vmem>>, %arg10: memref<3x128xf32, #tpu.memory_space<vmem>>, %arg11: memref<!tpu.dma_semaphore, #tpu.memory_space<semaphore_mem>>) attributes {dimension_semantics = [#tpu.dimension_semantics<core_parallel>, #tpu.dimension_semantics<subcore_parallel>], iteration_bounds = array<i64: 2, 16>, scalar_prefetch = 0 : i64, scratch_operands = 6 : i64, tpu.core_type = #tpu.core_type<sc_vector_subcore>, window_params = [{transform_indices = #map}, {transform_indices = #map1}, {transform_indices = #map1}, {transform_indices = #map1}]} {
    %mul3A = arith.constant 2 : i32
    %mul3A_0 = arith.muli %arg1, %mul3A : i32
    %add3A = arith.addi %mul3A_0, %arg0 : i32
    "tpu.region"() ({
      %run_scoped3A = tpu.sem_alloc : memref<!tpu.dma_semaphore, #tpu.memory_space<semaphore_mem>>
      %dma_start3A_905 = arith.constant 0 : i32
      %dma_start3A_906 = arith.constant 0 : i32
      %dma_start3A_907 = tpu.memref_slice %arg3[%add3A, %dma_start3A_905, %dma_start3A_906] : memref<32x3x128xi32, #tpu.memory_space<hbm>> -> memref<1x3x128xi32, #tpu.memory_space<hbm>>
      %dma_start3A_908 = tpu.memref_squeeze %dma_start3A_907 : memref<1x3x128xi32, #tpu.memory_space<hbm>> -> memref<3x128xi32, #tpu.memory_space<hbm>>
      %dma_start3A_909 = arith.constant 0 : i32
      %dma_start3A_910 = arith.constant 0 : i32
      %dma_start3A_911 = tpu.memref_slice %arg3[%add3A, %dma_start3A_909, %dma_start3A_910] : memref<32x3x128xi32, #tpu.memory_space<hbm>> -> memref<1x3x128xi32, #tpu.memory_space<hbm>>
      %dma_start3A_912 = tpu.memref_squeeze %dma_start3A_911 : memref<1x3x128xi32, #tpu.memory_space<hbm>> -> memref<3x128xi32, #tpu.memory_space<hbm>>
      tpu.enqueue_dma source(%dma_start3A_912 : memref<3x128xi32, #tpu.memory_space<hbm>>) target(%arg6 : memref<3x128xi32, #tpu.memory_space<vmem>>) target_semaphore(%run_scoped3A : memref<!tpu.dma_semaphore, #tpu.memory_space<semaphore_mem>>)
      %dma_wait3A_913 = arith.constant 0 : i32
      %dma_wait3A_914 = arith.constant 0 : i32
      %dma_wait3A_915 = tpu.memref_slice %arg3[%add3A, %dma_wait3A_913, %dma_wait3A_914] : memref<32x3x128xi32, #tpu.memory_space<hbm>> -> memref<1x3x128xi32, #tpu.memory_space<hbm>>
      %dma_wait3A_916 = tpu.memref_squeeze %dma_wait3A_915 : memref<1x3x128xi32, #tpu.memory_space<hbm>> -> memref<3x128xi32, #tpu.memory_space<hbm>>
      %dma_wait3A_917 = arith.constant 0 : i32
      %dma_wait3A_918 = arith.constant 0 : i32
      %dma_wait3A_919 = tpu.memref_slice %arg3[%add3A, %dma_wait3A_917, %dma_wait3A_918] : memref<32x3x128xi32, #tpu.memory_space<hbm>> -> memref<1x3x128xi32, #tpu.memory_space<hbm>>
      %dma_wait3A_920 = tpu.memref_squeeze %dma_wait3A_919 : memref<1x3x128xi32, #tpu.memory_space<hbm>> -> memref<3x128xi32, #tpu.memory_space<hbm>>
      tpu.wait_dma2 semaphore(%run_scoped3A : memref<!tpu.dma_semaphore, #tpu.memory_space<semaphore_mem>>) src(%dma_wait3A_920 : memref<3x128xi32, #tpu.memory_space<hbm>>) dst(%arg6 : memref<3x128xi32, #tpu.memory_space<vmem>>)
      tpu.yield
    }) : () -> ()
    "tpu.region"() ({
      %run_scoped3A = tpu.sem_alloc : memref<!tpu.dma_semaphore, #tpu.memory_space<semaphore_mem>>
      %dma_start3A_905 = arith.constant 0 : i32
      %dma_start3A_906 = arith.constant 0 : i32
      %dma_start3A_907 = tpu.memref_slice %arg4[%add3A, %dma_start3A_905, %dma_start3A_906] : memref<32x3x128xi32, #tpu.memory_space<hbm>> -> memref<1x3x128xi32, #tpu.memory_space<hbm>>
      %dma_start3A_908 = tpu.memref_squeeze %dma_start3A_907 : memref<1x3x128xi32, #tpu.memory_space<hbm>> -> memref<3x128xi32, #tpu.memory_space<hbm>>
      %dma_start3A_909 = arith.constant 0 : i32
      %dma_start3A_910 = arith.constant 0 : i32
      %dma_start3A_911 = tpu.memref_slice %arg4[%add3A, %dma_start3A_909, %dma_start3A_910] : memref<32x3x128xi32, #tpu.memory_space<hbm>> -> memref<1x3x128xi32, #tpu.memory_space<hbm>>
      %dma_start3A_912 = tpu.memref_squeeze %dma_start3A_911 : memref<1x3x128xi32, #tpu.memory_space<hbm>> -> memref<3x128xi32, #tpu.memory_space<hbm>>
      tpu.enqueue_dma source(%dma_start3A_912 : memref<3x128xi32, #tpu.memory_space<hbm>>) target(%arg7 : memref<3x128xi32, #tpu.memory_space<vmem>>) target_semaphore(%run_scoped3A : memref<!tpu.dma_semaphore, #tpu.memory_space<semaphore_mem>>)
      %dma_wait3A_913 = arith.constant 0 : i32
      %dma_wait3A_914 = arith.constant 0 : i32
      %dma_wait3A_915 = tpu.memref_slice %arg4[%add3A, %dma_wait3A_913, %dma_wait3A_914] : memref<32x3x128xi32, #tpu.memory_space<hbm>> -> memref<1x3x128xi32, #tpu.memory_space<hbm>>
      %dma_wait3A_916 = tpu.memref_squeeze %dma_wait3A_915 : memref<1x3x128xi32, #tpu.memory_space<hbm>> -> memref<3x128xi32, #tpu.memory_space<hbm>>
      %dma_wait3A_917 = arith.constant 0 : i32
      %dma_wait3A_918 = arith.constant 0 : i32
      %dma_wait3A_919 = tpu.memref_slice %arg4[%add3A, %dma_wait3A_917, %dma_wait3A_918] : memref<32x3x128xi32, #tpu.memory_space<hbm>> -> memref<1x3x128xi32, #tpu.memory_space<hbm>>
      %dma_wait3A_920 = tpu.memref_squeeze %dma_wait3A_919 : memref<1x3x128xi32, #tpu.memory_space<hbm>> -> memref<3x128xi32, #tpu.memory_space<hbm>>
      tpu.wait_dma2 semaphore(%run_scoped3A : memref<!tpu.dma_semaphore, #tpu.memory_space<semaphore_mem>>) src(%dma_wait3A_920 : memref<3x128xi32, #tpu.memory_space<hbm>>) dst(%arg7 : memref<3x128xi32, #tpu.memory_space<vmem>>)
      tpu.yield
    }) : () -> ()
    %dma_start3A = arith.constant 0 : i32
    %dma_start3A_1 = arith.constant 0 : i32
    %dma_start3A_2 = arith.constant 0 : i32
    %dma_start3A_3 = tpu.memref_slice %arg8[%dma_start3A_1, %dma_start3A_2] : memref<3x128xf32, #tpu.memory_space<vmem>> -> memref<1x128xf32, #tpu.memory_space<vmem>>
    %dma_start3A_4 = tpu.memref_squeeze %dma_start3A_3 : memref<1x128xf32, #tpu.memory_space<vmem>> -> memref<128xf32, #tpu.memory_space<vmem>>
    %dma_start3A_5 = arith.constant 0 : i32
    %dma_start3A_6 = tpu.memref_slice %arg6[%dma_start3A, %dma_start3A_5] : memref<3x128xi32, #tpu.memory_space<vmem>> -> memref<1x128xi32, #tpu.memory_space<vmem>>
    %dma_start3A_7 = tpu.memref_squeeze %dma_start3A_6 : memref<1x128xi32, #tpu.memory_space<vmem>> -> memref<128xi32, #tpu.memory_space<vmem>>
    %dma_start3A_8 = arith.constant 0 : i32
    %dma_start3A_9 = tpu.memref_slice %arg2[%dma_start3A_8] : memref<327680xf32, #tpu.memory_space<hbm>> -> memref<327680xf32, #tpu.memory_space<hbm>>
    tpu.enqueue_indirect_dma source(%dma_start3A_9 : memref<327680xf32, #tpu.memory_space<hbm>>) target(%dma_start3A_4 : memref<128xf32, #tpu.memory_space<vmem>>) offsets(%dma_start3A_7 : memref<128xi32, #tpu.memory_space<vmem>>) semaphore(%arg11 : memref<!tpu.dma_semaphore, #tpu.memory_space<semaphore_mem>>)
    %dma_start3A_10 = arith.constant 0 : i32
    %dma_start3A_11 = arith.constant 0 : i32
    %dma_start3A_12 = arith.constant 0 : i32
    %dma_start3A_13 = tpu.memref_slice %arg9[%dma_start3A_11, %dma_start3A_12] : memref<3x128xf32, #tpu.memory_space<vmem>> -> memref<1x128xf32, #tpu.memory_space<vmem>>
    %dma_start3A_14 = tpu.memref_squeeze %dma_start3A_13 : memref<1x128xf32, #tpu.memory_space<vmem>> -> memref<128xf32, #tpu.memory_space<vmem>>
    %dma_start3A_15 = arith.constant 0 : i32
    %dma_start3A_16 = tpu.memref_slice %arg7[%dma_start3A_10, %dma_start3A_15] : memref<3x128xi32, #tpu.memory_space<vmem>> -> memref<1x128xi32, #tpu.memory_space<vmem>>
    %dma_start3A_17 = tpu.memref_squeeze %dma_start3A_16 : memref<1x128xi32, #tpu.memory_space<vmem>> -> memref<128xi32, #tpu.memory_space<vmem>>
    %dma_start3A_18 = arith.constant 0 : i32
    %dma_start3A_19 = tpu.memref_slice %arg2[%dma_start3A_18] : memref<327680xf32, #tpu.memory_space<hbm>> -> memref<327680xf32, #tpu.memory_space<hbm>>
    tpu.enqueue_indirect_dma source(%dma_start3A_19 : memref<327680xf32, #tpu.memory_space<hbm>>) target(%dma_start3A_14 : memref<128xf32, #tpu.memory_space<vmem>>) offsets(%dma_start3A_17 : memref<128xi32, #tpu.memory_space<vmem>>) semaphore(%arg11 : memref<!tpu.dma_semaphore, #tpu.memory_space<semaphore_mem>>)
    %dma_start3A_20 = arith.constant 1 : i32
    %dma_start3A_21 = arith.constant 1 : i32
    %dma_start3A_22 = arith.constant 0 : i32
    %dma_start3A_23 = tpu.memref_slice %arg8[%dma_start3A_21, %dma_start3A_22] : memref<3x128xf32, #tpu.memory_space<vmem>> -> memref<1x128xf32, #tpu.memory_space<vmem>>
    %dma_start3A_24 = tpu.memref_squeeze %dma_start3A_23 : memref<1x128xf32, #tpu.memory_space<vmem>> -> memref<128xf32, #tpu.memory_space<vmem>>
    %dma_start3A_25 = arith.constant 0 : i32
    %dma_start3A_26 = tpu.memref_slice %arg6[%dma_start3A_20, %dma_start3A_25] : memref<3x128xi32, #tpu.memory_space<vmem>> -> memref<1x128xi32, #tpu.memory_space<vmem>>
    %dma_start3A_27 = tpu.memref_squeeze %dma_start3A_26 : memref<1x128xi32, #tpu.memory_space<vmem>> -> memref<128xi32, #tpu.memory_space<vmem>>
    %dma_start3A_28 = arith.constant 0 : i32
    %dma_start3A_29 = tpu.memref_slice %arg2[%dma_start3A_28] : memref<327680xf32, #tpu.memory_space<hbm>> -> memref<327680xf32, #tpu.memory_space<hbm>>
    tpu.enqueue_indirect_dma source(%dma_start3A_29 : memref<327680xf32, #tpu.memory_space<hbm>>) target(%dma_start3A_24 : memref<128xf32, #tpu.memory_space<vmem>>) offsets(%dma_start3A_27 : memref<128xi32, #tpu.memory_space<vmem>>) semaphore(%arg11 : memref<!tpu.dma_semaphore, #tpu.memory_space<semaphore_mem>>)
    %dma_start3A_30 = arith.constant 1 : i32
    %dma_start3A_31 = arith.constant 1 : i32
    %dma_start3A_32 = arith.constant 0 : i32
    %dma_start3A_33 = tpu.memref_slice %arg9[%dma_start3A_31, %dma_start3A_32] : memref<3x128xf32, #tpu.memory_space<vmem>> -> memref<1x128xf32, #tpu.memory_space<vmem>>
    %dma_start3A_34 = tpu.memref_squeeze %dma_start3A_33 : memref<1x128xf32, #tpu.memory_space<vmem>> -> memref<128xf32, #tpu.memory_space<vmem>>
    %dma_start3A_35 = arith.constant 0 : i32
    %dma_start3A_36 = tpu.memref_slice %arg7[%dma_start3A_30, %dma_start3A_35] : memref<3x128xi32, #tpu.memory_space<vmem>> -> memref<1x128xi32, #tpu.memory_space<vmem>>
    %dma_start3A_37 = tpu.memref_squeeze %dma_start3A_36 : memref<1x128xi32, #tpu.memory_space<vmem>> -> memref<128xi32, #tpu.memory_space<vmem>>
    %dma_start3A_38 = arith.constant 0 : i32
    %dma_start3A_39 = tpu.memref_slice %arg2[%dma_start3A_38] : memref<327680xf32, #tpu.memory_space<hbm>> -> memref<327680xf32, #tpu.memory_space<hbm>>
    tpu.enqueue_indirect_dma source(%dma_start3A_39 : memref<327680xf32, #tpu.memory_space<hbm>>) target(%dma_start3A_34 : memref<128xf32, #tpu.memory_space<vmem>>) offsets(%dma_start3A_37 : memref<128xi32, #tpu.memory_space<vmem>>) semaphore(%arg11 : memref<!tpu.dma_semaphore, #tpu.memory_space<semaphore_mem>>)
    %dma_start3A_40 = arith.constant 2 : i32
    %dma_start3A_41 = arith.constant 2 : i32
    %dma_start3A_42 = arith.constant 0 : i32
    %dma_start3A_43 = tpu.memref_slice %arg8[%dma_start3A_41, %dma_start3A_42] : memref<3x128xf32, #tpu.memory_space<vmem>> -> memref<1x128xf32, #tpu.memory_space<vmem>>
    %dma_start3A_44 = tpu.memref_squeeze %dma_start3A_43 : memref<1x128xf32, #tpu.memory_space<vmem>> -> memref<128xf32, #tpu.memory_space<vmem>>
    %dma_start3A_45 = arith.constant 0 : i32
    %dma_start3A_46 = tpu.memref_slice %arg6[%dma_start3A_40, %dma_start3A_45] : memref<3x128xi32, #tpu.memory_space<vmem>> -> memref<1x128xi32, #tpu.memory_space<vmem>>
    %dma_start3A_47 = tpu.memref_squeeze %dma_start3A_46 : memref<1x128xi32, #tpu.memory_space<vmem>> -> memref<128xi32, #tpu.memory_space<vmem>>
    %dma_start3A_48 = arith.constant 0 : i32
    %dma_start3A_49 = tpu.memref_slice %arg2[%dma_start3A_48] : memref<327680xf32, #tpu.memory_space<hbm>> -> memref<327680xf32, #tpu.memory_space<hbm>>
    tpu.enqueue_indirect_dma source(%dma_start3A_49 : memref<327680xf32, #tpu.memory_space<hbm>>) target(%dma_start3A_44 : memref<128xf32, #tpu.memory_space<vmem>>) offsets(%dma_start3A_47 : memref<128xi32, #tpu.memory_space<vmem>>) semaphore(%arg11 : memref<!tpu.dma_semaphore, #tpu.memory_space<semaphore_mem>>)
    %dma_start3A_50 = arith.constant 2 : i32
    %dma_start3A_51 = arith.constant 2 : i32
    %dma_start3A_52 = arith.constant 0 : i32
    %dma_start3A_53 = tpu.memref_slice %arg9[%dma_start3A_51, %dma_start3A_52] : memref<3x128xf32, #tpu.memory_space<vmem>> -> memref<1x128xf32, #tpu.memory_space<vmem>>
    %dma_start3A_54 = tpu.memref_squeeze %dma_start3A_53 : memref<1x128xf32, #tpu.memory_space<vmem>> -> memref<128xf32, #tpu.memory_space<vmem>>
    %dma_start3A_55 = arith.constant 0 : i32
    %dma_start3A_56 = tpu.memref_slice %arg7[%dma_start3A_50, %dma_start3A_55] : memref<3x128xi32, #tpu.memory_space<vmem>> -> memref<1x128xi32, #tpu.memory_space<vmem>>
    %dma_start3A_57 = tpu.memref_squeeze %dma_start3A_56 : memref<1x128xi32, #tpu.memory_space<vmem>> -> memref<128xi32, #tpu.memory_space<vmem>>
    %dma_start3A_58 = arith.constant 0 : i32
    %dma_start3A_59 = tpu.memref_slice %arg2[%dma_start3A_58] : memref<327680xf32, #tpu.memory_space<hbm>> -> memref<327680xf32, #tpu.memory_space<hbm>>
    tpu.enqueue_indirect_dma source(%dma_start3A_59 : memref<327680xf32, #tpu.memory_space<hbm>>) target(%dma_start3A_54 : memref<128xf32, #tpu.memory_space<vmem>>) offsets(%dma_start3A_57 : memref<128xi32, #tpu.memory_space<vmem>>) semaphore(%arg11 : memref<!tpu.dma_semaphore, #tpu.memory_space<semaphore_mem>>)
    %dma_wait3A = arith.constant 0 : i32
    %dma_wait3A_60 = arith.constant 0 : i32
    %dma_wait3A_61 = arith.constant 0 : i32
    %dma_wait3A_62 = tpu.memref_slice %arg8[%dma_wait3A_60, %dma_wait3A_61] : memref<3x128xf32, #tpu.memory_space<vmem>> -> memref<1x128xf32, #tpu.memory_space<vmem>>
    %dma_wait3A_63 = tpu.memref_squeeze %dma_wait3A_62 : memref<1x128xf32, #tpu.memory_space<vmem>> -> memref<128xf32, #tpu.memory_space<vmem>>
    %dma_wait3A_64 = arith.constant 0 : i32
    %dma_wait3A_65 = tpu.memref_slice %arg6[%dma_wait3A, %dma_wait3A_64] : memref<3x128xi32, #tpu.memory_space<vmem>> -> memref<1x128xi32, #tpu.memory_space<vmem>>
    %dma_wait3A_66 = tpu.memref_squeeze %dma_wait3A_65 : memref<1x128xi32, #tpu.memory_space<vmem>> -> memref<128xi32, #tpu.memory_space<vmem>>
    %dma_wait3A_67 = arith.constant 0 : i32
    %dma_wait3A_68 = tpu.memref_slice %arg2[%dma_wait3A_67] : memref<327680xf32, #tpu.memory_space<hbm>> -> memref<327680xf32, #tpu.memory_space<hbm>>
    tpu.wait_indirect_dma semaphore(%arg11 : memref<!tpu.dma_semaphore, #tpu.memory_space<semaphore_mem>>) src(%dma_wait3A_68 : memref<327680xf32, #tpu.memory_space<hbm>>) dst(%dma_wait3A_63 : memref<128xf32, #tpu.memory_space<vmem>>)
    %dma_wait3A_69 = arith.constant 0 : i32
    %dma_wait3A_70 = arith.constant 0 : i32
    %dma_wait3A_71 = arith.constant 0 : i32
    %dma_wait3A_72 = tpu.memref_slice %arg9[%dma_wait3A_70, %dma_wait3A_71] : memref<3x128xf32, #tpu.memory_space<vmem>> -> memref<1x128xf32, #tpu.memory_space<vmem>>
    %dma_wait3A_73 = tpu.memref_squeeze %dma_wait3A_72 : memref<1x128xf32, #tpu.memory_space<vmem>> -> memref<128xf32, #tpu.memory_space<vmem>>
    %dma_wait3A_74 = arith.constant 0 : i32
    %dma_wait3A_75 = tpu.memref_slice %arg7[%dma_wait3A_69, %dma_wait3A_74] : memref<3x128xi32, #tpu.memory_space<vmem>> -> memref<1x128xi32, #tpu.memory_space<vmem>>
    %dma_wait3A_76 = tpu.memref_squeeze %dma_wait3A_75 : memref<1x128xi32, #tpu.memory_space<vmem>> -> memref<128xi32, #tpu.memory_space<vmem>>
    %dma_wait3A_77 = arith.constant 0 : i32
    %dma_wait3A_78 = tpu.memref_slice %arg2[%dma_wait3A_77] : memref<327680xf32, #tpu.memory_space<hbm>> -> memref<327680xf32, #tpu.memory_space<hbm>>
    tpu.wait_indirect_dma semaphore(%arg11 : memref<!tpu.dma_semaphore, #tpu.memory_space<semaphore_mem>>) src(%dma_wait3A_78 : memref<327680xf32, #tpu.memory_space<hbm>>) dst(%dma_wait3A_73 : memref<128xf32, #tpu.memory_space<vmem>>)
    %dma_wait3A_79 = arith.constant 1 : i32
    %dma_wait3A_80 = arith.constant 1 : i32
    %dma_wait3A_81 = arith.constant 0 : i32
    %dma_wait3A_82 = tpu.memref_slice %arg8[%dma_wait3A_80, %dma_wait3A_81] : memref<3x128xf32, #tpu.memory_space<vmem>> -> memref<1x128xf32, #tpu.memory_space<vmem>>
    %dma_wait3A_83 = tpu.memref_squeeze %dma_wait3A_82 : memref<1x128xf32, #tpu.memory_space<vmem>> -> memref<128xf32, #tpu.memory_space<vmem>>
    %dma_wait3A_84 = arith.constant 0 : i32
    %dma_wait3A_85 = tpu.memref_slice %arg6[%dma_wait3A_79, %dma_wait3A_84] : memref<3x128xi32, #tpu.memory_space<vmem>> -> memref<1x128xi32, #tpu.memory_space<vmem>>
    %dma_wait3A_86 = tpu.memref_squeeze %dma_wait3A_85 : memref<1x128xi32, #tpu.memory_space<vmem>> -> memref<128xi32, #tpu.memory_space<vmem>>
    %dma_wait3A_87 = arith.constant 0 : i32
    %dma_wait3A_88 = tpu.memref_slice %arg2[%dma_wait3A_87] : memref<327680xf32, #tpu.memory_space<hbm>> -> memref<327680xf32, #tpu.memory_space<hbm>>
    tpu.wait_indirect_dma semaphore(%arg11 : memref<!tpu.dma_semaphore, #tpu.memory_space<semaphore_mem>>) src(%dma_wait3A_88 : memref<327680xf32, #tpu.memory_space<hbm>>) dst(%dma_wait3A_83 : memref<128xf32, #tpu.memory_space<vmem>>)
    %dma_wait3A_89 = arith.constant 1 : i32
    %dma_wait3A_90 = arith.constant 1 : i32
    %dma_wait3A_91 = arith.constant 0 : i32
    %dma_wait3A_92 = tpu.memref_slice %arg9[%dma_wait3A_90, %dma_wait3A_91] : memref<3x128xf32, #tpu.memory_space<vmem>> -> memref<1x128xf32, #tpu.memory_space<vmem>>
    %dma_wait3A_93 = tpu.memref_squeeze %dma_wait3A_92 : memref<1x128xf32, #tpu.memory_space<vmem>> -> memref<128xf32, #tpu.memory_space<vmem>>
    %dma_wait3A_94 = arith.constant 0 : i32
    %dma_wait3A_95 = tpu.memref_slice %arg7[%dma_wait3A_89, %dma_wait3A_94] : memref<3x128xi32, #tpu.memory_space<vmem>> -> memref<1x128xi32, #tpu.memory_space<vmem>>
    %dma_wait3A_96 = tpu.memref_squeeze %dma_wait3A_95 : memref<1x128xi32, #tpu.memory_space<vmem>> -> memref<128xi32, #tpu.memory_space<vmem>>
    %dma_wait3A_97 = arith.constant 0 : i32
    %dma_wait3A_98 = tpu.memref_slice %arg2[%dma_wait3A_97] : memref<327680xf32, #tpu.memory_space<hbm>> -> memref<327680xf32, #tpu.memory_space<hbm>>
    tpu.wait_indirect_dma semaphore(%arg11 : memref<!tpu.dma_semaphore, #tpu.memory_space<semaphore_mem>>) src(%dma_wait3A_98 : memref<327680xf32, #tpu.memory_space<hbm>>) dst(%dma_wait3A_93 : memref<128xf32, #tpu.memory_space<vmem>>)
    %dma_wait3A_99 = arith.constant 2 : i32
    %dma_wait3A_100 = arith.constant 2 : i32
    %dma_wait3A_101 = arith.constant 0 : i32
    %dma_wait3A_102 = tpu.memref_slice %arg8[%dma_wait3A_100, %dma_wait3A_101] : memref<3x128xf32, #tpu.memory_space<vmem>> -> memref<1x128xf32, #tpu.memory_space<vmem>>
    %dma_wait3A_103 = tpu.memref_squeeze %dma_wait3A_102 : memref<1x128xf32, #tpu.memory_space<vmem>> -> memref<128xf32, #tpu.memory_space<vmem>>
    %dma_wait3A_104 = arith.constant 0 : i32
    %dma_wait3A_105 = tpu.memref_slice %arg6[%dma_wait3A_99, %dma_wait3A_104] : memref<3x128xi32, #tpu.memory_space<vmem>> -> memref<1x128xi32, #tpu.memory_space<vmem>>
    %dma_wait3A_106 = tpu.memref_squeeze %dma_wait3A_105 : memref<1x128xi32, #tpu.memory_space<vmem>> -> memref<128xi32, #tpu.memory_space<vmem>>
    %dma_wait3A_107 = arith.constant 0 : i32
    %dma_wait3A_108 = tpu.memref_slice %arg2[%dma_wait3A_107] : memref<327680xf32, #tpu.memory_space<hbm>> -> memref<327680xf32, #tpu.memory_space<hbm>>
    tpu.wait_indirect_dma semaphore(%arg11 : memref<!tpu.dma_semaphore, #tpu.memory_space<semaphore_mem>>) src(%dma_wait3A_108 : memref<327680xf32, #tpu.memory_space<hbm>>) dst(%dma_wait3A_103 : memref<128xf32, #tpu.memory_space<vmem>>)
    %dma_wait3A_109 = arith.constant 2 : i32
    %dma_wait3A_110 = arith.constant 2 : i32
    %dma_wait3A_111 = arith.constant 0 : i32
    %dma_wait3A_112 = tpu.memref_slice %arg9[%dma_wait3A_110, %dma_wait3A_111] : memref<3x128xf32, #tpu.memory_space<vmem>> -> memref<1x128xf32, #tpu.memory_space<vmem>>
    %dma_wait3A_113 = tpu.memref_squeeze %dma_wait3A_112 : memref<1x128xf32, #tpu.memory_space<vmem>> -> memref<128xf32, #tpu.memory_space<vmem>>
    %dma_wait3A_114 = arith.constant 0 : i32
    %dma_wait3A_115 = tpu.memref_slice %arg7[%dma_wait3A_109, %dma_wait3A_114] : memref<3x128xi32, #tpu.memory_space<vmem>> -> memref<1x128xi32, #tpu.memory_space<vmem>>
    %dma_wait3A_116 = tpu.memref_squeeze %dma_wait3A_115 : memref<1x128xi32, #tpu.memory_space<vmem>> -> memref<128xi32, #tpu.memory_space<vmem>>
    %dma_wait3A_117 = arith.constant 0 : i32
    %dma_wait3A_118 = tpu.memref_slice %arg2[%dma_wait3A_117] : memref<327680xf32, #tpu.memory_space<hbm>> -> memref<327680xf32, #tpu.memory_space<hbm>>
    tpu.wait_indirect_dma semaphore(%arg11 : memref<!tpu.dma_semaphore, #tpu.memory_space<semaphore_mem>>) src(%dma_wait3A_118 : memref<327680xf32, #tpu.memory_space<hbm>>) dst(%dma_wait3A_113 : memref<128xf32, #tpu.memory_space<vmem>>)
    %get3A = arith.constant 0 : i32
    %get3A_119 = arith.index_cast %get3A : i32 to index
    %get3A_120 = arith.constant 0 : index
    %get3A_121 = tpu.vector_load %arg6[%get3A_119, %get3A_120] {strides = array<i32>} : memref<3x128xi32, #tpu.memory_space<vmem>>, vector<1x16xi32>,
    %get3A_122 = vector.shape_cast %get3A_121 : vector<1x16xi32> to vector<16xi32>
    %get3A_123 = arith.constant 0 : i32
    %get3A_124 = arith.index_cast %get3A_123 : i32 to index
    %get3A_125 = arith.constant 0 : index
    %get3A_126 = tpu.vector_load %arg7[%get3A_124, %get3A_125] {strides = array<i32>} : memref<3x128xi32, #tpu.memory_space<vmem>>, vector<1x16xi32>,
    %get3A_127 = vector.shape_cast %get3A_126 : vector<1x16xi32> to vector<16xi32>
    %sub3A = arith.subi %get3A_127, %get3A_122 : vector<16xi32>
    %convert_element_type3A = arith.sitofp %sub3A : vector<16xi32> to vector<16xf32>
    %get3A_128 = arith.constant 0 : i32
    %get3A_129 = arith.index_cast %get3A_128 : i32 to index
    %get3A_130 = arith.constant 0 : index
    %get3A_131 = tpu.vector_load %arg9[%get3A_129, %get3A_130] {strides = array<i32>} : memref<3x128xf32, #tpu.memory_space<vmem>>, vector<1x16xf32>,
    %get3A_132 = vector.shape_cast %get3A_131 : vector<1x16xf32> to vector<16xf32>
    %get3A_133 = arith.constant 0 : i32
    %get3A_134 = arith.index_cast %get3A_133 : i32 to index
    %get3A_135 = arith.constant 0 : index
    %get3A_136 = tpu.vector_load %arg8[%get3A_134, %get3A_135] {strides = array<i32>} : memref<3x128xf32, #tpu.memory_space<vmem>>, vector<1x16xf32>,
    %get3A_137 = vector.shape_cast %get3A_136 : vector<1x16xf32> to vector<16xf32>
    %sub3A_138 = arith.subf %get3A_132, %get3A_137 : vector<16xf32>
    %max3A = arith.constant 1.000000e+00 : f32
    %max3A_139 = vector.broadcast %max3A : f32 to vector<16xf32>
    %max3A_140 = arith.maximumf %convert_element_type3A, %max3A_139 : vector<16xf32>
    %div3A = arith.divf %sub3A_138, %max3A_140 : vector<16xf32>
    %swap3A = arith.constant 0 : i32
    %swap3A_141 = arith.index_cast %swap3A : i32 to index
    %swap3A_142 = arith.constant 0 : index
    %swap3A_143 = tpu.vector_load %arg10[%swap3A_141, %swap3A_142] {strides = array<i32>} : memref<3x128xf32, #tpu.memory_space<vmem>>, vector<1x16xf32>,
    %swap3A_144 = vector.shape_cast %swap3A_143 : vector<1x16xf32> to vector<16xf32>
    %swap3A_145 = vector.shape_cast %div3A : vector<16xf32> to vector<1x16xf32>
    tpu.vector_store %arg10[%swap3A_141, %swap3A_142], %swap3A_145 {strides = array<i32>} : memref<3x128xf32, #tpu.memory_space<vmem>>, vector<1x16xf32>,
    %get3A_146 = arith.constant 0 : i32
    %get3A_147 = arith.index_cast %get3A_146 : i32 to index
    %get3A_148 = arith.constant 16 : index
    %get3A_149 = tpu.vector_load %arg6[%get3A_147, %get3A_148] {strides = array<i32>} : memref<3x128xi32, #tpu.memory_space<vmem>>, vector<1x16xi32>,
    %get3A_150 = vector.shape_cast %get3A_149 : vector<1x16xi32> to vector<16xi32>
    %get3A_151 = arith.constant 0 : i32
    %get3A_152 = arith.index_cast %get3A_151 : i32 to index
    %get3A_153 = arith.constant 16 : index
    %get3A_154 = tpu.vector_load %arg7[%get3A_152, %get3A_153] {strides = array<i32>} : memref<3x128xi32, #tpu.memory_space<vmem>>, vector<1x16xi32>,
    %get3A_155 = vector.shape_cast %get3A_154 : vector<1x16xi32> to vector<16xi32>
    %sub3A_156 = arith.subi %get3A_155, %get3A_150 : vector<16xi32>
    %convert_element_type3A_157 = arith.sitofp %sub3A_156 : vector<16xi32> to vector<16xf32>
    %get3A_158 = arith.constant 0 : i32
    %get3A_159 = arith.index_cast %get3A_158 : i32 to index
    %get3A_160 = arith.constant 16 : index
    %get3A_161 = tpu.vector_load %arg9[%get3A_159, %get3A_160] {strides = array<i32>} : memref<3x128xf32, #tpu.memory_space<vmem>>, vector<1x16xf32>,
    %get3A_162 = vector.shape_cast %get3A_161 : vector<1x16xf32> to vector<16xf32>
    %get3A_163 = arith.constant 0 : i32
    %get3A_164 = arith.index_cast %get3A_163 : i32 to index
    %get3A_165 = arith.constant 16 : index
    %get3A_166 = tpu.vector_load %arg8[%get3A_164, %get3A_165] {strides = array<i32>} : memref<3x128xf32, #tpu.memory_space<vmem>>, vector<1x16xf32>,
    %get3A_167 = vector.shape_cast %get3A_166 : vector<1x16xf32> to vector<16xf32>
    %sub3A_168 = arith.subf %get3A_162, %get3A_167 : vector<16xf32>
    %max3A_169 = arith.constant 1.000000e+00 : f32
    %max3A_170 = vector.broadcast %max3A_169 : f32 to vector<16xf32>
    %max3A_171 = arith.maximumf %convert_element_type3A_157, %max3A_170 : vector<16xf32>
    %div3A_172 = arith.divf %sub3A_168, %max3A_171 : vector<16xf32>
    %swap3A_173 = arith.constant 0 : i32
    %swap3A_174 = arith.index_cast %swap3A_173 : i32 to index
    %swap3A_175 = arith.constant 16 : index
    %swap3A_176 = tpu.vector_load %arg10[%swap3A_174, %swap3A_175] {strides = array<i32>} : memref<3x128xf32, #tpu.memory_space<vmem>>, vector<1x16xf32>,
    %swap3A_177 = vector.shape_cast %swap3A_176 : vector<1x16xf32> to vector<16xf32>
    %swap3A_178 = vector.shape_cast %div3A_172 : vector<16xf32> to vector<1x16xf32>
    tpu.vector_store %arg10[%swap3A_174, %swap3A_175], %swap3A_178 {strides = array<i32>} : memref<3x128xf32, #tpu.memory_space<vmem>>, vector<1x16xf32>,
    %get3A_179 = arith.constant 0 : i32
    %get3A_180 = arith.index_cast %get3A_179 : i32 to index
    %get3A_181 = arith.constant 32 : index
    %get3A_182 = tpu.vector_load %arg6[%get3A_180, %get3A_181] {strides = array<i32>} : memref<3x128xi32, #tpu.memory_space<vmem>>, vector<1x16xi32>,
    %get3A_183 = vector.shape_cast %get3A_182 : vector<1x16xi32> to vector<16xi32>
    %get3A_184 = arith.constant 0 : i32
    %get3A_185 = arith.index_cast %get3A_184 : i32 to index
    %get3A_186 = arith.constant 32 : index
    %get3A_187 = tpu.vector_load %arg7[%get3A_185, %get3A_186] {strides = array<i32>} : memref<3x128xi32, #tpu.memory_space<vmem>>, vector<1x16xi32>,
    %get3A_188 = vector.shape_cast %get3A_187 : vector<1x16xi32> to vector<16xi32>
    %sub3A_189 = arith.subi %get3A_188, %get3A_183 : vector<16xi32>
    %convert_element_type3A_190 = arith.sitofp %sub3A_189 : vector<16xi32> to vector<16xf32>
    %get3A_191 = arith.constant 0 : i32
    %get3A_192 = arith.index_cast %get3A_191 : i32 to index
    %get3A_193 = arith.constant 32 : index
    %get3A_194 = tpu.vector_load %arg9[%get3A_192, %get3A_193] {strides = array<i32>} : memref<3x128xf32, #tpu.memory_space<vmem>>, vector<1x16xf32>,
    %get3A_195 = vector.shape_cast %get3A_194 : vector<1x16xf32> to vector<16xf32>
    %get3A_196 = arith.constant 0 : i32
    %get3A_197 = arith.index_cast %get3A_196 : i32 to index
    %get3A_198 = arith.constant 32 : index
    %get3A_199 = tpu.vector_load %arg8[%get3A_197, %get3A_198] {strides = array<i32>} : memref<3x128xf32, #tpu.memory_space<vmem>>, vector<1x16xf32>,
    %get3A_200 = vector.shape_cast %get3A_199 : vector<1x16xf32> to vector<16xf32>
    %sub3A_201 = arith.subf %get3A_195, %get3A_200 : vector<16xf32>
    %max3A_202 = arith.constant 1.000000e+00 : f32
    %max3A_203 = vector.broadcast %max3A_202 : f32 to vector<16xf32>
    %max3A_204 = arith.maximumf %convert_element_type3A_190, %max3A_203 : vector<16xf32>
    %div3A_205 = arith.divf %sub3A_201, %max3A_204 : vector<16xf32>
    %swap3A_206 = arith.constant 0 : i32
    %swap3A_207 = arith.index_cast %swap3A_206 : i32 to index
    %swap3A_208 = arith.constant 32 : index
    %swap3A_209 = tpu.vector_load %arg10[%swap3A_207, %swap3A_208] {strides = array<i32>} : memref<3x128xf32, #tpu.memory_space<vmem>>, vector<1x16xf32>,
    %swap3A_210 = vector.shape_cast %swap3A_209 : vector<1x16xf32> to vector<16xf32>
    %swap3A_211 = vector.shape_cast %div3A_205 : vector<16xf32> to vector<1x16xf32>
    tpu.vector_store %arg10[%swap3A_207, %swap3A_208], %swap3A_211 {strides = array<i32>} : memref<3x128xf32, #tpu.memory_space<vmem>>, vector<1x16xf32>,
    %get3A_212 = arith.constant 0 : i32
    %get3A_213 = arith.index_cast %get3A_212 : i32 to index
    %get3A_214 = arith.constant 48 : index
    %get3A_215 = tpu.vector_load %arg6[%get3A_213, %get3A_214] {strides = array<i32>} : memref<3x128xi32, #tpu.memory_space<vmem>>, vector<1x16xi32>,
    %get3A_216 = vector.shape_cast %get3A_215 : vector<1x16xi32> to vector<16xi32>
    %get3A_217 = arith.constant 0 : i32
    %get3A_218 = arith.index_cast %get3A_217 : i32 to index
    %get3A_219 = arith.constant 48 : index
    %get3A_220 = tpu.vector_load %arg7[%get3A_218, %get3A_219] {strides = array<i32>} : memref<3x128xi32, #tpu.memory_space<vmem>>, vector<1x16xi32>,
    %get3A_221 = vector.shape_cast %get3A_220 : vector<1x16xi32> to vector<16xi32>
    %sub3A_222 = arith.subi %get3A_221, %get3A_216 : vector<16xi32>
    %convert_element_type3A_223 = arith.sitofp %sub3A_222 : vector<16xi32> to vector<16xf32>
    %get3A_224 = arith.constant 0 : i32
    %get3A_225 = arith.index_cast %get3A_224 : i32 to index
    %get3A_226 = arith.constant 48 : index
    %get3A_227 = tpu.vector_load %arg9[%get3A_225, %get3A_226] {strides = array<i32>} : memref<3x128xf32, #tpu.memory_space<vmem>>, vector<1x16xf32>,
    %get3A_228 = vector.shape_cast %get3A_227 : vector<1x16xf32> to vector<16xf32>
    %get3A_229 = arith.constant 0 : i32
    %get3A_230 = arith.index_cast %get3A_229 : i32 to index
    %get3A_231 = arith.constant 48 : index
    %get3A_232 = tpu.vector_load %arg8[%get3A_230, %get3A_231] {strides = array<i32>} : memref<3x128xf32, #tpu.memory_space<vmem>>, vector<1x16xf32>,
    %get3A_233 = vector.shape_cast %get3A_232 : vector<1x16xf32> to vector<16xf32>
    %sub3A_234 = arith.subf %get3A_228, %get3A_233 : vector<16xf32>
    %max3A_235 = arith.constant 1.000000e+00 : f32
    %max3A_236 = vector.broadcast %max3A_235 : f32 to vector<16xf32>
    %max3A_237 = arith.maximumf %convert_element_type3A_223, %max3A_236 : vector<16xf32>
    %div3A_238 = arith.divf %sub3A_234, %max3A_237 : vector<16xf32>
    %swap3A_239 = arith.constant 0 : i32
    %swap3A_240 = arith.index_cast %swap3A_239 : i32 to index
    %swap3A_241 = arith.constant 48 : index
    %swap3A_242 = tpu.vector_load %arg10[%swap3A_240, %swap3A_241] {strides = array<i32>} : memref<3x128xf32, #tpu.memory_space<vmem>>, vector<1x16xf32>,
    %swap3A_243 = vector.shape_cast %swap3A_242 : vector<1x16xf32> to vector<16xf32>
    %swap3A_244 = vector.shape_cast %div3A_238 : vector<16xf32> to vector<1x16xf32>
    tpu.vector_store %arg10[%swap3A_240, %swap3A_241], %swap3A_244 {strides = array<i32>} : memref<3x128xf32, #tpu.memory_space<vmem>>, vector<1x16xf32>,
    %get3A_245 = arith.constant 0 : i32
    %get3A_246 = arith.index_cast %get3A_245 : i32 to index
    %get3A_247 = arith.constant 64 : index
    %get3A_248 = tpu.vector_load %arg6[%get3A_246, %get3A_247] {strides = array<i32>} : memref<3x128xi32, #tpu.memory_space<vmem>>, vector<1x16xi32>,
    %get3A_249 = vector.shape_cast %get3A_248 : vector<1x16xi32> to vector<16xi32>
    %get3A_250 = arith.constant 0 : i32
    %get3A_251 = arith.index_cast %get3A_250 : i32 to index
    %get3A_252 = arith.constant 64 : index
    %get3A_253 = tpu.vector_load %arg7[%get3A_251, %get3A_252] {strides = array<i32>} : memref<3x128xi32, #tpu.memory_space<vmem>>, vector<1x16xi32>,
    %get3A_254 = vector.shape_cast %get3A_253 : vector<1x16xi32> to vector<16xi32>
    %sub3A_255 = arith.subi %get3A_254, %get3A_249 : vector<16xi32>
    %convert_element_type3A_256 = arith.sitofp %sub3A_255 : vector<16xi32> to vector<16xf32>
    %get3A_257 = arith.constant 0 : i32
    %get3A_258 = arith.index_cast %get3A_257 : i32 to index
    %get3A_259 = arith.constant 64 : index
    %get3A_260 = tpu.vector_load %arg9[%get3A_258, %get3A_259] {strides = array<i32>} : memref<3x128xf32, #tpu.memory_space<vmem>>, vector<1x16xf32>,
    %get3A_261 = vector.shape_cast %get3A_260 : vector<1x16xf32> to vector<16xf32>
    %get3A_262 = arith.constant 0 : i32
    %get3A_263 = arith.index_cast %get3A_262 : i32 to index
    %get3A_264 = arith.constant 64 : index
    %get3A_265 = tpu.vector_load %arg8[%get3A_263, %get3A_264] {strides = array<i32>} : memref<3x128xf32, #tpu.memory_space<vmem>>, vector<1x16xf32>,
    %get3A_266 = vector.shape_cast %get3A_265 : vector<1x16xf32> to vector<16xf32>
    %sub3A_267 = arith.subf %get3A_261, %get3A_266 : vector<16xf32>
    %max3A_268 = arith.constant 1.000000e+00 : f32
    %max3A_269 = vector.broadcast %max3A_268 : f32 to vector<16xf32>
    %max3A_270 = arith.maximumf %convert_element_type3A_256, %max3A_269 : vector<16xf32>
    %div3A_271 = arith.divf %sub3A_267, %max3A_270 : vector<16xf32>
    %swap3A_272 = arith.constant 0 : i32
    %swap3A_273 = arith.index_cast %swap3A_272 : i32 to index
    %swap3A_274 = arith.constant 64 : index
    %swap3A_275 = tpu.vector_load %arg10[%swap3A_273, %swap3A_274] {strides = array<i32>} : memref<3x128xf32, #tpu.memory_space<vmem>>, vector<1x16xf32>,
    %swap3A_276 = vector.shape_cast %swap3A_275 : vector<1x16xf32> to vector<16xf32>
    %swap3A_277 = vector.shape_cast %div3A_271 : vector<16xf32> to vector<1x16xf32>
    tpu.vector_store %arg10[%swap3A_273, %swap3A_274], %swap3A_277 {strides = array<i32>} : memref<3x128xf32, #tpu.memory_space<vmem>>, vector<1x16xf32>,
    %get3A_278 = arith.constant 0 : i32
    %get3A_279 = arith.index_cast %get3A_278 : i32 to index
    %get3A_280 = arith.constant 80 : index
    %get3A_281 = tpu.vector_load %arg6[%get3A_279, %get3A_280] {strides = array<i32>} : memref<3x128xi32, #tpu.memory_space<vmem>>, vector<1x16xi32>,
    %get3A_282 = vector.shape_cast %get3A_281 : vector<1x16xi32> to vector<16xi32>
    %get3A_283 = arith.constant 0 : i32
    %get3A_284 = arith.index_cast %get3A_283 : i32 to index
    %get3A_285 = arith.constant 80 : index
    %get3A_286 = tpu.vector_load %arg7[%get3A_284, %get3A_285] {strides = array<i32>} : memref<3x128xi32, #tpu.memory_space<vmem>>, vector<1x16xi32>,
    %get3A_287 = vector.shape_cast %get3A_286 : vector<1x16xi32> to vector<16xi32>
    %sub3A_288 = arith.subi %get3A_287, %get3A_282 : vector<16xi32>
    %convert_element_type3A_289 = arith.sitofp %sub3A_288 : vector<16xi32> to vector<16xf32>
    %get3A_290 = arith.constant 0 : i32
    %get3A_291 = arith.index_cast %get3A_290 : i32 to index
    %get3A_292 = arith.constant 80 : index
    %get3A_293 = tpu.vector_load %arg9[%get3A_291, %get3A_292] {strides = array<i32>} : memref<3x128xf32, #tpu.memory_space<vmem>>, vector<1x16xf32>,
    %get3A_294 = vector.shape_cast %get3A_293 : vector<1x16xf32> to vector<16xf32>
    %get3A_295 = arith.constant 0 : i32
    %get3A_296 = arith.index_cast %get3A_295 : i32 to index
    %get3A_297 = arith.constant 80 : index
    %get3A_298 = tpu.vector_load %arg8[%get3A_296, %get3A_297] {strides = array<i32>} : memref<3x128xf32, #tpu.memory_space<vmem>>, vector<1x16xf32>,
    %get3A_299 = vector.shape_cast %get3A_298 : vector<1x16xf32> to vector<16xf32>
    %sub3A_300 = arith.subf %get3A_294, %get3A_299 : vector<16xf32>
    %max3A_301 = arith.constant 1.000000e+00 : f32
    %max3A_302 = vector.broadcast %max3A_301 : f32 to vector<16xf32>
    %max3A_303 = arith.maximumf %convert_element_type3A_289, %max3A_302 : vector<16xf32>
    %div3A_304 = arith.divf %sub3A_300, %max3A_303 : vector<16xf32>
    %swap3A_305 = arith.constant 0 : i32
    %swap3A_306 = arith.index_cast %swap3A_305 : i32 to index
    %swap3A_307 = arith.constant 80 : index
    %swap3A_308 = tpu.vector_load %arg10[%swap3A_306, %swap3A_307] {strides = array<i32>} : memref<3x128xf32, #tpu.memory_space<vmem>>, vector<1x16xf32>,
    %swap3A_309 = vector.shape_cast %swap3A_308 : vector<1x16xf32> to vector<16xf32>
    %swap3A_310 = vector.shape_cast %div3A_304 : vector<16xf32> to vector<1x16xf32>
    tpu.vector_store %arg10[%swap3A_306, %swap3A_307], %swap3A_310 {strides = array<i32>} : memref<3x128xf32, #tpu.memory_space<vmem>>, vector<1x16xf32>,
    %get3A_311 = arith.constant 0 : i32
    %get3A_312 = arith.index_cast %get3A_311 : i32 to index
    %get3A_313 = arith.constant 96 : index
    %get3A_314 = tpu.vector_load %arg6[%get3A_312, %get3A_313] {strides = array<i32>} : memref<3x128xi32, #tpu.memory_space<vmem>>, vector<1x16xi32>,
    %get3A_315 = vector.shape_cast %get3A_314 : vector<1x16xi32> to vector<16xi32>
    %get3A_316 = arith.constant 0 : i32
    %get3A_317 = arith.index_cast %get3A_316 : i32 to index
    %get3A_318 = arith.constant 96 : index
    %get3A_319 = tpu.vector_load %arg7[%get3A_317, %get3A_318] {strides = array<i32>} : memref<3x128xi32, #tpu.memory_space<vmem>>, vector<1x16xi32>,
    %get3A_320 = vector.shape_cast %get3A_319 : vector<1x16xi32> to vector<16xi32>
    %sub3A_321 = arith.subi %get3A_320, %get3A_315 : vector<16xi32>
    %convert_element_type3A_322 = arith.sitofp %sub3A_321 : vector<16xi32> to vector<16xf32>
    %get3A_323 = arith.constant 0 : i32
    %get3A_324 = arith.index_cast %get3A_323 : i32 to index
    %get3A_325 = arith.constant 96 : index
    %get3A_326 = tpu.vector_load %arg9[%get3A_324, %get3A_325] {strides = array<i32>} : memref<3x128xf32, #tpu.memory_space<vmem>>, vector<1x16xf32>,
    %get3A_327 = vector.shape_cast %get3A_326 : vector<1x16xf32> to vector<16xf32>
    %get3A_328 = arith.constant 0 : i32
    %get3A_329 = arith.index_cast %get3A_328 : i32 to index
    %get3A_330 = arith.constant 96 : index
    %get3A_331 = tpu.vector_load %arg8[%get3A_329, %get3A_330] {strides = array<i32>} : memref<3x128xf32, #tpu.memory_space<vmem>>, vector<1x16xf32>,
    %get3A_332 = vector.shape_cast %get3A_331 : vector<1x16xf32> to vector<16xf32>
    %sub3A_333 = arith.subf %get3A_327, %get3A_332 : vector<16xf32>
    %max3A_334 = arith.constant 1.000000e+00 : f32
    %max3A_335 = vector.broadcast %max3A_334 : f32 to vector<16xf32>
    %max3A_336 = arith.maximumf %convert_element_type3A_322, %max3A_335 : vector<16xf32>
    %div3A_337 = arith.divf %sub3A_333, %max3A_336 : vector<16xf32>
    %swap3A_338 = arith.constant 0 : i32
    %swap3A_339 = arith.index_cast %swap3A_338 : i32 to index
    %swap3A_340 = arith.constant 96 : index
    %swap3A_341 = tpu.vector_load %arg10[%swap3A_339, %swap3A_340] {strides = array<i32>} : memref<3x128xf32, #tpu.memory_space<vmem>>, vector<1x16xf32>,
    %swap3A_342 = vector.shape_cast %swap3A_341 : vector<1x16xf32> to vector<16xf32>
    %swap3A_343 = vector.shape_cast %div3A_337 : vector<16xf32> to vector<1x16xf32>
    tpu.vector_store %arg10[%swap3A_339, %swap3A_340], %swap3A_343 {strides = array<i32>} : memref<3x128xf32, #tpu.memory_space<vmem>>, vector<1x16xf32>,
    %get3A_344 = arith.constant 0 : i32
    %get3A_345 = arith.index_cast %get3A_344 : i32 to index
    %get3A_346 = arith.constant 112 : index
    %get3A_347 = tpu.vector_load %arg6[%get3A_345, %get3A_346] {strides = array<i32>} : memref<3x128xi32, #tpu.memory_space<vmem>>, vector<1x16xi32>,
    %get3A_348 = vector.shape_cast %get3A_347 : vector<1x16xi32> to vector<16xi32>
    %get3A_349 = arith.constant 0 : i32
    %get3A_350 = arith.index_cast %get3A_349 : i32 to index
    %get3A_351 = arith.constant 112 : index
    %get3A_352 = tpu.vector_load %arg7[%get3A_350, %get3A_351] {strides = array<i32>} : memref<3x128xi32, #tpu.memory_space<vmem>>, vector<1x16xi32>,
    %get3A_353 = vector.shape_cast %get3A_352 : vector<1x16xi32> to vector<16xi32>
    %sub3A_354 = arith.subi %get3A_353, %get3A_348 : vector<16xi32>
    %convert_element_type3A_355 = arith.sitofp %sub3A_354 : vector<16xi32> to vector<16xf32>
    %get3A_356 = arith.constant 0 : i32
    %get3A_357 = arith.index_cast %get3A_356 : i32 to index
    %get3A_358 = arith.constant 112 : index
    %get3A_359 = tpu.vector_load %arg9[%get3A_357, %get3A_358] {strides = array<i32>} : memref<3x128xf32, #tpu.memory_space<vmem>>, vector<1x16xf32>,
    %get3A_360 = vector.shape_cast %get3A_359 : vector<1x16xf32> to vector<16xf32>
    %get3A_361 = arith.constant 0 : i32
    %get3A_362 = arith.index_cast %get3A_361 : i32 to index
    %get3A_363 = arith.constant 112 : index
    %get3A_364 = tpu.vector_load %arg8[%get3A_362, %get3A_363] {strides = array<i32>} : memref<3x128xf32, #tpu.memory_space<vmem>>, vector<1x16xf32>,
    %get3A_365 = vector.shape_cast %get3A_364 : vector<1x16xf32> to vector<16xf32>
    %sub3A_366 = arith.subf %get3A_360, %get3A_365 : vector<16xf32>
    %max3A_367 = arith.constant 1.000000e+00 : f32
    %max3A_368 = vector.broadcast %max3A_367 : f32 to vector<16xf32>
    %max3A_369 = arith.maximumf %convert_element_type3A_355, %max3A_368 : vector<16xf32>
    %div3A_370 = arith.divf %sub3A_366, %max3A_369 : vector<16xf32>
    %swap3A_371 = arith.constant 0 : i32
    %swap3A_372 = arith.index_cast %swap3A_371 : i32 to index
    %swap3A_373 = arith.constant 112 : index
    %swap3A_374 = tpu.vector_load %arg10[%swap3A_372, %swap3A_373] {strides = array<i32>} : memref<3x128xf32, #tpu.memory_space<vmem>>, vector<1x16xf32>,
    %swap3A_375 = vector.shape_cast %swap3A_374 : vector<1x16xf32> to vector<16xf32>
    %swap3A_376 = vector.shape_cast %div3A_370 : vector<16xf32> to vector<1x16xf32>
    tpu.vector_store %arg10[%swap3A_372, %swap3A_373], %swap3A_376 {strides = array<i32>} : memref<3x128xf32, #tpu.memory_space<vmem>>, vector<1x16xf32>,
    %get3A_377 = arith.constant 1 : i32
    %get3A_378 = arith.index_cast %get3A_377 : i32 to index
    %get3A_379 = arith.constant 0 : index
    %get3A_380 = tpu.vector_load %arg6[%get3A_378, %get3A_379] {strides = array<i32>} : memref<3x128xi32, #tpu.memory_space<vmem>>, vector<1x16xi32>,
    %get3A_381 = vector.shape_cast %get3A_380 : vector<1x16xi32> to vector<16xi32>
    %get3A_382 = arith.constant 1 : i32
    %get3A_383 = arith.index_cast %get3A_382 : i32 to index
    %get3A_384 = arith.constant 0 : index
    %get3A_385 = tpu.vector_load %arg7[%get3A_383, %get3A_384] {strides = array<i32>} : memref<3x128xi32, #tpu.memory_space<vmem>>, vector<1x16xi32>,
    %get3A_386 = vector.shape_cast %get3A_385 : vector<1x16xi32> to vector<16xi32>
    %sub3A_387 = arith.subi %get3A_386, %get3A_381 : vector<16xi32>
    %convert_element_type3A_388 = arith.sitofp %sub3A_387 : vector<16xi32> to vector<16xf32>
    %get3A_389 = arith.constant 1 : i32
    %get3A_390 = arith.index_cast %get3A_389 : i32 to index
    %get3A_391 = arith.constant 0 : index
    %get3A_392 = tpu.vector_load %arg9[%get3A_390, %get3A_391] {strides = array<i32>} : memref<3x128xf32, #tpu.memory_space<vmem>>, vector<1x16xf32>,
    %get3A_393 = vector.shape_cast %get3A_392 : vector<1x16xf32> to vector<16xf32>
    %get3A_394 = arith.constant 1 : i32
    %get3A_395 = arith.index_cast %get3A_394 : i32 to index
    %get3A_396 = arith.constant 0 : index
    %get3A_397 = tpu.vector_load %arg8[%get3A_395, %get3A_396] {strides = array<i32>} : memref<3x128xf32, #tpu.memory_space<vmem>>, vector<1x16xf32>,
    %get3A_398 = vector.shape_cast %get3A_397 : vector<1x16xf32> to vector<16xf32>
    %sub3A_399 = arith.subf %get3A_393, %get3A_398 : vector<16xf32>
    %max3A_400 = arith.constant 1.000000e+00 : f32
    %max3A_401 = vector.broadcast %max3A_400 : f32 to vector<16xf32>
    %max3A_402 = arith.maximumf %convert_element_type3A_388, %max3A_401 : vector<16xf32>
    %div3A_403 = arith.divf %sub3A_399, %max3A_402 : vector<16xf32>
    %swap3A_404 = arith.constant 1 : i32
    %swap3A_405 = arith.index_cast %swap3A_404 : i32 to index
    %swap3A_406 = arith.constant 0 : index
    %swap3A_407 = tpu.vector_load %arg10[%swap3A_405, %swap3A_406] {strides = array<i32>} : memref<3x128xf32, #tpu.memory_space<vmem>>, vector<1x16xf32>,
    %swap3A_408 = vector.shape_cast %swap3A_407 : vector<1x16xf32> to vector<16xf32>
    %swap3A_409 = vector.shape_cast %div3A_403 : vector<16xf32> to vector<1x16xf32>
    tpu.vector_store %arg10[%swap3A_405, %swap3A_406], %swap3A_409 {strides = array<i32>} : memref<3x128xf32, #tpu.memory_space<vmem>>, vector<1x16xf32>,
    %get3A_410 = arith.constant 1 : i32
    %get3A_411 = arith.index_cast %get3A_410 : i32 to index
    %get3A_412 = arith.constant 16 : index
    %get3A_413 = tpu.vector_load %arg6[%get3A_411, %get3A_412] {strides = array<i32>} : memref<3x128xi32, #tpu.memory_space<vmem>>, vector<1x16xi32>,
    %get3A_414 = vector.shape_cast %get3A_413 : vector<1x16xi32> to vector<16xi32>
    %get3A_415 = arith.constant 1 : i32
    %get3A_416 = arith.index_cast %get3A_415 : i32 to index
    %get3A_417 = arith.constant 16 : index
    %get3A_418 = tpu.vector_load %arg7[%get3A_416, %get3A_417] {strides = array<i32>} : memref<3x128xi32, #tpu.memory_space<vmem>>, vector<1x16xi32>,
    %get3A_419 = vector.shape_cast %get3A_418 : vector<1x16xi32> to vector<16xi32>
    %sub3A_420 = arith.subi %get3A_419, %get3A_414 : vector<16xi32>
    %convert_element_type3A_421 = arith.sitofp %sub3A_420 : vector<16xi32> to vector<16xf32>
    %get3A_422 = arith.constant 1 : i32
    %get3A_423 = arith.index_cast %get3A_422 : i32 to index
    %get3A_424 = arith.constant 16 : index
    %get3A_425 = tpu.vector_load %arg9[%get3A_423, %get3A_424] {strides = array<i32>} : memref<3x128xf32, #tpu.memory_space<vmem>>, vector<1x16xf32>,
    %get3A_426 = vector.shape_cast %get3A_425 : vector<1x16xf32> to vector<16xf32>
    %get3A_427 = arith.constant 1 : i32
    %get3A_428 = arith.index_cast %get3A_427 : i32 to index
    %get3A_429 = arith.constant 16 : index
    %get3A_430 = tpu.vector_load %arg8[%get3A_428, %get3A_429] {strides = array<i32>} : memref<3x128xf32, #tpu.memory_space<vmem>>, vector<1x16xf32>,
    %get3A_431 = vector.shape_cast %get3A_430 : vector<1x16xf32> to vector<16xf32>
    %sub3A_432 = arith.subf %get3A_426, %get3A_431 : vector<16xf32>
    %max3A_433 = arith.constant 1.000000e+00 : f32
    %max3A_434 = vector.broadcast %max3A_433 : f32 to vector<16xf32>
    %max3A_435 = arith.maximumf %convert_element_type3A_421, %max3A_434 : vector<16xf32>
    %div3A_436 = arith.divf %sub3A_432, %max3A_435 : vector<16xf32>
    %swap3A_437 = arith.constant 1 : i32
    %swap3A_438 = arith.index_cast %swap3A_437 : i32 to index
    %swap3A_439 = arith.constant 16 : index
    %swap3A_440 = tpu.vector_load %arg10[%swap3A_438, %swap3A_439] {strides = array<i32>} : memref<3x128xf32, #tpu.memory_space<vmem>>, vector<1x16xf32>,
    %swap3A_441 = vector.shape_cast %swap3A_440 : vector<1x16xf32> to vector<16xf32>
    %swap3A_442 = vector.shape_cast %div3A_436 : vector<16xf32> to vector<1x16xf32>
    tpu.vector_store %arg10[%swap3A_438, %swap3A_439], %swap3A_442 {strides = array<i32>} : memref<3x128xf32, #tpu.memory_space<vmem>>, vector<1x16xf32>,
    %get3A_443 = arith.constant 1 : i32
    %get3A_444 = arith.index_cast %get3A_443 : i32 to index
    %get3A_445 = arith.constant 32 : index
    %get3A_446 = tpu.vector_load %arg6[%get3A_444, %get3A_445] {strides = array<i32>} : memref<3x128xi32, #tpu.memory_space<vmem>>, vector<1x16xi32>,
    %get3A_447 = vector.shape_cast %get3A_446 : vector<1x16xi32> to vector<16xi32>
    %get3A_448 = arith.constant 1 : i32
    %get3A_449 = arith.index_cast %get3A_448 : i32 to index
    %get3A_450 = arith.constant 32 : index
    %get3A_451 = tpu.vector_load %arg7[%get3A_449, %get3A_450] {strides = array<i32>} : memref<3x128xi32, #tpu.memory_space<vmem>>, vector<1x16xi32>,
    %get3A_452 = vector.shape_cast %get3A_451 : vector<1x16xi32> to vector<16xi32>
    %sub3A_453 = arith.subi %get3A_452, %get3A_447 : vector<16xi32>
    %convert_element_type3A_454 = arith.sitofp %sub3A_453 : vector<16xi32> to vector<16xf32>
    %get3A_455 = arith.constant 1 : i32
    %get3A_456 = arith.index_cast %get3A_455 : i32 to index
    %get3A_457 = arith.constant 32 : index
    %get3A_458 = tpu.vector_load %arg9[%get3A_456, %get3A_457] {strides = array<i32>} : memref<3x128xf32, #tpu.memory_space<vmem>>, vector<1x16xf32>,
    %get3A_459 = vector.shape_cast %get3A_458 : vector<1x16xf32> to vector<16xf32>
    %get3A_460 = arith.constant 1 : i32
    %get3A_461 = arith.index_cast %get3A_460 : i32 to index
    %get3A_462 = arith.constant 32 : index
    %get3A_463 = tpu.vector_load %arg8[%get3A_461, %get3A_462] {strides = array<i32>} : memref<3x128xf32, #tpu.memory_space<vmem>>, vector<1x16xf32>,
    %get3A_464 = vector.shape_cast %get3A_463 : vector<1x16xf32> to vector<16xf32>
    %sub3A_465 = arith.subf %get3A_459, %get3A_464 : vector<16xf32>
    %max3A_466 = arith.constant 1.000000e+00 : f32
    %max3A_467 = vector.broadcast %max3A_466 : f32 to vector<16xf32>
    %max3A_468 = arith.maximumf %convert_element_type3A_454, %max3A_467 : vector<16xf32>
    %div3A_469 = arith.divf %sub3A_465, %max3A_468 : vector<16xf32>
    %swap3A_470 = arith.constant 1 : i32
    %swap3A_471 = arith.index_cast %swap3A_470 : i32 to index
    %swap3A_472 = arith.constant 32 : index
    %swap3A_473 = tpu.vector_load %arg10[%swap3A_471, %swap3A_472] {strides = array<i32>} : memref<3x128xf32, #tpu.memory_space<vmem>>, vector<1x16xf32>,
    %swap3A_474 = vector.shape_cast %swap3A_473 : vector<1x16xf32> to vector<16xf32>
    %swap3A_475 = vector.shape_cast %div3A_469 : vector<16xf32> to vector<1x16xf32>
    tpu.vector_store %arg10[%swap3A_471, %swap3A_472], %swap3A_475 {strides = array<i32>} : memref<3x128xf32, #tpu.memory_space<vmem>>, vector<1x16xf32>,
    %get3A_476 = arith.constant 1 : i32
    %get3A_477 = arith.index_cast %get3A_476 : i32 to index
    %get3A_478 = arith.constant 48 : index
    %get3A_479 = tpu.vector_load %arg6[%get3A_477, %get3A_478] {strides = array<i32>} : memref<3x128xi32, #tpu.memory_space<vmem>>, vector<1x16xi32>,
    %get3A_480 = vector.shape_cast %get3A_479 : vector<1x16xi32> to vector<16xi32>
    %get3A_481 = arith.constant 1 : i32
    %get3A_482 = arith.index_cast %get3A_481 : i32 to index
    %get3A_483 = arith.constant 48 : index
    %get3A_484 = tpu.vector_load %arg7[%get3A_482, %get3A_483] {strides = array<i32>} : memref<3x128xi32, #tpu.memory_space<vmem>>, vector<1x16xi32>,
    %get3A_485 = vector.shape_cast %get3A_484 : vector<1x16xi32> to vector<16xi32>
    %sub3A_486 = arith.subi %get3A_485, %get3A_480 : vector<16xi32>
    %convert_element_type3A_487 = arith.sitofp %sub3A_486 : vector<16xi32> to vector<16xf32>
    %get3A_488 = arith.constant 1 : i32
    %get3A_489 = arith.index_cast %get3A_488 : i32 to index
    %get3A_490 = arith.constant 48 : index
    %get3A_491 = tpu.vector_load %arg9[%get3A_489, %get3A_490] {strides = array<i32>} : memref<3x128xf32, #tpu.memory_space<vmem>>, vector<1x16xf32>,
    %get3A_492 = vector.shape_cast %get3A_491 : vector<1x16xf32> to vector<16xf32>
    %get3A_493 = arith.constant 1 : i32
    %get3A_494 = arith.index_cast %get3A_493 : i32 to index
    %get3A_495 = arith.constant 48 : index
    %get3A_496 = tpu.vector_load %arg8[%get3A_494, %get3A_495] {strides = array<i32>} : memref<3x128xf32, #tpu.memory_space<vmem>>, vector<1x16xf32>,
    %get3A_497 = vector.shape_cast %get3A_496 : vector<1x16xf32> to vector<16xf32>
    %sub3A_498 = arith.subf %get3A_492, %get3A_497 : vector<16xf32>
    %max3A_499 = arith.constant 1.000000e+00 : f32
    %max3A_500 = vector.broadcast %max3A_499 : f32 to vector<16xf32>
    %max3A_501 = arith.maximumf %convert_element_type3A_487, %max3A_500 : vector<16xf32>
    %div3A_502 = arith.divf %sub3A_498, %max3A_501 : vector<16xf32>
    %swap3A_503 = arith.constant 1 : i32
    %swap3A_504 = arith.index_cast %swap3A_503 : i32 to index
    %swap3A_505 = arith.constant 48 : index
    %swap3A_506 = tpu.vector_load %arg10[%swap3A_504, %swap3A_505] {strides = array<i32>} : memref<3x128xf32, #tpu.memory_space<vmem>>, vector<1x16xf32>,
    %swap3A_507 = vector.shape_cast %swap3A_506 : vector<1x16xf32> to vector<16xf32>
    %swap3A_508 = vector.shape_cast %div3A_502 : vector<16xf32> to vector<1x16xf32>
    tpu.vector_store %arg10[%swap3A_504, %swap3A_505], %swap3A_508 {strides = array<i32>} : memref<3x128xf32, #tpu.memory_space<vmem>>, vector<1x16xf32>,
    %get3A_509 = arith.constant 1 : i32
    %get3A_510 = arith.index_cast %get3A_509 : i32 to index
    %get3A_511 = arith.constant 64 : index
    %get3A_512 = tpu.vector_load %arg6[%get3A_510, %get3A_511] {strides = array<i32>} : memref<3x128xi32, #tpu.memory_space<vmem>>, vector<1x16xi32>,
    %get3A_513 = vector.shape_cast %get3A_512 : vector<1x16xi32> to vector<16xi32>
    %get3A_514 = arith.constant 1 : i32
    %get3A_515 = arith.index_cast %get3A_514 : i32 to index
    %get3A_516 = arith.constant 64 : index
    %get3A_517 = tpu.vector_load %arg7[%get3A_515, %get3A_516] {strides = array<i32>} : memref<3x128xi32, #tpu.memory_space<vmem>>, vector<1x16xi32>,
    %get3A_518 = vector.shape_cast %get3A_517 : vector<1x16xi32> to vector<16xi32>
    %sub3A_519 = arith.subi %get3A_518, %get3A_513 : vector<16xi32>
    %convert_element_type3A_520 = arith.sitofp %sub3A_519 : vector<16xi32> to vector<16xf32>
    %get3A_521 = arith.constant 1 : i32
    %get3A_522 = arith.index_cast %get3A_521 : i32 to index
    %get3A_523 = arith.constant 64 : index
    %get3A_524 = tpu.vector_load %arg9[%get3A_522, %get3A_523] {strides = array<i32>} : memref<3x128xf32, #tpu.memory_space<vmem>>, vector<1x16xf32>,
    %get3A_525 = vector.shape_cast %get3A_524 : vector<1x16xf32> to vector<16xf32>
    %get3A_526 = arith.constant 1 : i32
    %get3A_527 = arith.index_cast %get3A_526 : i32 to index
    %get3A_528 = arith.constant 64 : index
    %get3A_529 = tpu.vector_load %arg8[%get3A_527, %get3A_528] {strides = array<i32>} : memref<3x128xf32, #tpu.memory_space<vmem>>, vector<1x16xf32>,
    %get3A_530 = vector.shape_cast %get3A_529 : vector<1x16xf32> to vector<16xf32>
    %sub3A_531 = arith.subf %get3A_525, %get3A_530 : vector<16xf32>
    %max3A_532 = arith.constant 1.000000e+00 : f32
    %max3A_533 = vector.broadcast %max3A_532 : f32 to vector<16xf32>
    %max3A_534 = arith.maximumf %convert_element_type3A_520, %max3A_533 : vector<16xf32>
    %div3A_535 = arith.divf %sub3A_531, %max3A_534 : vector<16xf32>
    %swap3A_536 = arith.constant 1 : i32
    %swap3A_537 = arith.index_cast %swap3A_536 : i32 to index
    %swap3A_538 = arith.constant 64 : index
    %swap3A_539 = tpu.vector_load %arg10[%swap3A_537, %swap3A_538] {strides = array<i32>} : memref<3x128xf32, #tpu.memory_space<vmem>>, vector<1x16xf32>,
    %swap3A_540 = vector.shape_cast %swap3A_539 : vector<1x16xf32> to vector<16xf32>
    %swap3A_541 = vector.shape_cast %div3A_535 : vector<16xf32> to vector<1x16xf32>
    tpu.vector_store %arg10[%swap3A_537, %swap3A_538], %swap3A_541 {strides = array<i32>} : memref<3x128xf32, #tpu.memory_space<vmem>>, vector<1x16xf32>,
    %get3A_542 = arith.constant 1 : i32
    %get3A_543 = arith.index_cast %get3A_542 : i32 to index
    %get3A_544 = arith.constant 80 : index
    %get3A_545 = tpu.vector_load %arg6[%get3A_543, %get3A_544] {strides = array<i32>} : memref<3x128xi32, #tpu.memory_space<vmem>>, vector<1x16xi32>,
    %get3A_546 = vector.shape_cast %get3A_545 : vector<1x16xi32> to vector<16xi32>
    %get3A_547 = arith.constant 1 : i32
    %get3A_548 = arith.index_cast %get3A_547 : i32 to index
    %get3A_549 = arith.constant 80 : index
    %get3A_550 = tpu.vector_load %arg7[%get3A_548, %get3A_549] {strides = array<i32>} : memref<3x128xi32, #tpu.memory_space<vmem>>, vector<1x16xi32>,
    %get3A_551 = vector.shape_cast %get3A_550 : vector<1x16xi32> to vector<16xi32>
    %sub3A_552 = arith.subi %get3A_551, %get3A_546 : vector<16xi32>
    %convert_element_type3A_553 = arith.sitofp %sub3A_552 : vector<16xi32> to vector<16xf32>
    %get3A_554 = arith.constant 1 : i32
    %get3A_555 = arith.index_cast %get3A_554 : i32 to index
    %get3A_556 = arith.constant 80 : index
    %get3A_557 = tpu.vector_load %arg9[%get3A_555, %get3A_556] {strides = array<i32>} : memref<3x128xf32, #tpu.memory_space<vmem>>, vector<1x16xf32>,
    %get3A_558 = vector.shape_cast %get3A_557 : vector<1x16xf32> to vector<16xf32>
    %get3A_559 = arith.constant 1 : i32
    %get3A_560 = arith.index_cast %get3A_559 : i32 to index
    %get3A_561 = arith.constant 80 : index
    %get3A_562 = tpu.vector_load %arg8[%get3A_560, %get3A_561] {strides = array<i32>} : memref<3x128xf32, #tpu.memory_space<vmem>>, vector<1x16xf32>,
    %get3A_563 = vector.shape_cast %get3A_562 : vector<1x16xf32> to vector<16xf32>
    %sub3A_564 = arith.subf %get3A_558, %get3A_563 : vector<16xf32>
    %max3A_565 = arith.constant 1.000000e+00 : f32
    %max3A_566 = vector.broadcast %max3A_565 : f32 to vector<16xf32>
    %max3A_567 = arith.maximumf %convert_element_type3A_553, %max3A_566 : vector<16xf32>
    %div3A_568 = arith.divf %sub3A_564, %max3A_567 : vector<16xf32>
    %swap3A_569 = arith.constant 1 : i32
    %swap3A_570 = arith.index_cast %swap3A_569 : i32 to index
    %swap3A_571 = arith.constant 80 : index
    %swap3A_572 = tpu.vector_load %arg10[%swap3A_570, %swap3A_571] {strides = array<i32>} : memref<3x128xf32, #tpu.memory_space<vmem>>, vector<1x16xf32>,
    %swap3A_573 = vector.shape_cast %swap3A_572 : vector<1x16xf32> to vector<16xf32>
    %swap3A_574 = vector.shape_cast %div3A_568 : vector<16xf32> to vector<1x16xf32>
    tpu.vector_store %arg10[%swap3A_570, %swap3A_571], %swap3A_574 {strides = array<i32>} : memref<3x128xf32, #tpu.memory_space<vmem>>, vector<1x16xf32>,
    %get3A_575 = arith.constant 1 : i32
    %get3A_576 = arith.index_cast %get3A_575 : i32 to index
    %get3A_577 = arith.constant 96 : index
    %get3A_578 = tpu.vector_load %arg6[%get3A_576, %get3A_577] {strides = array<i32>} : memref<3x128xi32, #tpu.memory_space<vmem>>, vector<1x16xi32>,
    %get3A_579 = vector.shape_cast %get3A_578 : vector<1x16xi32> to vector<16xi32>
    %get3A_580 = arith.constant 1 : i32
    %get3A_581 = arith.index_cast %get3A_580 : i32 to index
    %get3A_582 = arith.constant 96 : index
    %get3A_583 = tpu.vector_load %arg7[%get3A_581, %get3A_582] {strides = array<i32>} : memref<3x128xi32, #tpu.memory_space<vmem>>, vector<1x16xi32>,
    %get3A_584 = vector.shape_cast %get3A_583 : vector<1x16xi32> to vector<16xi32>
    %sub3A_585 = arith.subi %get3A_584, %get3A_579 : vector<16xi32>
    %convert_element_type3A_586 = arith.sitofp %sub3A_585 : vector<16xi32> to vector<16xf32>
    %get3A_587 = arith.constant 1 : i32
    %get3A_588 = arith.index_cast %get3A_587 : i32 to index
    %get3A_589 = arith.constant 96 : index
    %get3A_590 = tpu.vector_load %arg9[%get3A_588, %get3A_589] {strides = array<i32>} : memref<3x128xf32, #tpu.memory_space<vmem>>, vector<1x16xf32>,
    %get3A_591 = vector.shape_cast %get3A_590 : vector<1x16xf32> to vector<16xf32>
    %get3A_592 = arith.constant 1 : i32
    %get3A_593 = arith.index_cast %get3A_592 : i32 to index
    %get3A_594 = arith.constant 96 : index
    %get3A_595 = tpu.vector_load %arg8[%get3A_593, %get3A_594] {strides = array<i32>} : memref<3x128xf32, #tpu.memory_space<vmem>>, vector<1x16xf32>,
    %get3A_596 = vector.shape_cast %get3A_595 : vector<1x16xf32> to vector<16xf32>
    %sub3A_597 = arith.subf %get3A_591, %get3A_596 : vector<16xf32>
    %max3A_598 = arith.constant 1.000000e+00 : f32
    %max3A_599 = vector.broadcast %max3A_598 : f32 to vector<16xf32>
    %max3A_600 = arith.maximumf %convert_element_type3A_586, %max3A_599 : vector<16xf32>
    %div3A_601 = arith.divf %sub3A_597, %max3A_600 : vector<16xf32>
    %swap3A_602 = arith.constant 1 : i32
    %swap3A_603 = arith.index_cast %swap3A_602 : i32 to index
    %swap3A_604 = arith.constant 96 : index
    %swap3A_605 = tpu.vector_load %arg10[%swap3A_603, %swap3A_604] {strides = array<i32>} : memref<3x128xf32, #tpu.memory_space<vmem>>, vector<1x16xf32>,
    %swap3A_606 = vector.shape_cast %swap3A_605 : vector<1x16xf32> to vector<16xf32>
    %swap3A_607 = vector.shape_cast %div3A_601 : vector<16xf32> to vector<1x16xf32>
    tpu.vector_store %arg10[%swap3A_603, %swap3A_604], %swap3A_607 {strides = array<i32>} : memref<3x128xf32, #tpu.memory_space<vmem>>, vector<1x16xf32>,
    %get3A_608 = arith.constant 1 : i32
    %get3A_609 = arith.index_cast %get3A_608 : i32 to index
    %get3A_610 = arith.constant 112 : index
    %get3A_611 = tpu.vector_load %arg6[%get3A_609, %get3A_610] {strides = array<i32>} : memref<3x128xi32, #tpu.memory_space<vmem>>, vector<1x16xi32>,
    %get3A_612 = vector.shape_cast %get3A_611 : vector<1x16xi32> to vector<16xi32>
    %get3A_613 = arith.constant 1 : i32
    %get3A_614 = arith.index_cast %get3A_613 : i32 to index
    %get3A_615 = arith.constant 112 : index
    %get3A_616 = tpu.vector_load %arg7[%get3A_614, %get3A_615] {strides = array<i32>} : memref<3x128xi32, #tpu.memory_space<vmem>>, vector<1x16xi32>,
    %get3A_617 = vector.shape_cast %get3A_616 : vector<1x16xi32> to vector<16xi32>
    %sub3A_618 = arith.subi %get3A_617, %get3A_612 : vector<16xi32>
    %convert_element_type3A_619 = arith.sitofp %sub3A_618 : vector<16xi32> to vector<16xf32>
    %get3A_620 = arith.constant 1 : i32
    %get3A_621 = arith.index_cast %get3A_620 : i32 to index
    %get3A_622 = arith.constant 112 : index
    %get3A_623 = tpu.vector_load %arg9[%get3A_621, %get3A_622] {strides = array<i32>} : memref<3x128xf32, #tpu.memory_space<vmem>>, vector<1x16xf32>,
    %get3A_624 = vector.shape_cast %get3A_623 : vector<1x16xf32> to vector<16xf32>
    %get3A_625 = arith.constant 1 : i32
    %get3A_626 = arith.index_cast %get3A_625 : i32 to index
    %get3A_627 = arith.constant 112 : index
    %get3A_628 = tpu.vector_load %arg8[%get3A_626, %get3A_627] {strides = array<i32>} : memref<3x128xf32, #tpu.memory_space<vmem>>, vector<1x16xf32>,
    %get3A_629 = vector.shape_cast %get3A_628 : vector<1x16xf32> to vector<16xf32>
    %sub3A_630 = arith.subf %get3A_624, %get3A_629 : vector<16xf32>
    %max3A_631 = arith.constant 1.000000e+00 : f32
    %max3A_632 = vector.broadcast %max3A_631 : f32 to vector<16xf32>
    %max3A_633 = arith.maximumf %convert_element_type3A_619, %max3A_632 : vector<16xf32>
    %div3A_634 = arith.divf %sub3A_630, %max3A_633 : vector<16xf32>
    %swap3A_635 = arith.constant 1 : i32
    %swap3A_636 = arith.index_cast %swap3A_635 : i32 to index
    %swap3A_637 = arith.constant 112 : index
    %swap3A_638 = tpu.vector_load %arg10[%swap3A_636, %swap3A_637] {strides = array<i32>} : memref<3x128xf32, #tpu.memory_space<vmem>>, vector<1x16xf32>,
    %swap3A_639 = vector.shape_cast %swap3A_638 : vector<1x16xf32> to vector<16xf32>
    %swap3A_640 = vector.shape_cast %div3A_634 : vector<16xf32> to vector<1x16xf32>
    tpu.vector_store %arg10[%swap3A_636, %swap3A_637], %swap3A_640 {strides = array<i32>} : memref<3x128xf32, #tpu.memory_space<vmem>>, vector<1x16xf32>,
    %get3A_641 = arith.constant 2 : i32
    %get3A_642 = arith.index_cast %get3A_641 : i32 to index
    %get3A_643 = arith.constant 0 : index
    %get3A_644 = tpu.vector_load %arg6[%get3A_642, %get3A_643] {strides = array<i32>} : memref<3x128xi32, #tpu.memory_space<vmem>>, vector<1x16xi32>,
    %get3A_645 = vector.shape_cast %get3A_644 : vector<1x16xi32> to vector<16xi32>
    %get3A_646 = arith.constant 2 : i32
    %get3A_647 = arith.index_cast %get3A_646 : i32 to index
    %get3A_648 = arith.constant 0 : index
    %get3A_649 = tpu.vector_load %arg7[%get3A_647, %get3A_648] {strides = array<i32>} : memref<3x128xi32, #tpu.memory_space<vmem>>, vector<1x16xi32>,
    %get3A_650 = vector.shape_cast %get3A_649 : vector<1x16xi32> to vector<16xi32>
    %sub3A_651 = arith.subi %get3A_650, %get3A_645 : vector<16xi32>
    %convert_element_type3A_652 = arith.sitofp %sub3A_651 : vector<16xi32> to vector<16xf32>
    %get3A_653 = arith.constant 2 : i32
    %get3A_654 = arith.index_cast %get3A_653 : i32 to index
    %get3A_655 = arith.constant 0 : index
    %get3A_656 = tpu.vector_load %arg9[%get3A_654, %get3A_655] {strides = array<i32>} : memref<3x128xf32, #tpu.memory_space<vmem>>, vector<1x16xf32>,
    %get3A_657 = vector.shape_cast %get3A_656 : vector<1x16xf32> to vector<16xf32>
    %get3A_658 = arith.constant 2 : i32
    %get3A_659 = arith.index_cast %get3A_658 : i32 to index
    %get3A_660 = arith.constant 0 : index
    %get3A_661 = tpu.vector_load %arg8[%get3A_659, %get3A_660] {strides = array<i32>} : memref<3x128xf32, #tpu.memory_space<vmem>>, vector<1x16xf32>,
    %get3A_662 = vector.shape_cast %get3A_661 : vector<1x16xf32> to vector<16xf32>
    %sub3A_663 = arith.subf %get3A_657, %get3A_662 : vector<16xf32>
    %max3A_664 = arith.constant 1.000000e+00 : f32
    %max3A_665 = vector.broadcast %max3A_664 : f32 to vector<16xf32>
    %max3A_666 = arith.maximumf %convert_element_type3A_652, %max3A_665 : vector<16xf32>
    %div3A_667 = arith.divf %sub3A_663, %max3A_666 : vector<16xf32>
    %swap3A_668 = arith.constant 2 : i32
    %swap3A_669 = arith.index_cast %swap3A_668 : i32 to index
    %swap3A_670 = arith.constant 0 : index
    %swap3A_671 = tpu.vector_load %arg10[%swap3A_669, %swap3A_670] {strides = array<i32>} : memref<3x128xf32, #tpu.memory_space<vmem>>, vector<1x16xf32>,
    %swap3A_672 = vector.shape_cast %swap3A_671 : vector<1x16xf32> to vector<16xf32>
    %swap3A_673 = vector.shape_cast %div3A_667 : vector<16xf32> to vector<1x16xf32>
    tpu.vector_store %arg10[%swap3A_669, %swap3A_670], %swap3A_673 {strides = array<i32>} : memref<3x128xf32, #tpu.memory_space<vmem>>, vector<1x16xf32>,
    %get3A_674 = arith.constant 2 : i32
    %get3A_675 = arith.index_cast %get3A_674 : i32 to index
    %get3A_676 = arith.constant 16 : index
    %get3A_677 = tpu.vector_load %arg6[%get3A_675, %get3A_676] {strides = array<i32>} : memref<3x128xi32, #tpu.memory_space<vmem>>, vector<1x16xi32>,
    %get3A_678 = vector.shape_cast %get3A_677 : vector<1x16xi32> to vector<16xi32>
    %get3A_679 = arith.constant 2 : i32
    %get3A_680 = arith.index_cast %get3A_679 : i32 to index
    %get3A_681 = arith.constant 16 : index
    %get3A_682 = tpu.vector_load %arg7[%get3A_680, %get3A_681] {strides = array<i32>} : memref<3x128xi32, #tpu.memory_space<vmem>>, vector<1x16xi32>,
    %get3A_683 = vector.shape_cast %get3A_682 : vector<1x16xi32> to vector<16xi32>
    %sub3A_684 = arith.subi %get3A_683, %get3A_678 : vector<16xi32>
    %convert_element_type3A_685 = arith.sitofp %sub3A_684 : vector<16xi32> to vector<16xf32>
    %get3A_686 = arith.constant 2 : i32
    %get3A_687 = arith.index_cast %get3A_686 : i32 to index
    %get3A_688 = arith.constant 16 : index
    %get3A_689 = tpu.vector_load %arg9[%get3A_687, %get3A_688] {strides = array<i32>} : memref<3x128xf32, #tpu.memory_space<vmem>>, vector<1x16xf32>,
    %get3A_690 = vector.shape_cast %get3A_689 : vector<1x16xf32> to vector<16xf32>
    %get3A_691 = arith.constant 2 : i32
    %get3A_692 = arith.index_cast %get3A_691 : i32 to index
    %get3A_693 = arith.constant 16 : index
    %get3A_694 = tpu.vector_load %arg8[%get3A_692, %get3A_693] {strides = array<i32>} : memref<3x128xf32, #tpu.memory_space<vmem>>, vector<1x16xf32>,
    %get3A_695 = vector.shape_cast %get3A_694 : vector<1x16xf32> to vector<16xf32>
    %sub3A_696 = arith.subf %get3A_690, %get3A_695 : vector<16xf32>
    %max3A_697 = arith.constant 1.000000e+00 : f32
    %max3A_698 = vector.broadcast %max3A_697 : f32 to vector<16xf32>
    %max3A_699 = arith.maximumf %convert_element_type3A_685, %max3A_698 : vector<16xf32>
    %div3A_700 = arith.divf %sub3A_696, %max3A_699 : vector<16xf32>
    %swap3A_701 = arith.constant 2 : i32
    %swap3A_702 = arith.index_cast %swap3A_701 : i32 to index
    %swap3A_703 = arith.constant 16 : index
    %swap3A_704 = tpu.vector_load %arg10[%swap3A_702, %swap3A_703] {strides = array<i32>} : memref<3x128xf32, #tpu.memory_space<vmem>>, vector<1x16xf32>,
    %swap3A_705 = vector.shape_cast %swap3A_704 : vector<1x16xf32> to vector<16xf32>
    %swap3A_706 = vector.shape_cast %div3A_700 : vector<16xf32> to vector<1x16xf32>
    tpu.vector_store %arg10[%swap3A_702, %swap3A_703], %swap3A_706 {strides = array<i32>} : memref<3x128xf32, #tpu.memory_space<vmem>>, vector<1x16xf32>,
    %get3A_707 = arith.constant 2 : i32
    %get3A_708 = arith.index_cast %get3A_707 : i32 to index
    %get3A_709 = arith.constant 32 : index
    %get3A_710 = tpu.vector_load %arg6[%get3A_708, %get3A_709] {strides = array<i32>} : memref<3x128xi32, #tpu.memory_space<vmem>>, vector<1x16xi32>,
    %get3A_711 = vector.shape_cast %get3A_710 : vector<1x16xi32> to vector<16xi32>
    %get3A_712 = arith.constant 2 : i32
    %get3A_713 = arith.index_cast %get3A_712 : i32 to index
    %get3A_714 = arith.constant 32 : index
    %get3A_715 = tpu.vector_load %arg7[%get3A_713, %get3A_714] {strides = array<i32>} : memref<3x128xi32, #tpu.memory_space<vmem>>, vector<1x16xi32>,
    %get3A_716 = vector.shape_cast %get3A_715 : vector<1x16xi32> to vector<16xi32>
    %sub3A_717 = arith.subi %get3A_716, %get3A_711 : vector<16xi32>
    %convert_element_type3A_718 = arith.sitofp %sub3A_717 : vector<16xi32> to vector<16xf32>
    %get3A_719 = arith.constant 2 : i32
    %get3A_720 = arith.index_cast %get3A_719 : i32 to index
    %get3A_721 = arith.constant 32 : index
    %get3A_722 = tpu.vector_load %arg9[%get3A_720, %get3A_721] {strides = array<i32>} : memref<3x128xf32, #tpu.memory_space<vmem>>, vector<1x16xf32>,
    %get3A_723 = vector.shape_cast %get3A_722 : vector<1x16xf32> to vector<16xf32>
    %get3A_724 = arith.constant 2 : i32
    %get3A_725 = arith.index_cast %get3A_724 : i32 to index
    %get3A_726 = arith.constant 32 : index
    %get3A_727 = tpu.vector_load %arg8[%get3A_725, %get3A_726] {strides = array<i32>} : memref<3x128xf32, #tpu.memory_space<vmem>>, vector<1x16xf32>,
    %get3A_728 = vector.shape_cast %get3A_727 : vector<1x16xf32> to vector<16xf32>
    %sub3A_729 = arith.subf %get3A_723, %get3A_728 : vector<16xf32>
    %max3A_730 = arith.constant 1.000000e+00 : f32
    %max3A_731 = vector.broadcast %max3A_730 : f32 to vector<16xf32>
    %max3A_732 = arith.maximumf %convert_element_type3A_718, %max3A_731 : vector<16xf32>
    %div3A_733 = arith.divf %sub3A_729, %max3A_732 : vector<16xf32>
    %swap3A_734 = arith.constant 2 : i32
    %swap3A_735 = arith.index_cast %swap3A_734 : i32 to index
    %swap3A_736 = arith.constant 32 : index
    %swap3A_737 = tpu.vector_load %arg10[%swap3A_735, %swap3A_736] {strides = array<i32>} : memref<3x128xf32, #tpu.memory_space<vmem>>, vector<1x16xf32>,
    %swap3A_738 = vector.shape_cast %swap3A_737 : vector<1x16xf32> to vector<16xf32>
    %swap3A_739 = vector.shape_cast %div3A_733 : vector<16xf32> to vector<1x16xf32>
    tpu.vector_store %arg10[%swap3A_735, %swap3A_736], %swap3A_739 {strides = array<i32>} : memref<3x128xf32, #tpu.memory_space<vmem>>, vector<1x16xf32>,
    %get3A_740 = arith.constant 2 : i32
    %get3A_741 = arith.index_cast %get3A_740 : i32 to index
    %get3A_742 = arith.constant 48 : index
    %get3A_743 = tpu.vector_load %arg6[%get3A_741, %get3A_742] {strides = array<i32>} : memref<3x128xi32, #tpu.memory_space<vmem>>, vector<1x16xi32>,
    %get3A_744 = vector.shape_cast %get3A_743 : vector<1x16xi32> to vector<16xi32>
    %get3A_745 = arith.constant 2 : i32
    %get3A_746 = arith.index_cast %get3A_745 : i32 to index
    %get3A_747 = arith.constant 48 : index
    %get3A_748 = tpu.vector_load %arg7[%get3A_746, %get3A_747] {strides = array<i32>} : memref<3x128xi32, #tpu.memory_space<vmem>>, vector<1x16xi32>,
    %get3A_749 = vector.shape_cast %get3A_748 : vector<1x16xi32> to vector<16xi32>
    %sub3A_750 = arith.subi %get3A_749, %get3A_744 : vector<16xi32>
    %convert_element_type3A_751 = arith.sitofp %sub3A_750 : vector<16xi32> to vector<16xf32>
    %get3A_752 = arith.constant 2 : i32
    %get3A_753 = arith.index_cast %get3A_752 : i32 to index
    %get3A_754 = arith.constant 48 : index
    %get3A_755 = tpu.vector_load %arg9[%get3A_753, %get3A_754] {strides = array<i32>} : memref<3x128xf32, #tpu.memory_space<vmem>>, vector<1x16xf32>,
    %get3A_756 = vector.shape_cast %get3A_755 : vector<1x16xf32> to vector<16xf32>
    %get3A_757 = arith.constant 2 : i32
    %get3A_758 = arith.index_cast %get3A_757 : i32 to index
    %get3A_759 = arith.constant 48 : index
    %get3A_760 = tpu.vector_load %arg8[%get3A_758, %get3A_759] {strides = array<i32>} : memref<3x128xf32, #tpu.memory_space<vmem>>, vector<1x16xf32>,
    %get3A_761 = vector.shape_cast %get3A_760 : vector<1x16xf32> to vector<16xf32>
    %sub3A_762 = arith.subf %get3A_756, %get3A_761 : vector<16xf32>
    %max3A_763 = arith.constant 1.000000e+00 : f32
    %max3A_764 = vector.broadcast %max3A_763 : f32 to vector<16xf32>
    %max3A_765 = arith.maximumf %convert_element_type3A_751, %max3A_764 : vector<16xf32>
    %div3A_766 = arith.divf %sub3A_762, %max3A_765 : vector<16xf32>
    %swap3A_767 = arith.constant 2 : i32
    %swap3A_768 = arith.index_cast %swap3A_767 : i32 to index
    %swap3A_769 = arith.constant 48 : index
    %swap3A_770 = tpu.vector_load %arg10[%swap3A_768, %swap3A_769] {strides = array<i32>} : memref<3x128xf32, #tpu.memory_space<vmem>>, vector<1x16xf32>,
    %swap3A_771 = vector.shape_cast %swap3A_770 : vector<1x16xf32> to vector<16xf32>
    %swap3A_772 = vector.shape_cast %div3A_766 : vector<16xf32> to vector<1x16xf32>
    tpu.vector_store %arg10[%swap3A_768, %swap3A_769], %swap3A_772 {strides = array<i32>} : memref<3x128xf32, #tpu.memory_space<vmem>>, vector<1x16xf32>,
    %get3A_773 = arith.constant 2 : i32
    %get3A_774 = arith.index_cast %get3A_773 : i32 to index
    %get3A_775 = arith.constant 64 : index
    %get3A_776 = tpu.vector_load %arg6[%get3A_774, %get3A_775] {strides = array<i32>} : memref<3x128xi32, #tpu.memory_space<vmem>>, vector<1x16xi32>,
    %get3A_777 = vector.shape_cast %get3A_776 : vector<1x16xi32> to vector<16xi32>
    %get3A_778 = arith.constant 2 : i32
    %get3A_779 = arith.index_cast %get3A_778 : i32 to index
    %get3A_780 = arith.constant 64 : index
    %get3A_781 = tpu.vector_load %arg7[%get3A_779, %get3A_780] {strides = array<i32>} : memref<3x128xi32, #tpu.memory_space<vmem>>, vector<1x16xi32>,
    %get3A_782 = vector.shape_cast %get3A_781 : vector<1x16xi32> to vector<16xi32>
    %sub3A_783 = arith.subi %get3A_782, %get3A_777 : vector<16xi32>
    %convert_element_type3A_784 = arith.sitofp %sub3A_783 : vector<16xi32> to vector<16xf32>
    %get3A_785 = arith.constant 2 : i32
    %get3A_786 = arith.index_cast %get3A_785 : i32 to index
    %get3A_787 = arith.constant 64 : index
    %get3A_788 = tpu.vector_load %arg9[%get3A_786, %get3A_787] {strides = array<i32>} : memref<3x128xf32, #tpu.memory_space<vmem>>, vector<1x16xf32>,
    %get3A_789 = vector.shape_cast %get3A_788 : vector<1x16xf32> to vector<16xf32>
    %get3A_790 = arith.constant 2 : i32
    %get3A_791 = arith.index_cast %get3A_790 : i32 to index
    %get3A_792 = arith.constant 64 : index
    %get3A_793 = tpu.vector_load %arg8[%get3A_791, %get3A_792] {strides = array<i32>} : memref<3x128xf32, #tpu.memory_space<vmem>>, vector<1x16xf32>,
    %get3A_794 = vector.shape_cast %get3A_793 : vector<1x16xf32> to vector<16xf32>
    %sub3A_795 = arith.subf %get3A_789, %get3A_794 : vector<16xf32>
    %max3A_796 = arith.constant 1.000000e+00 : f32
    %max3A_797 = vector.broadcast %max3A_796 : f32 to vector<16xf32>
    %max3A_798 = arith.maximumf %convert_element_type3A_784, %max3A_797 : vector<16xf32>
    %div3A_799 = arith.divf %sub3A_795, %max3A_798 : vector<16xf32>
    %swap3A_800 = arith.constant 2 : i32
    %swap3A_801 = arith.index_cast %swap3A_800 : i32 to index
    %swap3A_802 = arith.constant 64 : index
    %swap3A_803 = tpu.vector_load %arg10[%swap3A_801, %swap3A_802] {strides = array<i32>} : memref<3x128xf32, #tpu.memory_space<vmem>>, vector<1x16xf32>,
    %swap3A_804 = vector.shape_cast %swap3A_803 : vector<1x16xf32> to vector<16xf32>
    %swap3A_805 = vector.shape_cast %div3A_799 : vector<16xf32> to vector<1x16xf32>
    tpu.vector_store %arg10[%swap3A_801, %swap3A_802], %swap3A_805 {strides = array<i32>} : memref<3x128xf32, #tpu.memory_space<vmem>>, vector<1x16xf32>,
    %get3A_806 = arith.constant 2 : i32
    %get3A_807 = arith.index_cast %get3A_806 : i32 to index
    %get3A_808 = arith.constant 80 : index
    %get3A_809 = tpu.vector_load %arg6[%get3A_807, %get3A_808] {strides = array<i32>} : memref<3x128xi32, #tpu.memory_space<vmem>>, vector<1x16xi32>,
    %get3A_810 = vector.shape_cast %get3A_809 : vector<1x16xi32> to vector<16xi32>
    %get3A_811 = arith.constant 2 : i32
    %get3A_812 = arith.index_cast %get3A_811 : i32 to index
    %get3A_813 = arith.constant 80 : index
    %get3A_814 = tpu.vector_load %arg7[%get3A_812, %get3A_813] {strides = array<i32>} : memref<3x128xi32, #tpu.memory_space<vmem>>, vector<1x16xi32>,
    %get3A_815 = vector.shape_cast %get3A_814 : vector<1x16xi32> to vector<16xi32>
    %sub3A_816 = arith.subi %get3A_815, %get3A_810 : vector<16xi32>
    %convert_element_type3A_817 = arith.sitofp %sub3A_816 : vector<16xi32> to vector<16xf32>
    %get3A_818 = arith.constant 2 : i32
    %get3A_819 = arith.index_cast %get3A_818 : i32 to index
    %get3A_820 = arith.constant 80 : index
    %get3A_821 = tpu.vector_load %arg9[%get3A_819, %get3A_820] {strides = array<i32>} : memref<3x128xf32, #tpu.memory_space<vmem>>, vector<1x16xf32>,
    %get3A_822 = vector.shape_cast %get3A_821 : vector<1x16xf32> to vector<16xf32>
    %get3A_823 = arith.constant 2 : i32
    %get3A_824 = arith.index_cast %get3A_823 : i32 to index
    %get3A_825 = arith.constant 80 : index
    %get3A_826 = tpu.vector_load %arg8[%get3A_824, %get3A_825] {strides = array<i32>} : memref<3x128xf32, #tpu.memory_space<vmem>>, vector<1x16xf32>,
    %get3A_827 = vector.shape_cast %get3A_826 : vector<1x16xf32> to vector<16xf32>
    %sub3A_828 = arith.subf %get3A_822, %get3A_827 : vector<16xf32>
    %max3A_829 = arith.constant 1.000000e+00 : f32
    %max3A_830 = vector.broadcast %max3A_829 : f32 to vector<16xf32>
    %max3A_831 = arith.maximumf %convert_element_type3A_817, %max3A_830 : vector<16xf32>
    %div3A_832 = arith.divf %sub3A_828, %max3A_831 : vector<16xf32>
    %swap3A_833 = arith.constant 2 : i32
    %swap3A_834 = arith.index_cast %swap3A_833 : i32 to index
    %swap3A_835 = arith.constant 80 : index
    %swap3A_836 = tpu.vector_load %arg10[%swap3A_834, %swap3A_835] {strides = array<i32>} : memref<3x128xf32, #tpu.memory_space<vmem>>, vector<1x16xf32>,
    %swap3A_837 = vector.shape_cast %swap3A_836 : vector<1x16xf32> to vector<16xf32>
    %swap3A_838 = vector.shape_cast %div3A_832 : vector<16xf32> to vector<1x16xf32>
    tpu.vector_store %arg10[%swap3A_834, %swap3A_835], %swap3A_838 {strides = array<i32>} : memref<3x128xf32, #tpu.memory_space<vmem>>, vector<1x16xf32>,
    %get3A_839 = arith.constant 2 : i32
    %get3A_840 = arith.index_cast %get3A_839 : i32 to index
    %get3A_841 = arith.constant 96 : index
    %get3A_842 = tpu.vector_load %arg6[%get3A_840, %get3A_841] {strides = array<i32>} : memref<3x128xi32, #tpu.memory_space<vmem>>, vector<1x16xi32>,
    %get3A_843 = vector.shape_cast %get3A_842 : vector<1x16xi32> to vector<16xi32>
    %get3A_844 = arith.constant 2 : i32
    %get3A_845 = arith.index_cast %get3A_844 : i32 to index
    %get3A_846 = arith.constant 96 : index
    %get3A_847 = tpu.vector_load %arg7[%get3A_845, %get3A_846] {strides = array<i32>} : memref<3x128xi32, #tpu.memory_space<vmem>>, vector<1x16xi32>,
    %get3A_848 = vector.shape_cast %get3A_847 : vector<1x16xi32> to vector<16xi32>
    %sub3A_849 = arith.subi %get3A_848, %get3A_843 : vector<16xi32>
    %convert_element_type3A_850 = arith.sitofp %sub3A_849 : vector<16xi32> to vector<16xf32>
    %get3A_851 = arith.constant 2 : i32
    %get3A_852 = arith.index_cast %get3A_851 : i32 to index
    %get3A_853 = arith.constant 96 : index
    %get3A_854 = tpu.vector_load %arg9[%get3A_852, %get3A_853] {strides = array<i32>} : memref<3x128xf32, #tpu.memory_space<vmem>>, vector<1x16xf32>,
    %get3A_855 = vector.shape_cast %get3A_854 : vector<1x16xf32> to vector<16xf32>
    %get3A_856 = arith.constant 2 : i32
    %get3A_857 = arith.index_cast %get3A_856 : i32 to index
    %get3A_858 = arith.constant 96 : index
    %get3A_859 = tpu.vector_load %arg8[%get3A_857, %get3A_858] {strides = array<i32>} : memref<3x128xf32, #tpu.memory_space<vmem>>, vector<1x16xf32>,
    %get3A_860 = vector.shape_cast %get3A_859 : vector<1x16xf32> to vector<16xf32>
    %sub3A_861 = arith.subf %get3A_855, %get3A_860 : vector<16xf32>
    %max3A_862 = arith.constant 1.000000e+00 : f32
    %max3A_863 = vector.broadcast %max3A_862 : f32 to vector<16xf32>
    %max3A_864 = arith.maximumf %convert_element_type3A_850, %max3A_863 : vector<16xf32>
    %div3A_865 = arith.divf %sub3A_861, %max3A_864 : vector<16xf32>
    %swap3A_866 = arith.constant 2 : i32
    %swap3A_867 = arith.index_cast %swap3A_866 : i32 to index
    %swap3A_868 = arith.constant 96 : index
    %swap3A_869 = tpu.vector_load %arg10[%swap3A_867, %swap3A_868] {strides = array<i32>} : memref<3x128xf32, #tpu.memory_space<vmem>>, vector<1x16xf32>,
    %swap3A_870 = vector.shape_cast %swap3A_869 : vector<1x16xf32> to vector<16xf32>
    %swap3A_871 = vector.shape_cast %div3A_865 : vector<16xf32> to vector<1x16xf32>
    tpu.vector_store %arg10[%swap3A_867, %swap3A_868], %swap3A_871 {strides = array<i32>} : memref<3x128xf32, #tpu.memory_space<vmem>>, vector<1x16xf32>,
    %get3A_872 = arith.constant 2 : i32
    %get3A_873 = arith.index_cast %get3A_872 : i32 to index
    %get3A_874 = arith.constant 112 : index
    %get3A_875 = tpu.vector_load %arg6[%get3A_873, %get3A_874] {strides = array<i32>} : memref<3x128xi32, #tpu.memory_space<vmem>>, vector<1x16xi32>,
    %get3A_876 = vector.shape_cast %get3A_875 : vector<1x16xi32> to vector<16xi32>
    %get3A_877 = arith.constant 2 : i32
    %get3A_878 = arith.index_cast %get3A_877 : i32 to index
    %get3A_879 = arith.constant 112 : index
    %get3A_880 = tpu.vector_load %arg7[%get3A_878, %get3A_879] {strides = array<i32>} : memref<3x128xi32, #tpu.memory_space<vmem>>, vector<1x16xi32>,
    %get3A_881 = vector.shape_cast %get3A_880 : vector<1x16xi32> to vector<16xi32>
    %sub3A_882 = arith.subi %get3A_881, %get3A_876 : vector<16xi32>
    %convert_element_type3A_883 = arith.sitofp %sub3A_882 : vector<16xi32> to vector<16xf32>
    %get3A_884 = arith.constant 2 : i32
    %get3A_885 = arith.index_cast %get3A_884 : i32 to index
    %get3A_886 = arith.constant 112 : index
    %get3A_887 = tpu.vector_load %arg9[%get3A_885, %get3A_886] {strides = array<i32>} : memref<3x128xf32, #tpu.memory_space<vmem>>, vector<1x16xf32>,
    %get3A_888 = vector.shape_cast %get3A_887 : vector<1x16xf32> to vector<16xf32>
    %get3A_889 = arith.constant 2 : i32
    %get3A_890 = arith.index_cast %get3A_889 : i32 to index
    %get3A_891 = arith.constant 112 : index
    %get3A_892 = tpu.vector_load %arg8[%get3A_890, %get3A_891] {strides = array<i32>} : memref<3x128xf32, #tpu.memory_space<vmem>>, vector<1x16xf32>,
    %get3A_893 = vector.shape_cast %get3A_892 : vector<1x16xf32> to vector<16xf32>
    %sub3A_894 = arith.subf %get3A_888, %get3A_893 : vector<16xf32>
    %max3A_895 = arith.constant 1.000000e+00 : f32
    %max3A_896 = vector.broadcast %max3A_895 : f32 to vector<16xf32>
    %max3A_897 = arith.maximumf %convert_element_type3A_883, %max3A_896 : vector<16xf32>
    %div3A_898 = arith.divf %sub3A_894, %max3A_897 : vector<16xf32>
    %swap3A_899 = arith.constant 2 : i32
    %swap3A_900 = arith.index_cast %swap3A_899 : i32 to index
    %swap3A_901 = arith.constant 112 : index
    %swap3A_902 = tpu.vector_load %arg10[%swap3A_900, %swap3A_901] {strides = array<i32>} : memref<3x128xf32, #tpu.memory_space<vmem>>, vector<1x16xf32>,
    %swap3A_903 = vector.shape_cast %swap3A_902 : vector<1x16xf32> to vector<16xf32>
    %swap3A_904 = vector.shape_cast %div3A_898 : vector<16xf32> to vector<1x16xf32>
    tpu.vector_store %arg10[%swap3A_900, %swap3A_901], %swap3A_904 {strides = array<i32>} : memref<3x128xf32, #tpu.memory_space<vmem>>, vector<1x16xf32>,
    "tpu.region"() ({
      %run_scoped3A = tpu.sem_alloc : memref<!tpu.dma_semaphore, #tpu.memory_space<semaphore_mem>>
      %dma_start3A_905 = arith.constant 0 : i32
      %dma_start3A_906 = arith.constant 0 : i32
      %dma_start3A_907 = tpu.memref_slice %arg5[%add3A, %dma_start3A_905, %dma_start3A_906] : memref<32x3x128xf32, #tpu.memory_space<hbm>> -> memref<1x3x128xf32, #tpu.memory_space<hbm>>
      %dma_start3A_908 = tpu.memref_squeeze %dma_start3A_907 : memref<1x3x128xf32, #tpu.memory_space<hbm>> -> memref<3x128xf32, #tpu.memory_space<hbm>>
      %dma_start3A_909 = arith.constant 0 : i32
      %dma_start3A_910 = arith.constant 0 : i32
      %dma_start3A_911 = tpu.memref_slice %arg5[%add3A, %dma_start3A_909, %dma_start3A_910] : memref<32x3x128xf32, #tpu.memory_space<hbm>> -> memref<1x3x128xf32, #tpu.memory_space<hbm>>
      %dma_start3A_912 = tpu.memref_squeeze %dma_start3A_911 : memref<1x3x128xf32, #tpu.memory_space<hbm>> -> memref<3x128xf32, #tpu.memory_space<hbm>>
      tpu.enqueue_dma source(%arg10 : memref<3x128xf32, #tpu.memory_space<vmem>>) target(%dma_start3A_912 : memref<3x128xf32, #tpu.memory_space<hbm>>) target_semaphore(%run_scoped3A : memref<!tpu.dma_semaphore, #tpu.memory_space<semaphore_mem>>)
      %dma_wait3A_913 = arith.constant 0 : i32
      %dma_wait3A_914 = arith.constant 0 : i32
      %dma_wait3A_915 = tpu.memref_slice %arg5[%add3A, %dma_wait3A_913, %dma_wait3A_914] : memref<32x3x128xf32, #tpu.memory_space<hbm>> -> memref<1x3x128xf32, #tpu.memory_space<hbm>>
      %dma_wait3A_916 = tpu.memref_squeeze %dma_wait3A_915 : memref<1x3x128xf32, #tpu.memory_space<hbm>> -> memref<3x128xf32, #tpu.memory_space<hbm>>
      %dma_wait3A_917 = arith.constant 0 : i32
      %dma_wait3A_918 = arith.constant 0 : i32
      %dma_wait3A_919 = tpu.memref_slice %arg5[%add3A, %dma_wait3A_917, %dma_wait3A_918] : memref<32x3x128xf32, #tpu.memory_space<hbm>> -> memref<1x3x128xf32, #tpu.memory_space<hbm>>
      %dma_wait3A_920 = tpu.memref_squeeze %dma_wait3A_919 : memref<1x3x128xf32, #tpu.memory_space<hbm>> -> memref<3x128xf32, #tpu.memory_space<hbm>>
      tpu.wait_dma2 semaphore(%run_scoped3A : memref<!tpu.dma_semaphore, #tpu.memory_space<semaphore_mem>>) src(%arg10 : memref<3x128xf32, #tpu.memory_space<vmem>>) dst(%dma_wait3A_920 : memref<3x128xf32, #tpu.memory_space<hbm>>)
      tpu.yield
    }) : () -> ()
    return
  }
}

#map = affine_map<(d0, d1) -> (0)>
#map1 = affine_map<(d0, d1) -> (0, 0, 0)>
module attributes {stable_mosaic.version = 14 : i64} {
  func.func @k(%arg0: i32, %arg1: i32, %arg2: memref<100016xf32, #tpu.memory_space<hbm>>, %arg3: memref<32x80x128xi32, #tpu.memory_space<hbm>>, %arg4: memref<32x80x128xf32, #tpu.memory_space<hbm>>, %arg5: memref<80x128xi32, #tpu.memory_space<vmem>>, %arg6: memref<80x128xf32, #tpu.memory_space<vmem>>, %arg7: memref<!tpu.dma_semaphore, #tpu.memory_space<semaphore_mem>>) attributes {dimension_semantics = [#tpu.dimension_semantics<core_parallel>, #tpu.dimension_semantics<subcore_parallel>], iteration_bounds = array<i64: 2, 16>, scalar_prefetch = 0 : i64, scratch_operands = 3 : i64, tpu.core_type = #tpu.core_type<sc_vector_subcore>, window_params = [{transform_indices = #map}, {transform_indices = #map1}, {transform_indices = #map1}]} {
    %mul3A = arith.constant 2 : i32
    %mul3A_0 = arith.muli %arg1, %mul3A : i32
    %add3A = arith.addi %mul3A_0, %arg0 : i32
    "tpu.region"() ({
      %run_scoped3A = tpu.sem_alloc : memref<!tpu.dma_semaphore, #tpu.memory_space<semaphore_mem>>
      %dma_start3A = arith.constant 0 : i32
      %dma_start3A_7 = arith.constant 0 : i32
      %dma_start3A_8 = tpu.memref_slice %arg3[%add3A, %dma_start3A, %dma_start3A_7] : memref<32x80x128xi32, #tpu.memory_space<hbm>> -> memref<1x80x128xi32, #tpu.memory_space<hbm>>
      %dma_start3A_9 = tpu.memref_squeeze %dma_start3A_8 : memref<1x80x128xi32, #tpu.memory_space<hbm>> -> memref<80x128xi32, #tpu.memory_space<hbm>>
      %dma_start3A_10 = arith.constant 0 : i32
      %dma_start3A_11 = arith.constant 0 : i32
      %dma_start3A_12 = tpu.memref_slice %arg3[%add3A, %dma_start3A_10, %dma_start3A_11] : memref<32x80x128xi32, #tpu.memory_space<hbm>> -> memref<1x80x128xi32, #tpu.memory_space<hbm>>
      %dma_start3A_13 = tpu.memref_squeeze %dma_start3A_12 : memref<1x80x128xi32, #tpu.memory_space<hbm>> -> memref<80x128xi32, #tpu.memory_space<hbm>>
      tpu.enqueue_dma source(%dma_start3A_13 : memref<80x128xi32, #tpu.memory_space<hbm>>) target(%arg5 : memref<80x128xi32, #tpu.memory_space<vmem>>) target_semaphore(%run_scoped3A : memref<!tpu.dma_semaphore, #tpu.memory_space<semaphore_mem>>)
      %dma_wait3A = arith.constant 0 : i32
      %dma_wait3A_14 = arith.constant 0 : i32
      %dma_wait3A_15 = tpu.memref_slice %arg3[%add3A, %dma_wait3A, %dma_wait3A_14] : memref<32x80x128xi32, #tpu.memory_space<hbm>> -> memref<1x80x128xi32, #tpu.memory_space<hbm>>
      %dma_wait3A_16 = tpu.memref_squeeze %dma_wait3A_15 : memref<1x80x128xi32, #tpu.memory_space<hbm>> -> memref<80x128xi32, #tpu.memory_space<hbm>>
      %dma_wait3A_17 = arith.constant 0 : i32
      %dma_wait3A_18 = arith.constant 0 : i32
      %dma_wait3A_19 = tpu.memref_slice %arg3[%add3A, %dma_wait3A_17, %dma_wait3A_18] : memref<32x80x128xi32, #tpu.memory_space<hbm>> -> memref<1x80x128xi32, #tpu.memory_space<hbm>>
      %dma_wait3A_20 = tpu.memref_squeeze %dma_wait3A_19 : memref<1x80x128xi32, #tpu.memory_space<hbm>> -> memref<80x128xi32, #tpu.memory_space<hbm>>
      tpu.wait_dma2 semaphore(%run_scoped3A : memref<!tpu.dma_semaphore, #tpu.memory_space<semaphore_mem>>) src(%dma_wait3A_20 : memref<80x128xi32, #tpu.memory_space<hbm>>) dst(%arg5 : memref<80x128xi32, #tpu.memory_space<vmem>>)
      tpu.yield
    }) : () -> ()
    %scan3A = arith.constant 0 : i32
    %scan3A_1 = arith.constant 0 : i32
    %scan3A_2 = arith.constant 5 : i32
    %scan3A_3 = arith.addi %scan3A_1, %scan3A_2 : i32
    %scan3A_4 = arith.constant 1 : i32
    %scan3A_5 = scf.for %scan3A_7 = %scan3A_1 to %scan3A_3 step %scan3A_4 iter_args(%scan3A_8 = %scan3A) -> (i32)  : i32 {
      %mul3A_9 = arith.constant 16 : i32
      %mul3A_10 = arith.muli %scan3A_7, %mul3A_9 : i32
      %add3A_11 = arith.constant 0 : i32
      %add3A_12 = arith.addi %mul3A_10, %add3A_11 : i32
      %add3A_13 = arith.constant 0 : i32
      %add3A_14 = arith.addi %mul3A_10, %add3A_13 : i32
      %dma_start3A = arith.constant 0 : i32
      %dma_start3A_15 = tpu.memref_slice %arg6[%add3A_14, %dma_start3A] : memref<80x128xf32, #tpu.memory_space<vmem>> -> memref<1x128xf32, #tpu.memory_space<vmem>>
      %dma_start3A_16 = tpu.memref_squeeze %dma_start3A_15 : memref<1x128xf32, #tpu.memory_space<vmem>> -> memref<128xf32, #tpu.memory_space<vmem>>
      %dma_start3A_17 = arith.constant 0 : i32
      %dma_start3A_18 = tpu.memref_slice %arg5[%add3A_12, %dma_start3A_17] : memref<80x128xi32, #tpu.memory_space<vmem>> -> memref<1x128xi32, #tpu.memory_space<vmem>>
      %dma_start3A_19 = tpu.memref_squeeze %dma_start3A_18 : memref<1x128xi32, #tpu.memory_space<vmem>> -> memref<128xi32, #tpu.memory_space<vmem>>
      %dma_start3A_20 = arith.constant 0 : i32
      %dma_start3A_21 = tpu.memref_slice %arg2[%dma_start3A_20] : memref<100016xf32, #tpu.memory_space<hbm>> -> memref<100016xf32, #tpu.memory_space<hbm>>
      tpu.enqueue_indirect_dma source(%dma_start3A_21 : memref<100016xf32, #tpu.memory_space<hbm>>) target(%dma_start3A_16 : memref<128xf32, #tpu.memory_space<vmem>>) offsets(%dma_start3A_19 : memref<128xi32, #tpu.memory_space<vmem>>) semaphore(%arg7 : memref<!tpu.dma_semaphore, #tpu.memory_space<semaphore_mem>>)
      %add3A_22 = arith.constant 1 : i32
      %add3A_23 = arith.addi %mul3A_10, %add3A_22 : i32
      %add3A_24 = arith.constant 1 : i32
      %add3A_25 = arith.addi %mul3A_10, %add3A_24 : i32
      %dma_start3A_26 = arith.constant 0 : i32
      %dma_start3A_27 = tpu.memref_slice %arg6[%add3A_25, %dma_start3A_26] : memref<80x128xf32, #tpu.memory_space<vmem>> -> memref<1x128xf32, #tpu.memory_space<vmem>>
      %dma_start3A_28 = tpu.memref_squeeze %dma_start3A_27 : memref<1x128xf32, #tpu.memory_space<vmem>> -> memref<128xf32, #tpu.memory_space<vmem>>
      %dma_start3A_29 = arith.constant 0 : i32
      %dma_start3A_30 = tpu.memref_slice %arg5[%add3A_23, %dma_start3A_29] : memref<80x128xi32, #tpu.memory_space<vmem>> -> memref<1x128xi32, #tpu.memory_space<vmem>>
      %dma_start3A_31 = tpu.memref_squeeze %dma_start3A_30 : memref<1x128xi32, #tpu.memory_space<vmem>> -> memref<128xi32, #tpu.memory_space<vmem>>
      %dma_start3A_32 = arith.constant 0 : i32
      %dma_start3A_33 = tpu.memref_slice %arg2[%dma_start3A_32] : memref<100016xf32, #tpu.memory_space<hbm>> -> memref<100016xf32, #tpu.memory_space<hbm>>
      tpu.enqueue_indirect_dma source(%dma_start3A_33 : memref<100016xf32, #tpu.memory_space<hbm>>) target(%dma_start3A_28 : memref<128xf32, #tpu.memory_space<vmem>>) offsets(%dma_start3A_31 : memref<128xi32, #tpu.memory_space<vmem>>) semaphore(%arg7 : memref<!tpu.dma_semaphore, #tpu.memory_space<semaphore_mem>>)
      %add3A_34 = arith.constant 2 : i32
      %add3A_35 = arith.addi %mul3A_10, %add3A_34 : i32
      %add3A_36 = arith.constant 2 : i32
      %add3A_37 = arith.addi %mul3A_10, %add3A_36 : i32
      %dma_start3A_38 = arith.constant 0 : i32
      %dma_start3A_39 = tpu.memref_slice %arg6[%add3A_37, %dma_start3A_38] : memref<80x128xf32, #tpu.memory_space<vmem>> -> memref<1x128xf32, #tpu.memory_space<vmem>>
      %dma_start3A_40 = tpu.memref_squeeze %dma_start3A_39 : memref<1x128xf32, #tpu.memory_space<vmem>> -> memref<128xf32, #tpu.memory_space<vmem>>
      %dma_start3A_41 = arith.constant 0 : i32
      %dma_start3A_42 = tpu.memref_slice %arg5[%add3A_35, %dma_start3A_41] : memref<80x128xi32, #tpu.memory_space<vmem>> -> memref<1x128xi32, #tpu.memory_space<vmem>>
      %dma_start3A_43 = tpu.memref_squeeze %dma_start3A_42 : memref<1x128xi32, #tpu.memory_space<vmem>> -> memref<128xi32, #tpu.memory_space<vmem>>
      %dma_start3A_44 = arith.constant 0 : i32
      %dma_start3A_45 = tpu.memref_slice %arg2[%dma_start3A_44] : memref<100016xf32, #tpu.memory_space<hbm>> -> memref<100016xf32, #tpu.memory_space<hbm>>
      tpu.enqueue_indirect_dma source(%dma_start3A_45 : memref<100016xf32, #tpu.memory_space<hbm>>) target(%dma_start3A_40 : memref<128xf32, #tpu.memory_space<vmem>>) offsets(%dma_start3A_43 : memref<128xi32, #tpu.memory_space<vmem>>) semaphore(%arg7 : memref<!tpu.dma_semaphore, #tpu.memory_space<semaphore_mem>>)
      %add3A_46 = arith.constant 3 : i32
      %add3A_47 = arith.addi %mul3A_10, %add3A_46 : i32
      %add3A_48 = arith.constant 3 : i32
      %add3A_49 = arith.addi %mul3A_10, %add3A_48 : i32
      %dma_start3A_50 = arith.constant 0 : i32
      %dma_start3A_51 = tpu.memref_slice %arg6[%add3A_49, %dma_start3A_50] : memref<80x128xf32, #tpu.memory_space<vmem>> -> memref<1x128xf32, #tpu.memory_space<vmem>>
      %dma_start3A_52 = tpu.memref_squeeze %dma_start3A_51 : memref<1x128xf32, #tpu.memory_space<vmem>> -> memref<128xf32, #tpu.memory_space<vmem>>
      %dma_start3A_53 = arith.constant 0 : i32
      %dma_start3A_54 = tpu.memref_slice %arg5[%add3A_47, %dma_start3A_53] : memref<80x128xi32, #tpu.memory_space<vmem>> -> memref<1x128xi32, #tpu.memory_space<vmem>>
      %dma_start3A_55 = tpu.memref_squeeze %dma_start3A_54 : memref<1x128xi32, #tpu.memory_space<vmem>> -> memref<128xi32, #tpu.memory_space<vmem>>
      %dma_start3A_56 = arith.constant 0 : i32
      %dma_start3A_57 = tpu.memref_slice %arg2[%dma_start3A_56] : memref<100016xf32, #tpu.memory_space<hbm>> -> memref<100016xf32, #tpu.memory_space<hbm>>
      tpu.enqueue_indirect_dma source(%dma_start3A_57 : memref<100016xf32, #tpu.memory_space<hbm>>) target(%dma_start3A_52 : memref<128xf32, #tpu.memory_space<vmem>>) offsets(%dma_start3A_55 : memref<128xi32, #tpu.memory_space<vmem>>) semaphore(%arg7 : memref<!tpu.dma_semaphore, #tpu.memory_space<semaphore_mem>>)
      %add3A_58 = arith.constant 4 : i32
      %add3A_59 = arith.addi %mul3A_10, %add3A_58 : i32
      %add3A_60 = arith.constant 4 : i32
      %add3A_61 = arith.addi %mul3A_10, %add3A_60 : i32
      %dma_start3A_62 = arith.constant 0 : i32
      %dma_start3A_63 = tpu.memref_slice %arg6[%add3A_61, %dma_start3A_62] : memref<80x128xf32, #tpu.memory_space<vmem>> -> memref<1x128xf32, #tpu.memory_space<vmem>>
      %dma_start3A_64 = tpu.memref_squeeze %dma_start3A_63 : memref<1x128xf32, #tpu.memory_space<vmem>> -> memref<128xf32, #tpu.memory_space<vmem>>
      %dma_start3A_65 = arith.constant 0 : i32
      %dma_start3A_66 = tpu.memref_slice %arg5[%add3A_59, %dma_start3A_65] : memref<80x128xi32, #tpu.memory_space<vmem>> -> memref<1x128xi32, #tpu.memory_space<vmem>>
      %dma_start3A_67 = tpu.memref_squeeze %dma_start3A_66 : memref<1x128xi32, #tpu.memory_space<vmem>> -> memref<128xi32, #tpu.memory_space<vmem>>
      %dma_start3A_68 = arith.constant 0 : i32
      %dma_start3A_69 = tpu.memref_slice %arg2[%dma_start3A_68] : memref<100016xf32, #tpu.memory_space<hbm>> -> memref<100016xf32, #tpu.memory_space<hbm>>
      tpu.enqueue_indirect_dma source(%dma_start3A_69 : memref<100016xf32, #tpu.memory_space<hbm>>) target(%dma_start3A_64 : memref<128xf32, #tpu.memory_space<vmem>>) offsets(%dma_start3A_67 : memref<128xi32, #tpu.memory_space<vmem>>) semaphore(%arg7 : memref<!tpu.dma_semaphore, #tpu.memory_space<semaphore_mem>>)
      %add3A_70 = arith.constant 5 : i32
      %add3A_71 = arith.addi %mul3A_10, %add3A_70 : i32
      %add3A_72 = arith.constant 5 : i32
      %add3A_73 = arith.addi %mul3A_10, %add3A_72 : i32
      %dma_start3A_74 = arith.constant 0 : i32
      %dma_start3A_75 = tpu.memref_slice %arg6[%add3A_73, %dma_start3A_74] : memref<80x128xf32, #tpu.memory_space<vmem>> -> memref<1x128xf32, #tpu.memory_space<vmem>>
      %dma_start3A_76 = tpu.memref_squeeze %dma_start3A_75 : memref<1x128xf32, #tpu.memory_space<vmem>> -> memref<128xf32, #tpu.memory_space<vmem>>
      %dma_start3A_77 = arith.constant 0 : i32
      %dma_start3A_78 = tpu.memref_slice %arg5[%add3A_71, %dma_start3A_77] : memref<80x128xi32, #tpu.memory_space<vmem>> -> memref<1x128xi32, #tpu.memory_space<vmem>>
      %dma_start3A_79 = tpu.memref_squeeze %dma_start3A_78 : memref<1x128xi32, #tpu.memory_space<vmem>> -> memref<128xi32, #tpu.memory_space<vmem>>
      %dma_start3A_80 = arith.constant 0 : i32
      %dma_start3A_81 = tpu.memref_slice %arg2[%dma_start3A_80] : memref<100016xf32, #tpu.memory_space<hbm>> -> memref<100016xf32, #tpu.memory_space<hbm>>
      tpu.enqueue_indirect_dma source(%dma_start3A_81 : memref<100016xf32, #tpu.memory_space<hbm>>) target(%dma_start3A_76 : memref<128xf32, #tpu.memory_space<vmem>>) offsets(%dma_start3A_79 : memref<128xi32, #tpu.memory_space<vmem>>) semaphore(%arg7 : memref<!tpu.dma_semaphore, #tpu.memory_space<semaphore_mem>>)
      %add3A_82 = arith.constant 6 : i32
      %add3A_83 = arith.addi %mul3A_10, %add3A_82 : i32
      %add3A_84 = arith.constant 6 : i32
      %add3A_85 = arith.addi %mul3A_10, %add3A_84 : i32
      %dma_start3A_86 = arith.constant 0 : i32
      %dma_start3A_87 = tpu.memref_slice %arg6[%add3A_85, %dma_start3A_86] : memref<80x128xf32, #tpu.memory_space<vmem>> -> memref<1x128xf32, #tpu.memory_space<vmem>>
      %dma_start3A_88 = tpu.memref_squeeze %dma_start3A_87 : memref<1x128xf32, #tpu.memory_space<vmem>> -> memref<128xf32, #tpu.memory_space<vmem>>
      %dma_start3A_89 = arith.constant 0 : i32
      %dma_start3A_90 = tpu.memref_slice %arg5[%add3A_83, %dma_start3A_89] : memref<80x128xi32, #tpu.memory_space<vmem>> -> memref<1x128xi32, #tpu.memory_space<vmem>>
      %dma_start3A_91 = tpu.memref_squeeze %dma_start3A_90 : memref<1x128xi32, #tpu.memory_space<vmem>> -> memref<128xi32, #tpu.memory_space<vmem>>
      %dma_start3A_92 = arith.constant 0 : i32
      %dma_start3A_93 = tpu.memref_slice %arg2[%dma_start3A_92] : memref<100016xf32, #tpu.memory_space<hbm>> -> memref<100016xf32, #tpu.memory_space<hbm>>
      tpu.enqueue_indirect_dma source(%dma_start3A_93 : memref<100016xf32, #tpu.memory_space<hbm>>) target(%dma_start3A_88 : memref<128xf32, #tpu.memory_space<vmem>>) offsets(%dma_start3A_91 : memref<128xi32, #tpu.memory_space<vmem>>) semaphore(%arg7 : memref<!tpu.dma_semaphore, #tpu.memory_space<semaphore_mem>>)
      %add3A_94 = arith.constant 7 : i32
      %add3A_95 = arith.addi %mul3A_10, %add3A_94 : i32
      %add3A_96 = arith.constant 7 : i32
      %add3A_97 = arith.addi %mul3A_10, %add3A_96 : i32
      %dma_start3A_98 = arith.constant 0 : i32
      %dma_start3A_99 = tpu.memref_slice %arg6[%add3A_97, %dma_start3A_98] : memref<80x128xf32, #tpu.memory_space<vmem>> -> memref<1x128xf32, #tpu.memory_space<vmem>>
      %dma_start3A_100 = tpu.memref_squeeze %dma_start3A_99 : memref<1x128xf32, #tpu.memory_space<vmem>> -> memref<128xf32, #tpu.memory_space<vmem>>
      %dma_start3A_101 = arith.constant 0 : i32
      %dma_start3A_102 = tpu.memref_slice %arg5[%add3A_95, %dma_start3A_101] : memref<80x128xi32, #tpu.memory_space<vmem>> -> memref<1x128xi32, #tpu.memory_space<vmem>>
      %dma_start3A_103 = tpu.memref_squeeze %dma_start3A_102 : memref<1x128xi32, #tpu.memory_space<vmem>> -> memref<128xi32, #tpu.memory_space<vmem>>
      %dma_start3A_104 = arith.constant 0 : i32
      %dma_start3A_105 = tpu.memref_slice %arg2[%dma_start3A_104] : memref<100016xf32, #tpu.memory_space<hbm>> -> memref<100016xf32, #tpu.memory_space<hbm>>
      tpu.enqueue_indirect_dma source(%dma_start3A_105 : memref<100016xf32, #tpu.memory_space<hbm>>) target(%dma_start3A_100 : memref<128xf32, #tpu.memory_space<vmem>>) offsets(%dma_start3A_103 : memref<128xi32, #tpu.memory_space<vmem>>) semaphore(%arg7 : memref<!tpu.dma_semaphore, #tpu.memory_space<semaphore_mem>>)
      %add3A_106 = arith.constant 8 : i32
      %add3A_107 = arith.addi %mul3A_10, %add3A_106 : i32
      %add3A_108 = arith.constant 8 : i32
      %add3A_109 = arith.addi %mul3A_10, %add3A_108 : i32
      %dma_start3A_110 = arith.constant 0 : i32
      %dma_start3A_111 = tpu.memref_slice %arg6[%add3A_109, %dma_start3A_110] : memref<80x128xf32, #tpu.memory_space<vmem>> -> memref<1x128xf32, #tpu.memory_space<vmem>>
      %dma_start3A_112 = tpu.memref_squeeze %dma_start3A_111 : memref<1x128xf32, #tpu.memory_space<vmem>> -> memref<128xf32, #tpu.memory_space<vmem>>
      %dma_start3A_113 = arith.constant 0 : i32
      %dma_start3A_114 = tpu.memref_slice %arg5[%add3A_107, %dma_start3A_113] : memref<80x128xi32, #tpu.memory_space<vmem>> -> memref<1x128xi32, #tpu.memory_space<vmem>>
      %dma_start3A_115 = tpu.memref_squeeze %dma_start3A_114 : memref<1x128xi32, #tpu.memory_space<vmem>> -> memref<128xi32, #tpu.memory_space<vmem>>
      %dma_start3A_116 = arith.constant 0 : i32
      %dma_start3A_117 = tpu.memref_slice %arg2[%dma_start3A_116] : memref<100016xf32, #tpu.memory_space<hbm>> -> memref<100016xf32, #tpu.memory_space<hbm>>
      tpu.enqueue_indirect_dma source(%dma_start3A_117 : memref<100016xf32, #tpu.memory_space<hbm>>) target(%dma_start3A_112 : memref<128xf32, #tpu.memory_space<vmem>>) offsets(%dma_start3A_115 : memref<128xi32, #tpu.memory_space<vmem>>) semaphore(%arg7 : memref<!tpu.dma_semaphore, #tpu.memory_space<semaphore_mem>>)
      %add3A_118 = arith.constant 9 : i32
      %add3A_119 = arith.addi %mul3A_10, %add3A_118 : i32
      %add3A_120 = arith.constant 9 : i32
      %add3A_121 = arith.addi %mul3A_10, %add3A_120 : i32
      %dma_start3A_122 = arith.constant 0 : i32
      %dma_start3A_123 = tpu.memref_slice %arg6[%add3A_121, %dma_start3A_122] : memref<80x128xf32, #tpu.memory_space<vmem>> -> memref<1x128xf32, #tpu.memory_space<vmem>>
      %dma_start3A_124 = tpu.memref_squeeze %dma_start3A_123 : memref<1x128xf32, #tpu.memory_space<vmem>> -> memref<128xf32, #tpu.memory_space<vmem>>
      %dma_start3A_125 = arith.constant 0 : i32
      %dma_start3A_126 = tpu.memref_slice %arg5[%add3A_119, %dma_start3A_125] : memref<80x128xi32, #tpu.memory_space<vmem>> -> memref<1x128xi32, #tpu.memory_space<vmem>>
      %dma_start3A_127 = tpu.memref_squeeze %dma_start3A_126 : memref<1x128xi32, #tpu.memory_space<vmem>> -> memref<128xi32, #tpu.memory_space<vmem>>
      %dma_start3A_128 = arith.constant 0 : i32
      %dma_start3A_129 = tpu.memref_slice %arg2[%dma_start3A_128] : memref<100016xf32, #tpu.memory_space<hbm>> -> memref<100016xf32, #tpu.memory_space<hbm>>
      tpu.enqueue_indirect_dma source(%dma_start3A_129 : memref<100016xf32, #tpu.memory_space<hbm>>) target(%dma_start3A_124 : memref<128xf32, #tpu.memory_space<vmem>>) offsets(%dma_start3A_127 : memref<128xi32, #tpu.memory_space<vmem>>) semaphore(%arg7 : memref<!tpu.dma_semaphore, #tpu.memory_space<semaphore_mem>>)
      %add3A_130 = arith.constant 10 : i32
      %add3A_131 = arith.addi %mul3A_10, %add3A_130 : i32
      %add3A_132 = arith.constant 10 : i32
      %add3A_133 = arith.addi %mul3A_10, %add3A_132 : i32
      %dma_start3A_134 = arith.constant 0 : i32
      %dma_start3A_135 = tpu.memref_slice %arg6[%add3A_133, %dma_start3A_134] : memref<80x128xf32, #tpu.memory_space<vmem>> -> memref<1x128xf32, #tpu.memory_space<vmem>>
      %dma_start3A_136 = tpu.memref_squeeze %dma_start3A_135 : memref<1x128xf32, #tpu.memory_space<vmem>> -> memref<128xf32, #tpu.memory_space<vmem>>
      %dma_start3A_137 = arith.constant 0 : i32
      %dma_start3A_138 = tpu.memref_slice %arg5[%add3A_131, %dma_start3A_137] : memref<80x128xi32, #tpu.memory_space<vmem>> -> memref<1x128xi32, #tpu.memory_space<vmem>>
      %dma_start3A_139 = tpu.memref_squeeze %dma_start3A_138 : memref<1x128xi32, #tpu.memory_space<vmem>> -> memref<128xi32, #tpu.memory_space<vmem>>
      %dma_start3A_140 = arith.constant 0 : i32
      %dma_start3A_141 = tpu.memref_slice %arg2[%dma_start3A_140] : memref<100016xf32, #tpu.memory_space<hbm>> -> memref<100016xf32, #tpu.memory_space<hbm>>
      tpu.enqueue_indirect_dma source(%dma_start3A_141 : memref<100016xf32, #tpu.memory_space<hbm>>) target(%dma_start3A_136 : memref<128xf32, #tpu.memory_space<vmem>>) offsets(%dma_start3A_139 : memref<128xi32, #tpu.memory_space<vmem>>) semaphore(%arg7 : memref<!tpu.dma_semaphore, #tpu.memory_space<semaphore_mem>>)
      %add3A_142 = arith.constant 11 : i32
      %add3A_143 = arith.addi %mul3A_10, %add3A_142 : i32
      %add3A_144 = arith.constant 11 : i32
      %add3A_145 = arith.addi %mul3A_10, %add3A_144 : i32
      %dma_start3A_146 = arith.constant 0 : i32
      %dma_start3A_147 = tpu.memref_slice %arg6[%add3A_145, %dma_start3A_146] : memref<80x128xf32, #tpu.memory_space<vmem>> -> memref<1x128xf32, #tpu.memory_space<vmem>>
      %dma_start3A_148 = tpu.memref_squeeze %dma_start3A_147 : memref<1x128xf32, #tpu.memory_space<vmem>> -> memref<128xf32, #tpu.memory_space<vmem>>
      %dma_start3A_149 = arith.constant 0 : i32
      %dma_start3A_150 = tpu.memref_slice %arg5[%add3A_143, %dma_start3A_149] : memref<80x128xi32, #tpu.memory_space<vmem>> -> memref<1x128xi32, #tpu.memory_space<vmem>>
      %dma_start3A_151 = tpu.memref_squeeze %dma_start3A_150 : memref<1x128xi32, #tpu.memory_space<vmem>> -> memref<128xi32, #tpu.memory_space<vmem>>
      %dma_start3A_152 = arith.constant 0 : i32
      %dma_start3A_153 = tpu.memref_slice %arg2[%dma_start3A_152] : memref<100016xf32, #tpu.memory_space<hbm>> -> memref<100016xf32, #tpu.memory_space<hbm>>
      tpu.enqueue_indirect_dma source(%dma_start3A_153 : memref<100016xf32, #tpu.memory_space<hbm>>) target(%dma_start3A_148 : memref<128xf32, #tpu.memory_space<vmem>>) offsets(%dma_start3A_151 : memref<128xi32, #tpu.memory_space<vmem>>) semaphore(%arg7 : memref<!tpu.dma_semaphore, #tpu.memory_space<semaphore_mem>>)
      %add3A_154 = arith.constant 12 : i32
      %add3A_155 = arith.addi %mul3A_10, %add3A_154 : i32
      %add3A_156 = arith.constant 12 : i32
      %add3A_157 = arith.addi %mul3A_10, %add3A_156 : i32
      %dma_start3A_158 = arith.constant 0 : i32
      %dma_start3A_159 = tpu.memref_slice %arg6[%add3A_157, %dma_start3A_158] : memref<80x128xf32, #tpu.memory_space<vmem>> -> memref<1x128xf32, #tpu.memory_space<vmem>>
      %dma_start3A_160 = tpu.memref_squeeze %dma_start3A_159 : memref<1x128xf32, #tpu.memory_space<vmem>> -> memref<128xf32, #tpu.memory_space<vmem>>
      %dma_start3A_161 = arith.constant 0 : i32
      %dma_start3A_162 = tpu.memref_slice %arg5[%add3A_155, %dma_start3A_161] : memref<80x128xi32, #tpu.memory_space<vmem>> -> memref<1x128xi32, #tpu.memory_space<vmem>>
      %dma_start3A_163 = tpu.memref_squeeze %dma_start3A_162 : memref<1x128xi32, #tpu.memory_space<vmem>> -> memref<128xi32, #tpu.memory_space<vmem>>
      %dma_start3A_164 = arith.constant 0 : i32
      %dma_start3A_165 = tpu.memref_slice %arg2[%dma_start3A_164] : memref<100016xf32, #tpu.memory_space<hbm>> -> memref<100016xf32, #tpu.memory_space<hbm>>
      tpu.enqueue_indirect_dma source(%dma_start3A_165 : memref<100016xf32, #tpu.memory_space<hbm>>) target(%dma_start3A_160 : memref<128xf32, #tpu.memory_space<vmem>>) offsets(%dma_start3A_163 : memref<128xi32, #tpu.memory_space<vmem>>) semaphore(%arg7 : memref<!tpu.dma_semaphore, #tpu.memory_space<semaphore_mem>>)
      %add3A_166 = arith.constant 13 : i32
      %add3A_167 = arith.addi %mul3A_10, %add3A_166 : i32
      %add3A_168 = arith.constant 13 : i32
      %add3A_169 = arith.addi %mul3A_10, %add3A_168 : i32
      %dma_start3A_170 = arith.constant 0 : i32
      %dma_start3A_171 = tpu.memref_slice %arg6[%add3A_169, %dma_start3A_170] : memref<80x128xf32, #tpu.memory_space<vmem>> -> memref<1x128xf32, #tpu.memory_space<vmem>>
      %dma_start3A_172 = tpu.memref_squeeze %dma_start3A_171 : memref<1x128xf32, #tpu.memory_space<vmem>> -> memref<128xf32, #tpu.memory_space<vmem>>
      %dma_start3A_173 = arith.constant 0 : i32
      %dma_start3A_174 = tpu.memref_slice %arg5[%add3A_167, %dma_start3A_173] : memref<80x128xi32, #tpu.memory_space<vmem>> -> memref<1x128xi32, #tpu.memory_space<vmem>>
      %dma_start3A_175 = tpu.memref_squeeze %dma_start3A_174 : memref<1x128xi32, #tpu.memory_space<vmem>> -> memref<128xi32, #tpu.memory_space<vmem>>
      %dma_start3A_176 = arith.constant 0 : i32
      %dma_start3A_177 = tpu.memref_slice %arg2[%dma_start3A_176] : memref<100016xf32, #tpu.memory_space<hbm>> -> memref<100016xf32, #tpu.memory_space<hbm>>
      tpu.enqueue_indirect_dma source(%dma_start3A_177 : memref<100016xf32, #tpu.memory_space<hbm>>) target(%dma_start3A_172 : memref<128xf32, #tpu.memory_space<vmem>>) offsets(%dma_start3A_175 : memref<128xi32, #tpu.memory_space<vmem>>) semaphore(%arg7 : memref<!tpu.dma_semaphore, #tpu.memory_space<semaphore_mem>>)
      %add3A_178 = arith.constant 14 : i32
      %add3A_179 = arith.addi %mul3A_10, %add3A_178 : i32
      %add3A_180 = arith.constant 14 : i32
      %add3A_181 = arith.addi %mul3A_10, %add3A_180 : i32
      %dma_start3A_182 = arith.constant 0 : i32
      %dma_start3A_183 = tpu.memref_slice %arg6[%add3A_181, %dma_start3A_182] : memref<80x128xf32, #tpu.memory_space<vmem>> -> memref<1x128xf32, #tpu.memory_space<vmem>>
      %dma_start3A_184 = tpu.memref_squeeze %dma_start3A_183 : memref<1x128xf32, #tpu.memory_space<vmem>> -> memref<128xf32, #tpu.memory_space<vmem>>
      %dma_start3A_185 = arith.constant 0 : i32
      %dma_start3A_186 = tpu.memref_slice %arg5[%add3A_179, %dma_start3A_185] : memref<80x128xi32, #tpu.memory_space<vmem>> -> memref<1x128xi32, #tpu.memory_space<vmem>>
      %dma_start3A_187 = tpu.memref_squeeze %dma_start3A_186 : memref<1x128xi32, #tpu.memory_space<vmem>> -> memref<128xi32, #tpu.memory_space<vmem>>
      %dma_start3A_188 = arith.constant 0 : i32
      %dma_start3A_189 = tpu.memref_slice %arg2[%dma_start3A_188] : memref<100016xf32, #tpu.memory_space<hbm>> -> memref<100016xf32, #tpu.memory_space<hbm>>
      tpu.enqueue_indirect_dma source(%dma_start3A_189 : memref<100016xf32, #tpu.memory_space<hbm>>) target(%dma_start3A_184 : memref<128xf32, #tpu.memory_space<vmem>>) offsets(%dma_start3A_187 : memref<128xi32, #tpu.memory_space<vmem>>) semaphore(%arg7 : memref<!tpu.dma_semaphore, #tpu.memory_space<semaphore_mem>>)
      %add3A_190 = arith.constant 15 : i32
      %add3A_191 = arith.addi %mul3A_10, %add3A_190 : i32
      %add3A_192 = arith.constant 15 : i32
      %add3A_193 = arith.addi %mul3A_10, %add3A_192 : i32
      %dma_start3A_194 = arith.constant 0 : i32
      %dma_start3A_195 = tpu.memref_slice %arg6[%add3A_193, %dma_start3A_194] : memref<80x128xf32, #tpu.memory_space<vmem>> -> memref<1x128xf32, #tpu.memory_space<vmem>>
      %dma_start3A_196 = tpu.memref_squeeze %dma_start3A_195 : memref<1x128xf32, #tpu.memory_space<vmem>> -> memref<128xf32, #tpu.memory_space<vmem>>
      %dma_start3A_197 = arith.constant 0 : i32
      %dma_start3A_198 = tpu.memref_slice %arg5[%add3A_191, %dma_start3A_197] : memref<80x128xi32, #tpu.memory_space<vmem>> -> memref<1x128xi32, #tpu.memory_space<vmem>>
      %dma_start3A_199 = tpu.memref_squeeze %dma_start3A_198 : memref<1x128xi32, #tpu.memory_space<vmem>> -> memref<128xi32, #tpu.memory_space<vmem>>
      %dma_start3A_200 = arith.constant 0 : i32
      %dma_start3A_201 = tpu.memref_slice %arg2[%dma_start3A_200] : memref<100016xf32, #tpu.memory_space<hbm>> -> memref<100016xf32, #tpu.memory_space<hbm>>
      tpu.enqueue_indirect_dma source(%dma_start3A_201 : memref<100016xf32, #tpu.memory_space<hbm>>) target(%dma_start3A_196 : memref<128xf32, #tpu.memory_space<vmem>>) offsets(%dma_start3A_199 : memref<128xi32, #tpu.memory_space<vmem>>) semaphore(%arg7 : memref<!tpu.dma_semaphore, #tpu.memory_space<semaphore_mem>>)
      %dma_wait3A = arith.constant 0 : i32
      %dma_wait3A_202 = tpu.memref_slice %arg6[%add3A_14, %dma_wait3A] : memref<80x128xf32, #tpu.memory_space<vmem>> -> memref<1x128xf32, #tpu.memory_space<vmem>>
      %dma_wait3A_203 = tpu.memref_squeeze %dma_wait3A_202 : memref<1x128xf32, #tpu.memory_space<vmem>> -> memref<128xf32, #tpu.memory_space<vmem>>
      %dma_wait3A_204 = arith.constant 0 : i32
      %dma_wait3A_205 = tpu.memref_slice %arg5[%add3A_12, %dma_wait3A_204] : memref<80x128xi32, #tpu.memory_space<vmem>> -> memref<1x128xi32, #tpu.memory_space<vmem>>
      %dma_wait3A_206 = tpu.memref_squeeze %dma_wait3A_205 : memref<1x128xi32, #tpu.memory_space<vmem>> -> memref<128xi32, #tpu.memory_space<vmem>>
      %dma_wait3A_207 = arith.constant 0 : i32
      %dma_wait3A_208 = tpu.memref_slice %arg2[%dma_wait3A_207] : memref<100016xf32, #tpu.memory_space<hbm>> -> memref<100016xf32, #tpu.memory_space<hbm>>
      tpu.wait_indirect_dma semaphore(%arg7 : memref<!tpu.dma_semaphore, #tpu.memory_space<semaphore_mem>>) src(%dma_wait3A_208 : memref<100016xf32, #tpu.memory_space<hbm>>) dst(%dma_wait3A_203 : memref<128xf32, #tpu.memory_space<vmem>>)
      %dma_wait3A_209 = arith.constant 0 : i32
      %dma_wait3A_210 = tpu.memref_slice %arg6[%add3A_25, %dma_wait3A_209] : memref<80x128xf32, #tpu.memory_space<vmem>> -> memref<1x128xf32, #tpu.memory_space<vmem>>
      %dma_wait3A_211 = tpu.memref_squeeze %dma_wait3A_210 : memref<1x128xf32, #tpu.memory_space<vmem>> -> memref<128xf32, #tpu.memory_space<vmem>>
      %dma_wait3A_212 = arith.constant 0 : i32
      %dma_wait3A_213 = tpu.memref_slice %arg5[%add3A_23, %dma_wait3A_212] : memref<80x128xi32, #tpu.memory_space<vmem>> -> memref<1x128xi32, #tpu.memory_space<vmem>>
      %dma_wait3A_214 = tpu.memref_squeeze %dma_wait3A_213 : memref<1x128xi32, #tpu.memory_space<vmem>> -> memref<128xi32, #tpu.memory_space<vmem>>
      %dma_wait3A_215 = arith.constant 0 : i32
      %dma_wait3A_216 = tpu.memref_slice %arg2[%dma_wait3A_215] : memref<100016xf32, #tpu.memory_space<hbm>> -> memref<100016xf32, #tpu.memory_space<hbm>>
      tpu.wait_indirect_dma semaphore(%arg7 : memref<!tpu.dma_semaphore, #tpu.memory_space<semaphore_mem>>) src(%dma_wait3A_216 : memref<100016xf32, #tpu.memory_space<hbm>>) dst(%dma_wait3A_211 : memref<128xf32, #tpu.memory_space<vmem>>)
      %dma_wait3A_217 = arith.constant 0 : i32
      %dma_wait3A_218 = tpu.memref_slice %arg6[%add3A_37, %dma_wait3A_217] : memref<80x128xf32, #tpu.memory_space<vmem>> -> memref<1x128xf32, #tpu.memory_space<vmem>>
      %dma_wait3A_219 = tpu.memref_squeeze %dma_wait3A_218 : memref<1x128xf32, #tpu.memory_space<vmem>> -> memref<128xf32, #tpu.memory_space<vmem>>
      %dma_wait3A_220 = arith.constant 0 : i32
      %dma_wait3A_221 = tpu.memref_slice %arg5[%add3A_35, %dma_wait3A_220] : memref<80x128xi32, #tpu.memory_space<vmem>> -> memref<1x128xi32, #tpu.memory_space<vmem>>
      %dma_wait3A_222 = tpu.memref_squeeze %dma_wait3A_221 : memref<1x128xi32, #tpu.memory_space<vmem>> -> memref<128xi32, #tpu.memory_space<vmem>>
      %dma_wait3A_223 = arith.constant 0 : i32
      %dma_wait3A_224 = tpu.memref_slice %arg2[%dma_wait3A_223] : memref<100016xf32, #tpu.memory_space<hbm>> -> memref<100016xf32, #tpu.memory_space<hbm>>
      tpu.wait_indirect_dma semaphore(%arg7 : memref<!tpu.dma_semaphore, #tpu.memory_space<semaphore_mem>>) src(%dma_wait3A_224 : memref<100016xf32, #tpu.memory_space<hbm>>) dst(%dma_wait3A_219 : memref<128xf32, #tpu.memory_space<vmem>>)
      %dma_wait3A_225 = arith.constant 0 : i32
      %dma_wait3A_226 = tpu.memref_slice %arg6[%add3A_49, %dma_wait3A_225] : memref<80x128xf32, #tpu.memory_space<vmem>> -> memref<1x128xf32, #tpu.memory_space<vmem>>
      %dma_wait3A_227 = tpu.memref_squeeze %dma_wait3A_226 : memref<1x128xf32, #tpu.memory_space<vmem>> -> memref<128xf32, #tpu.memory_space<vmem>>
      %dma_wait3A_228 = arith.constant 0 : i32
      %dma_wait3A_229 = tpu.memref_slice %arg5[%add3A_47, %dma_wait3A_228] : memref<80x128xi32, #tpu.memory_space<vmem>> -> memref<1x128xi32, #tpu.memory_space<vmem>>
      %dma_wait3A_230 = tpu.memref_squeeze %dma_wait3A_229 : memref<1x128xi32, #tpu.memory_space<vmem>> -> memref<128xi32, #tpu.memory_space<vmem>>
      %dma_wait3A_231 = arith.constant 0 : i32
      %dma_wait3A_232 = tpu.memref_slice %arg2[%dma_wait3A_231] : memref<100016xf32, #tpu.memory_space<hbm>> -> memref<100016xf32, #tpu.memory_space<hbm>>
      tpu.wait_indirect_dma semaphore(%arg7 : memref<!tpu.dma_semaphore, #tpu.memory_space<semaphore_mem>>) src(%dma_wait3A_232 : memref<100016xf32, #tpu.memory_space<hbm>>) dst(%dma_wait3A_227 : memref<128xf32, #tpu.memory_space<vmem>>)
      %dma_wait3A_233 = arith.constant 0 : i32
      %dma_wait3A_234 = tpu.memref_slice %arg6[%add3A_61, %dma_wait3A_233] : memref<80x128xf32, #tpu.memory_space<vmem>> -> memref<1x128xf32, #tpu.memory_space<vmem>>
      %dma_wait3A_235 = tpu.memref_squeeze %dma_wait3A_234 : memref<1x128xf32, #tpu.memory_space<vmem>> -> memref<128xf32, #tpu.memory_space<vmem>>
      %dma_wait3A_236 = arith.constant 0 : i32
      %dma_wait3A_237 = tpu.memref_slice %arg5[%add3A_59, %dma_wait3A_236] : memref<80x128xi32, #tpu.memory_space<vmem>> -> memref<1x128xi32, #tpu.memory_space<vmem>>
      %dma_wait3A_238 = tpu.memref_squeeze %dma_wait3A_237 : memref<1x128xi32, #tpu.memory_space<vmem>> -> memref<128xi32, #tpu.memory_space<vmem>>
      %dma_wait3A_239 = arith.constant 0 : i32
      %dma_wait3A_240 = tpu.memref_slice %arg2[%dma_wait3A_239] : memref<100016xf32, #tpu.memory_space<hbm>> -> memref<100016xf32, #tpu.memory_space<hbm>>
      tpu.wait_indirect_dma semaphore(%arg7 : memref<!tpu.dma_semaphore, #tpu.memory_space<semaphore_mem>>) src(%dma_wait3A_240 : memref<100016xf32, #tpu.memory_space<hbm>>) dst(%dma_wait3A_235 : memref<128xf32, #tpu.memory_space<vmem>>)
      %dma_wait3A_241 = arith.constant 0 : i32
      %dma_wait3A_242 = tpu.memref_slice %arg6[%add3A_73, %dma_wait3A_241] : memref<80x128xf32, #tpu.memory_space<vmem>> -> memref<1x128xf32, #tpu.memory_space<vmem>>
      %dma_wait3A_243 = tpu.memref_squeeze %dma_wait3A_242 : memref<1x128xf32, #tpu.memory_space<vmem>> -> memref<128xf32, #tpu.memory_space<vmem>>
      %dma_wait3A_244 = arith.constant 0 : i32
      %dma_wait3A_245 = tpu.memref_slice %arg5[%add3A_71, %dma_wait3A_244] : memref<80x128xi32, #tpu.memory_space<vmem>> -> memref<1x128xi32, #tpu.memory_space<vmem>>
      %dma_wait3A_246 = tpu.memref_squeeze %dma_wait3A_245 : memref<1x128xi32, #tpu.memory_space<vmem>> -> memref<128xi32, #tpu.memory_space<vmem>>
      %dma_wait3A_247 = arith.constant 0 : i32
      %dma_wait3A_248 = tpu.memref_slice %arg2[%dma_wait3A_247] : memref<100016xf32, #tpu.memory_space<hbm>> -> memref<100016xf32, #tpu.memory_space<hbm>>
      tpu.wait_indirect_dma semaphore(%arg7 : memref<!tpu.dma_semaphore, #tpu.memory_space<semaphore_mem>>) src(%dma_wait3A_248 : memref<100016xf32, #tpu.memory_space<hbm>>) dst(%dma_wait3A_243 : memref<128xf32, #tpu.memory_space<vmem>>)
      %dma_wait3A_249 = arith.constant 0 : i32
      %dma_wait3A_250 = tpu.memref_slice %arg6[%add3A_85, %dma_wait3A_249] : memref<80x128xf32, #tpu.memory_space<vmem>> -> memref<1x128xf32, #tpu.memory_space<vmem>>
      %dma_wait3A_251 = tpu.memref_squeeze %dma_wait3A_250 : memref<1x128xf32, #tpu.memory_space<vmem>> -> memref<128xf32, #tpu.memory_space<vmem>>
      %dma_wait3A_252 = arith.constant 0 : i32
      %dma_wait3A_253 = tpu.memref_slice %arg5[%add3A_83, %dma_wait3A_252] : memref<80x128xi32, #tpu.memory_space<vmem>> -> memref<1x128xi32, #tpu.memory_space<vmem>>
      %dma_wait3A_254 = tpu.memref_squeeze %dma_wait3A_253 : memref<1x128xi32, #tpu.memory_space<vmem>> -> memref<128xi32, #tpu.memory_space<vmem>>
      %dma_wait3A_255 = arith.constant 0 : i32
      %dma_wait3A_256 = tpu.memref_slice %arg2[%dma_wait3A_255] : memref<100016xf32, #tpu.memory_space<hbm>> -> memref<100016xf32, #tpu.memory_space<hbm>>
      tpu.wait_indirect_dma semaphore(%arg7 : memref<!tpu.dma_semaphore, #tpu.memory_space<semaphore_mem>>) src(%dma_wait3A_256 : memref<100016xf32, #tpu.memory_space<hbm>>) dst(%dma_wait3A_251 : memref<128xf32, #tpu.memory_space<vmem>>)
      %dma_wait3A_257 = arith.constant 0 : i32
      %dma_wait3A_258 = tpu.memref_slice %arg6[%add3A_97, %dma_wait3A_257] : memref<80x128xf32, #tpu.memory_space<vmem>> -> memref<1x128xf32, #tpu.memory_space<vmem>>
      %dma_wait3A_259 = tpu.memref_squeeze %dma_wait3A_258 : memref<1x128xf32, #tpu.memory_space<vmem>> -> memref<128xf32, #tpu.memory_space<vmem>>
      %dma_wait3A_260 = arith.constant 0 : i32
      %dma_wait3A_261 = tpu.memref_slice %arg5[%add3A_95, %dma_wait3A_260] : memref<80x128xi32, #tpu.memory_space<vmem>> -> memref<1x128xi32, #tpu.memory_space<vmem>>
      %dma_wait3A_262 = tpu.memref_squeeze %dma_wait3A_261 : memref<1x128xi32, #tpu.memory_space<vmem>> -> memref<128xi32, #tpu.memory_space<vmem>>
      %dma_wait3A_263 = arith.constant 0 : i32
      %dma_wait3A_264 = tpu.memref_slice %arg2[%dma_wait3A_263] : memref<100016xf32, #tpu.memory_space<hbm>> -> memref<100016xf32, #tpu.memory_space<hbm>>
      tpu.wait_indirect_dma semaphore(%arg7 : memref<!tpu.dma_semaphore, #tpu.memory_space<semaphore_mem>>) src(%dma_wait3A_264 : memref<100016xf32, #tpu.memory_space<hbm>>) dst(%dma_wait3A_259 : memref<128xf32, #tpu.memory_space<vmem>>)
      %dma_wait3A_265 = arith.constant 0 : i32
      %dma_wait3A_266 = tpu.memref_slice %arg6[%add3A_109, %dma_wait3A_265] : memref<80x128xf32, #tpu.memory_space<vmem>> -> memref<1x128xf32, #tpu.memory_space<vmem>>
      %dma_wait3A_267 = tpu.memref_squeeze %dma_wait3A_266 : memref<1x128xf32, #tpu.memory_space<vmem>> -> memref<128xf32, #tpu.memory_space<vmem>>
      %dma_wait3A_268 = arith.constant 0 : i32
      %dma_wait3A_269 = tpu.memref_slice %arg5[%add3A_107, %dma_wait3A_268] : memref<80x128xi32, #tpu.memory_space<vmem>> -> memref<1x128xi32, #tpu.memory_space<vmem>>
      %dma_wait3A_270 = tpu.memref_squeeze %dma_wait3A_269 : memref<1x128xi32, #tpu.memory_space<vmem>> -> memref<128xi32, #tpu.memory_space<vmem>>
      %dma_wait3A_271 = arith.constant 0 : i32
      %dma_wait3A_272 = tpu.memref_slice %arg2[%dma_wait3A_271] : memref<100016xf32, #tpu.memory_space<hbm>> -> memref<100016xf32, #tpu.memory_space<hbm>>
      tpu.wait_indirect_dma semaphore(%arg7 : memref<!tpu.dma_semaphore, #tpu.memory_space<semaphore_mem>>) src(%dma_wait3A_272 : memref<100016xf32, #tpu.memory_space<hbm>>) dst(%dma_wait3A_267 : memref<128xf32, #tpu.memory_space<vmem>>)
      %dma_wait3A_273 = arith.constant 0 : i32
      %dma_wait3A_274 = tpu.memref_slice %arg6[%add3A_121, %dma_wait3A_273] : memref<80x128xf32, #tpu.memory_space<vmem>> -> memref<1x128xf32, #tpu.memory_space<vmem>>
      %dma_wait3A_275 = tpu.memref_squeeze %dma_wait3A_274 : memref<1x128xf32, #tpu.memory_space<vmem>> -> memref<128xf32, #tpu.memory_space<vmem>>
      %dma_wait3A_276 = arith.constant 0 : i32
      %dma_wait3A_277 = tpu.memref_slice %arg5[%add3A_119, %dma_wait3A_276] : memref<80x128xi32, #tpu.memory_space<vmem>> -> memref<1x128xi32, #tpu.memory_space<vmem>>
      %dma_wait3A_278 = tpu.memref_squeeze %dma_wait3A_277 : memref<1x128xi32, #tpu.memory_space<vmem>> -> memref<128xi32, #tpu.memory_space<vmem>>
      %dma_wait3A_279 = arith.constant 0 : i32
      %dma_wait3A_280 = tpu.memref_slice %arg2[%dma_wait3A_279] : memref<100016xf32, #tpu.memory_space<hbm>> -> memref<100016xf32, #tpu.memory_space<hbm>>
      tpu.wait_indirect_dma semaphore(%arg7 : memref<!tpu.dma_semaphore, #tpu.memory_space<semaphore_mem>>) src(%dma_wait3A_280 : memref<100016xf32, #tpu.memory_space<hbm>>) dst(%dma_wait3A_275 : memref<128xf32, #tpu.memory_space<vmem>>)
      %dma_wait3A_281 = arith.constant 0 : i32
      %dma_wait3A_282 = tpu.memref_slice %arg6[%add3A_133, %dma_wait3A_281] : memref<80x128xf32, #tpu.memory_space<vmem>> -> memref<1x128xf32, #tpu.memory_space<vmem>>
      %dma_wait3A_283 = tpu.memref_squeeze %dma_wait3A_282 : memref<1x128xf32, #tpu.memory_space<vmem>> -> memref<128xf32, #tpu.memory_space<vmem>>
      %dma_wait3A_284 = arith.constant 0 : i32
      %dma_wait3A_285 = tpu.memref_slice %arg5[%add3A_131, %dma_wait3A_284] : memref<80x128xi32, #tpu.memory_space<vmem>> -> memref<1x128xi32, #tpu.memory_space<vmem>>
      %dma_wait3A_286 = tpu.memref_squeeze %dma_wait3A_285 : memref<1x128xi32, #tpu.memory_space<vmem>> -> memref<128xi32, #tpu.memory_space<vmem>>
      %dma_wait3A_287 = arith.constant 0 : i32
      %dma_wait3A_288 = tpu.memref_slice %arg2[%dma_wait3A_287] : memref<100016xf32, #tpu.memory_space<hbm>> -> memref<100016xf32, #tpu.memory_space<hbm>>
      tpu.wait_indirect_dma semaphore(%arg7 : memref<!tpu.dma_semaphore, #tpu.memory_space<semaphore_mem>>) src(%dma_wait3A_288 : memref<100016xf32, #tpu.memory_space<hbm>>) dst(%dma_wait3A_283 : memref<128xf32, #tpu.memory_space<vmem>>)
      %dma_wait3A_289 = arith.constant 0 : i32
      %dma_wait3A_290 = tpu.memref_slice %arg6[%add3A_145, %dma_wait3A_289] : memref<80x128xf32, #tpu.memory_space<vmem>> -> memref<1x128xf32, #tpu.memory_space<vmem>>
      %dma_wait3A_291 = tpu.memref_squeeze %dma_wait3A_290 : memref<1x128xf32, #tpu.memory_space<vmem>> -> memref<128xf32, #tpu.memory_space<vmem>>
      %dma_wait3A_292 = arith.constant 0 : i32
      %dma_wait3A_293 = tpu.memref_slice %arg5[%add3A_143, %dma_wait3A_292] : memref<80x128xi32, #tpu.memory_space<vmem>> -> memref<1x128xi32, #tpu.memory_space<vmem>>
      %dma_wait3A_294 = tpu.memref_squeeze %dma_wait3A_293 : memref<1x128xi32, #tpu.memory_space<vmem>> -> memref<128xi32, #tpu.memory_space<vmem>>
      %dma_wait3A_295 = arith.constant 0 : i32
      %dma_wait3A_296 = tpu.memref_slice %arg2[%dma_wait3A_295] : memref<100016xf32, #tpu.memory_space<hbm>> -> memref<100016xf32, #tpu.memory_space<hbm>>
      tpu.wait_indirect_dma semaphore(%arg7 : memref<!tpu.dma_semaphore, #tpu.memory_space<semaphore_mem>>) src(%dma_wait3A_296 : memref<100016xf32, #tpu.memory_space<hbm>>) dst(%dma_wait3A_291 : memref<128xf32, #tpu.memory_space<vmem>>)
      %dma_wait3A_297 = arith.constant 0 : i32
      %dma_wait3A_298 = tpu.memref_slice %arg6[%add3A_157, %dma_wait3A_297] : memref<80x128xf32, #tpu.memory_space<vmem>> -> memref<1x128xf32, #tpu.memory_space<vmem>>
      %dma_wait3A_299 = tpu.memref_squeeze %dma_wait3A_298 : memref<1x128xf32, #tpu.memory_space<vmem>> -> memref<128xf32, #tpu.memory_space<vmem>>
      %dma_wait3A_300 = arith.constant 0 : i32
      %dma_wait3A_301 = tpu.memref_slice %arg5[%add3A_155, %dma_wait3A_300] : memref<80x128xi32, #tpu.memory_space<vmem>> -> memref<1x128xi32, #tpu.memory_space<vmem>>
      %dma_wait3A_302 = tpu.memref_squeeze %dma_wait3A_301 : memref<1x128xi32, #tpu.memory_space<vmem>> -> memref<128xi32, #tpu.memory_space<vmem>>
      %dma_wait3A_303 = arith.constant 0 : i32
      %dma_wait3A_304 = tpu.memref_slice %arg2[%dma_wait3A_303] : memref<100016xf32, #tpu.memory_space<hbm>> -> memref<100016xf32, #tpu.memory_space<hbm>>
      tpu.wait_indirect_dma semaphore(%arg7 : memref<!tpu.dma_semaphore, #tpu.memory_space<semaphore_mem>>) src(%dma_wait3A_304 : memref<100016xf32, #tpu.memory_space<hbm>>) dst(%dma_wait3A_299 : memref<128xf32, #tpu.memory_space<vmem>>)
      %dma_wait3A_305 = arith.constant 0 : i32
      %dma_wait3A_306 = tpu.memref_slice %arg6[%add3A_169, %dma_wait3A_305] : memref<80x128xf32, #tpu.memory_space<vmem>> -> memref<1x128xf32, #tpu.memory_space<vmem>>
      %dma_wait3A_307 = tpu.memref_squeeze %dma_wait3A_306 : memref<1x128xf32, #tpu.memory_space<vmem>> -> memref<128xf32, #tpu.memory_space<vmem>>
      %dma_wait3A_308 = arith.constant 0 : i32
      %dma_wait3A_309 = tpu.memref_slice %arg5[%add3A_167, %dma_wait3A_308] : memref<80x128xi32, #tpu.memory_space<vmem>> -> memref<1x128xi32, #tpu.memory_space<vmem>>
      %dma_wait3A_310 = tpu.memref_squeeze %dma_wait3A_309 : memref<1x128xi32, #tpu.memory_space<vmem>> -> memref<128xi32, #tpu.memory_space<vmem>>
      %dma_wait3A_311 = arith.constant 0 : i32
      %dma_wait3A_312 = tpu.memref_slice %arg2[%dma_wait3A_311] : memref<100016xf32, #tpu.memory_space<hbm>> -> memref<100016xf32, #tpu.memory_space<hbm>>
      tpu.wait_indirect_dma semaphore(%arg7 : memref<!tpu.dma_semaphore, #tpu.memory_space<semaphore_mem>>) src(%dma_wait3A_312 : memref<100016xf32, #tpu.memory_space<hbm>>) dst(%dma_wait3A_307 : memref<128xf32, #tpu.memory_space<vmem>>)
      %dma_wait3A_313 = arith.constant 0 : i32
      %dma_wait3A_314 = tpu.memref_slice %arg6[%add3A_181, %dma_wait3A_313] : memref<80x128xf32, #tpu.memory_space<vmem>> -> memref<1x128xf32, #tpu.memory_space<vmem>>
      %dma_wait3A_315 = tpu.memref_squeeze %dma_wait3A_314 : memref<1x128xf32, #tpu.memory_space<vmem>> -> memref<128xf32, #tpu.memory_space<vmem>>
      %dma_wait3A_316 = arith.constant 0 : i32
      %dma_wait3A_317 = tpu.memref_slice %arg5[%add3A_179, %dma_wait3A_316] : memref<80x128xi32, #tpu.memory_space<vmem>> -> memref<1x128xi32, #tpu.memory_space<vmem>>
      %dma_wait3A_318 = tpu.memref_squeeze %dma_wait3A_317 : memref<1x128xi32, #tpu.memory_space<vmem>> -> memref<128xi32, #tpu.memory_space<vmem>>
      %dma_wait3A_319 = arith.constant 0 : i32
      %dma_wait3A_320 = tpu.memref_slice %arg2[%dma_wait3A_319] : memref<100016xf32, #tpu.memory_space<hbm>> -> memref<100016xf32, #tpu.memory_space<hbm>>
      tpu.wait_indirect_dma semaphore(%arg7 : memref<!tpu.dma_semaphore, #tpu.memory_space<semaphore_mem>>) src(%dma_wait3A_320 : memref<100016xf32, #tpu.memory_space<hbm>>) dst(%dma_wait3A_315 : memref<128xf32, #tpu.memory_space<vmem>>)
      %dma_wait3A_321 = arith.constant 0 : i32
      %dma_wait3A_322 = tpu.memref_slice %arg6[%add3A_193, %dma_wait3A_321] : memref<80x128xf32, #tpu.memory_space<vmem>> -> memref<1x128xf32, #tpu.memory_space<vmem>>
      %dma_wait3A_323 = tpu.memref_squeeze %dma_wait3A_322 : memref<1x128xf32, #tpu.memory_space<vmem>> -> memref<128xf32, #tpu.memory_space<vmem>>
      %dma_wait3A_324 = arith.constant 0 : i32
      %dma_wait3A_325 = tpu.memref_slice %arg5[%add3A_191, %dma_wait3A_324] : memref<80x128xi32, #tpu.memory_space<vmem>> -> memref<1x128xi32, #tpu.memory_space<vmem>>
      %dma_wait3A_326 = tpu.memref_squeeze %dma_wait3A_325 : memref<1x128xi32, #tpu.memory_space<vmem>> -> memref<128xi32, #tpu.memory_space<vmem>>
      %dma_wait3A_327 = arith.constant 0 : i32
      %dma_wait3A_328 = tpu.memref_slice %arg2[%dma_wait3A_327] : memref<100016xf32, #tpu.memory_space<hbm>> -> memref<100016xf32, #tpu.memory_space<hbm>>
      tpu.wait_indirect_dma semaphore(%arg7 : memref<!tpu.dma_semaphore, #tpu.memory_space<semaphore_mem>>) src(%dma_wait3A_328 : memref<100016xf32, #tpu.memory_space<hbm>>) dst(%dma_wait3A_323 : memref<128xf32, #tpu.memory_space<vmem>>)
      %scan3A_329 = arith.constant 0 : i32
      scf.yield %scan3A_329 : i32
    }
    %scan3A_6 = arith.constant 5 : i32
    "tpu.region"() ({
      %run_scoped3A = tpu.sem_alloc : memref<!tpu.dma_semaphore, #tpu.memory_space<semaphore_mem>>
      %dma_start3A = arith.constant 0 : i32
      %dma_start3A_7 = arith.constant 0 : i32
      %dma_start3A_8 = tpu.memref_slice %arg4[%add3A, %dma_start3A, %dma_start3A_7] : memref<32x80x128xf32, #tpu.memory_space<hbm>> -> memref<1x80x128xf32, #tpu.memory_space<hbm>>
      %dma_start3A_9 = tpu.memref_squeeze %dma_start3A_8 : memref<1x80x128xf32, #tpu.memory_space<hbm>> -> memref<80x128xf32, #tpu.memory_space<hbm>>
      %dma_start3A_10 = arith.constant 0 : i32
      %dma_start3A_11 = arith.constant 0 : i32
      %dma_start3A_12 = tpu.memref_slice %arg4[%add3A, %dma_start3A_10, %dma_start3A_11] : memref<32x80x128xf32, #tpu.memory_space<hbm>> -> memref<1x80x128xf32, #tpu.memory_space<hbm>>
      %dma_start3A_13 = tpu.memref_squeeze %dma_start3A_12 : memref<1x80x128xf32, #tpu.memory_space<hbm>> -> memref<80x128xf32, #tpu.memory_space<hbm>>
      tpu.enqueue_dma source(%arg6 : memref<80x128xf32, #tpu.memory_space<vmem>>) target(%dma_start3A_13 : memref<80x128xf32, #tpu.memory_space<hbm>>) target_semaphore(%run_scoped3A : memref<!tpu.dma_semaphore, #tpu.memory_space<semaphore_mem>>)
      %dma_wait3A = arith.constant 0 : i32
      %dma_wait3A_14 = arith.constant 0 : i32
      %dma_wait3A_15 = tpu.memref_slice %arg4[%add3A, %dma_wait3A, %dma_wait3A_14] : memref<32x80x128xf32, #tpu.memory_space<hbm>> -> memref<1x80x128xf32, #tpu.memory_space<hbm>>
      %dma_wait3A_16 = tpu.memref_squeeze %dma_wait3A_15 : memref<1x80x128xf32, #tpu.memory_space<hbm>> -> memref<80x128xf32, #tpu.memory_space<hbm>>
      %dma_wait3A_17 = arith.constant 0 : i32
      %dma_wait3A_18 = arith.constant 0 : i32
      %dma_wait3A_19 = tpu.memref_slice %arg4[%add3A, %dma_wait3A_17, %dma_wait3A_18] : memref<32x80x128xf32, #tpu.memory_space<hbm>> -> memref<1x80x128xf32, #tpu.memory_space<hbm>>
      %dma_wait3A_20 = tpu.memref_squeeze %dma_wait3A_19 : memref<1x80x128xf32, #tpu.memory_space<hbm>> -> memref<80x128xf32, #tpu.memory_space<hbm>>
      tpu.wait_dma2 semaphore(%run_scoped3A : memref<!tpu.dma_semaphore, #tpu.memory_space<semaphore_mem>>) src(%arg6 : memref<80x128xf32, #tpu.memory_space<vmem>>) dst(%dma_wait3A_20 : memref<80x128xf32, #tpu.memory_space<hbm>>)
      tpu.yield
    }) : () -> ()
    return
  }
}

module attributes {stable_mosaic.version = 14 : i64} {
  func.func @_matvec_body(%arg0: i32, %arg1: memref<5000x256xf32, #tpu.memory_space<vmem>>, %arg2: memref<1x256xf32, #tpu.memory_space<vmem>>, %arg3: memref<5000x1xf32, #tpu.memory_space<vmem>>) attributes {dimension_semantics = [#tpu.dimension_semantics<arbitrary>], iteration_bounds = array<i64: 20>, scalar_prefetch = 0 : i64, scratch_operands = 0 : i64, tpu.core_type = #tpu.core_type<tc>, window_params = [{transform_indices = @transform_0, window_bounds = array<i64: 5000, 256>}, {pipeline_mode = #tpu.pipeline_mode<synchronous>, transform_indices = @transform_1, window_bounds = array<i64: 1, 256>}, {transform_indices = @transform_2, window_bounds = array<i64: 5000, 1>}]} {
    %get3A = arith.constant 0 : index
    %get3A_0 = arith.constant 0 : index
    %get3A_1 = vector.load %arg1[%get3A, %get3A_0] : memref<5000x256xf32, #tpu.memory_space<vmem>>, vector<5000x256xf32>
    %get3A_2 = arith.constant 0 : index
    %get3A_3 = arith.constant 0 : index
    %get3A_4 = vector.load %arg2[%get3A_2, %get3A_3] : memref<1x256xf32, #tpu.memory_space<vmem>>, vector<1x256xf32>
    %mul3A = vector.broadcast %get3A_4 : vector<1x256xf32> to vector<5000x256xf32>
    %mul3A_5 = arith.mulf %get3A_1, %mul3A : vector<5000x256xf32>
    %reduce_sum3A = arith.constant dense<0.000000e+00> : vector<5000xf32>
    %reduce_sum3A_6 = vector.multi_reduction <add>, %mul3A_5, %reduce_sum3A [1] : vector<5000x256xf32> to vector<5000xf32>
    %broadcast_in_dim3A = vector.shape_cast %reduce_sum3A_6 : vector<5000xf32> to vector<5000x1xf32>
    %swap3A = arith.constant 0 : index
    %swap3A_7 = arith.constant 0 : index
    %swap3A_8 = vector.load %arg3[%swap3A, %swap3A_7] : memref<5000x1xf32, #tpu.memory_space<vmem>>, vector<5000x1xf32>
    tpu.vector_store %arg3[%swap3A, %swap3A_7], %broadcast_in_dim3A {strides = array<i32>} : memref<5000x1xf32, #tpu.memory_space<vmem>>, vector<5000x1xf32>,
    return
  }
  func.func @transform_0(%arg0: i32) -> (i32, i32) {
    %c0_i32 = arith.constant 0 : i32
    %c0_i32_0 = arith.constant 0 : i32
    return %arg0, %c0_i32 : i32, i32
  }
  func.func @transform_1(%arg0: i32) -> (i32, i32) {
    %c0_i32 = arith.constant 0 : i32
    %c0_i32_0 = arith.constant 0 : i32
    %c0_i32_1 = arith.constant 0 : i32
    return %c0_i32, %c0_i32_0 : i32, i32
  }
  func.func @transform_2(%arg0: i32) -> (i32, i32) {
    %c0_i32 = arith.constant 0 : i32
    %c0_i32_0 = arith.constant 0 : i32
    return %arg0, %c0_i32 : i32, i32
  }
}

module attributes {stable_mosaic.version = 14 : i64} {
  func.func @_prefix_body(%arg0: memref<640x512xf32, #tpu.memory_space<vmem>>, %arg1: memref<640x512xf32, #tpu.memory_space<vmem>>) attributes {dimension_semantics = [], scalar_prefetch = 0 : i64, scratch_operands = 0 : i64, tpu.core_type = #tpu.core_type<tc>} {
    %get3A = arith.constant 0 : index
    %get3A_0 = arith.constant 0 : index
    %get3A_1 = vector.load %arg0[%get3A, %get3A_0] : memref<640x512xf32, #tpu.memory_space<vmem>>, vector<640x512xf32>
    %iota3A = tpu.iota {dimensions = array<i32: 0>} : vector<512x512xi32>
    %iota3A_2 = tpu.iota {dimensions = array<i32: 1>} : vector<512x512xi32>
    %lt3A = arith.cmpi slt, %iota3A, %iota3A_2 : vector<512x512xi32>
    %convert_element_type3A = arith.extui %lt3A : vector<512x512xi1> to vector<512x512xi32>
    %convert_element_type3A_3 = arith.sitofp %convert_element_type3A : vector<512x512xi32> to vector<512x512xf32>
    %broadcast_in_dim3A = arith.constant 1.000000e+00 : f32
    %broadcast_in_dim3A_4 = vector.broadcast %broadcast_in_dim3A : f32 to vector<512x1xf32>
    %dot_general3A = arith.constant dense<0.000000e+00> : vector<640x512xf32>
    %dot_general3A_5 = tpu.matmul %get3A_1, %convert_element_type3A_3, %dot_general3A {dimension_numbers = #tpu.dot_dimension_numbers<[1], [0], [0], [1], [0, 0, 1, 1], [], []>, precision = #tpu.contract_precision<fp32>, transpose_lhs_hint = false} : vector<640x512xf32>, vector<512x512xf32>, vector<640x512xf32> -> vector<640x512xf32>
    %dot_general3A_6 = arith.constant dense<0.000000e+00> : vector<640x1xf32>
    %dot_general3A_7 = tpu.matmul %get3A_1, %broadcast_in_dim3A_4, %dot_general3A_6 {dimension_numbers = #tpu.dot_dimension_numbers<[1], [0], [0], [1], [0, 0, 1, 1], [], []>, precision = #tpu.contract_precision<fp32>, transpose_lhs_hint = false} : vector<640x512xf32>, vector<512x1xf32>, vector<640x1xf32> -> vector<640x1xf32>
    %iota3A_8 = tpu.iota {dimensions = array<i32: 0>} : vector<640x640xi32>
    %iota3A_9 = tpu.iota {dimensions = array<i32: 1>} : vector<640x640xi32>
    %jit3A = arith.constant 32 : i32
    %div3A = vector.broadcast %jit3A : i32 to vector<640x640xi32>
    %div3A_10 = arith.divsi %iota3A_8, %div3A : vector<640x640xi32>
    %sign3A = arith.constant 0 : i32
    %sign3A_11 = vector.broadcast %sign3A : i32 to vector<640x640xi32>
    %sign3A_12 = arith.cmpi sgt, %iota3A_8, %sign3A_11 : vector<640x640xi32>
    %sign3A_13 = arith.extui %sign3A_12 : vector<640x640xi1> to vector<640x640xi32>
    %sign3A_14 = arith.constant 0 : i32
    %sign3A_15 = vector.broadcast %sign3A_14 : i32 to vector<640x640xi32>
    %sign3A_16 = arith.cmpi slt, %iota3A_8, %sign3A_15 : vector<640x640xi32>
    %sign3A_17 = arith.extui %sign3A_16 : vector<640x640xi1> to vector<640x640xi32>
    %sign3A_18 = arith.subi %sign3A_13, %sign3A_17 : vector<640x640xi32>
    %sign3A_19 = arith.constant 0 : i32
    %sign3A_20 = arith.cmpi sgt, %jit3A, %sign3A_19 : i32
    %sign3A_21 = arith.extui %sign3A_20 : i1 to i32
    %sign3A_22 = arith.constant 0 : i32
    %sign3A_23 = arith.cmpi slt, %jit3A, %sign3A_22 : i32
    %sign3A_24 = arith.extui %sign3A_23 : i1 to i32
    %sign3A_25 = arith.subi %sign3A_21, %sign3A_24 : i32
    %ne3A = vector.broadcast %sign3A_25 : i32 to vector<640x640xi32>
    %ne3A_26 = arith.cmpi ne, %sign3A_18, %ne3A : vector<640x640xi32>
    %rem3A = vector.broadcast %jit3A : i32 to vector<640x640xi32>
    %rem3A_27 = arith.remsi %iota3A_8, %rem3A : vector<640x640xi32>
    %ne3A_28 = arith.constant 0 : i32
    %ne3A_29 = vector.broadcast %ne3A_28 : i32 to vector<640x640xi32>
    %ne3A_30 = arith.cmpi ne, %rem3A_27, %ne3A_29 : vector<640x640xi32>
    %and3A = arith.andi %ne3A_26, %ne3A_30 : vector<640x640xi1>
    %sub3A = arith.constant 1 : i32
    %sub3A_31 = vector.broadcast %sub3A : i32 to vector<640x640xi32>
    %sub3A_32 = arith.subi %div3A_10, %sub3A_31 : vector<640x640xi32>
    %select_n3A = arith.select %and3A, %sub3A_32, %div3A_10 : vector<640x640xi1>, vector<640x640xi32>
    %jit3A_33 = arith.constant 32 : i32
    %div3A_34 = vector.broadcast %jit3A_33 : i32 to vector<640x640xi32>
    %div3A_35 = arith.divsi %iota3A_9, %div3A_34 : vector<640x640xi32>
    %sign3A_36 = arith.constant 0 : i32
    %sign3A_37 = vector.broadcast %sign3A_36 : i32 to vector<640x640xi32>
    %sign3A_38 = arith.cmpi sgt, %iota3A_9, %sign3A_37 : vector<640x640xi32>
    %sign3A_39 = arith.extui %sign3A_38 : vector<640x640xi1> to vector<640x640xi32>
    %sign3A_40 = arith.constant 0 : i32
    %sign3A_41 = vector.broadcast %sign3A_40 : i32 to vector<640x640xi32>
    %sign3A_42 = arith.cmpi slt, %iota3A_9, %sign3A_41 : vector<640x640xi32>
    %sign3A_43 = arith.extui %sign3A_42 : vector<640x640xi1> to vector<640x640xi32>
    %sign3A_44 = arith.subi %sign3A_39, %sign3A_43 : vector<640x640xi32>
    %sign3A_45 = arith.constant 0 : i32
    %sign3A_46 = arith.cmpi sgt, %jit3A_33, %sign3A_45 : i32
    %sign3A_47 = arith.extui %sign3A_46 : i1 to i32
    %sign3A_48 = arith.constant 0 : i32
    %sign3A_49 = arith.cmpi slt, %jit3A_33, %sign3A_48 : i32
    %sign3A_50 = arith.extui %sign3A_49 : i1 to i32
    %sign3A_51 = arith.subi %sign3A_47, %sign3A_50 : i32
    %ne3A_52 = vector.broadcast %sign3A_51 : i32 to vector<640x640xi32>
    %ne3A_53 = arith.cmpi ne, %sign3A_44, %ne3A_52 : vector<640x640xi32>
    %rem3A_54 = vector.broadcast %jit3A_33 : i32 to vector<640x640xi32>
    %rem3A_55 = arith.remsi %iota3A_9, %rem3A_54 : vector<640x640xi32>
    %ne3A_56 = arith.constant 0 : i32
    %ne3A_57 = vector.broadcast %ne3A_56 : i32 to vector<640x640xi32>
    %ne3A_58 = arith.cmpi ne, %rem3A_55, %ne3A_57 : vector<640x640xi32>
    %and3A_59 = arith.andi %ne3A_53, %ne3A_58 : vector<640x640xi1>
    %sub3A_60 = arith.constant 1 : i32
    %sub3A_61 = vector.broadcast %sub3A_60 : i32 to vector<640x640xi32>
    %sub3A_62 = arith.subi %div3A_35, %sub3A_61 : vector<640x640xi32>
    %select_n3A_63 = arith.select %and3A_59, %sub3A_62, %div3A_35 : vector<640x640xi1>, vector<640x640xi32>
    %eq3A = arith.cmpi eq, %select_n3A, %select_n3A_63 : vector<640x640xi32>
    %lt3A_64 = arith.cmpi slt, %iota3A_9, %iota3A_8 : vector<640x640xi32>
    %and3A_65 = arith.andi %eq3A, %lt3A_64 : vector<640x640xi1>
    %convert_element_type3A_66 = arith.extui %and3A_65 : vector<640x640xi1> to vector<640x640xi32>
    %convert_element_type3A_67 = arith.sitofp %convert_element_type3A_66 : vector<640x640xi32> to vector<640x640xf32>
    %iota3A_68 = tpu.iota {dimensions = array<i32: 0>} : vector<20x640xi32>
    %iota3A_69 = tpu.iota {dimensions = array<i32: 1>} : vector<20x640xi32>
    %jit3A_70 = arith.constant 32 : i32
    %div3A_71 = vector.broadcast %jit3A_70 : i32 to vector<20x640xi32>
    %div3A_72 = arith.divsi %iota3A_69, %div3A_71 : vector<20x640xi32>
    %sign3A_73 = arith.constant 0 : i32
    %sign3A_74 = vector.broadcast %sign3A_73 : i32 to vector<20x640xi32>
    %sign3A_75 = arith.cmpi sgt, %iota3A_69, %sign3A_74 : vector<20x640xi32>
    %sign3A_76 = arith.extui %sign3A_75 : vector<20x640xi1> to vector<20x640xi32>
    %sign3A_77 = arith.constant 0 : i32
    %sign3A_78 = vector.broadcast %sign3A_77 : i32 to vector<20x640xi32>
    %sign3A_79 = arith.cmpi slt, %iota3A_69, %sign3A_78 : vector<20x640xi32>
    %sign3A_80 = arith.extui %sign3A_79 : vector<20x640xi1> to vector<20x640xi32>
    %sign3A_81 = arith.subi %sign3A_76, %sign3A_80 : vector<20x640xi32>
    %sign3A_82 = arith.constant 0 : i32
    %sign3A_83 = arith.cmpi sgt, %jit3A_70, %sign3A_82 : i32
    %sign3A_84 = arith.extui %sign3A_83 : i1 to i32
    %sign3A_85 = arith.constant 0 : i32
    %sign3A_86 = arith.cmpi slt, %jit3A_70, %sign3A_85 : i32
    %sign3A_87 = arith.extui %sign3A_86 : i1 to i32
    %sign3A_88 = arith.subi %sign3A_84, %sign3A_87 : i32
    %ne3A_89 = vector.broadcast %sign3A_88 : i32 to vector<20x640xi32>
    %ne3A_90 = arith.cmpi ne, %sign3A_81, %ne3A_89 : vector<20x640xi32>
    %rem3A_91 = vector.broadcast %jit3A_70 : i32 to vector<20x640xi32>
    %rem3A_92 = arith.remsi %iota3A_69, %rem3A_91 : vector<20x640xi32>
    %ne3A_93 = arith.constant 0 : i32
    %ne3A_94 = vector.broadcast %ne3A_93 : i32 to vector<20x640xi32>
    %ne3A_95 = arith.cmpi ne, %rem3A_92, %ne3A_94 : vector<20x640xi32>
    %and3A_96 = arith.andi %ne3A_90, %ne3A_95 : vector<20x640xi1>
    %sub3A_97 = arith.constant 1 : i32
    %sub3A_98 = vector.broadcast %sub3A_97 : i32 to vector<20x640xi32>
    %sub3A_99 = arith.subi %div3A_72, %sub3A_98 : vector<20x640xi32>
    %select_n3A_100 = arith.select %and3A_96, %sub3A_99, %div3A_72 : vector<20x640xi1>, vector<20x640xi32>
    %eq3A_101 = arith.cmpi eq, %iota3A_68, %select_n3A_100 : vector<20x640xi32>
    %convert_element_type3A_102 = arith.extui %eq3A_101 : vector<20x640xi1> to vector<20x640xi32>
    %convert_element_type3A_103 = arith.sitofp %convert_element_type3A_102 : vector<20x640xi32> to vector<20x640xf32>
    %dot_general3A_104 = arith.constant dense<0.000000e+00> : vector<20x1xf32>
    %dot_general3A_105 = tpu.matmul %convert_element_type3A_103, %dot_general3A_7, %dot_general3A_104 {dimension_numbers = #tpu.dot_dimension_numbers<[1], [0], [0], [1], [0, 0, 1, 1], [], []>, precision = #tpu.contract_precision<fp32>, transpose_lhs_hint = false} : vector<20x640xf32>, vector<640x1xf32>, vector<20x1xf32> -> vector<20x1xf32>
    %iota3A_106 = tpu.iota {dimensions = array<i32: 0>} : vector<20x20xi32>
    %iota3A_107 = tpu.iota {dimensions = array<i32: 1>} : vector<20x20xi32>
    %lt3A_108 = arith.cmpi slt, %iota3A_107, %iota3A_106 : vector<20x20xi32>
    %convert_element_type3A_109 = arith.extui %lt3A_108 : vector<20x20xi1> to vector<20x20xi32>
    %convert_element_type3A_110 = arith.sitofp %convert_element_type3A_109 : vector<20x20xi32> to vector<20x20xf32>
    %dot_general3A_111 = arith.constant dense<0.000000e+00> : vector<20x1xf32>
    %dot_general3A_112 = tpu.matmul %convert_element_type3A_110, %dot_general3A_105, %dot_general3A_111 {dimension_numbers = #tpu.dot_dimension_numbers<[1], [0], [0], [1], [0, 0, 1, 1], [], []>, precision = #tpu.contract_precision<fp32>, transpose_lhs_hint = false} : vector<20x20xf32>, vector<20x1xf32>, vector<20x1xf32> -> vector<20x1xf32>
    %iota3A_113 = tpu.iota {dimensions = array<i32: 0>} : vector<640x20xi32>
    %iota3A_114 = tpu.iota {dimensions = array<i32: 1>} : vector<640x20xi32>
    %jit3A_115 = arith.constant 32 : i32
    %div3A_116 = vector.broadcast %jit3A_115 : i32 to vector<640x20xi32>
    %div3A_117 = arith.divsi %iota3A_113, %div3A_116 : vector<640x20xi32>
    %sign3A_118 = arith.constant 0 : i32
    %sign3A_119 = vector.broadcast %sign3A_118 : i32 to vector<640x20xi32>
    %sign3A_120 = arith.cmpi sgt, %iota3A_113, %sign3A_119 : vector<640x20xi32>
    %sign3A_121 = arith.extui %sign3A_120 : vector<640x20xi1> to vector<640x20xi32>
    %sign3A_122 = arith.constant 0 : i32
    %sign3A_123 = vector.broadcast %sign3A_122 : i32 to vector<640x20xi32>
    %sign3A_124 = arith.cmpi slt, %iota3A_113, %sign3A_123 : vector<640x20xi32>
    %sign3A_125 = arith.extui %sign3A_124 : vector<640x20xi1> to vector<640x20xi32>
    %sign3A_126 = arith.subi %sign3A_121, %sign3A_125 : vector<640x20xi32>
    %sign3A_127 = arith.constant 0 : i32
    %sign3A_128 = arith.cmpi sgt, %jit3A_115, %sign3A_127 : i32
    %sign3A_129 = arith.extui %sign3A_128 : i1 to i32
    %sign3A_130 = arith.constant 0 : i32
    %sign3A_131 = arith.cmpi slt, %jit3A_115, %sign3A_130 : i32
    %sign3A_132 = arith.extui %sign3A_131 : i1 to i32
    %sign3A_133 = arith.subi %sign3A_129, %sign3A_132 : i32
    %ne3A_134 = vector.broadcast %sign3A_133 : i32 to vector<640x20xi32>
    %ne3A_135 = arith.cmpi ne, %sign3A_126, %ne3A_134 : vector<640x20xi32>
    %rem3A_136 = vector.broadcast %jit3A_115 : i32 to vector<640x20xi32>
    %rem3A_137 = arith.remsi %iota3A_113, %rem3A_136 : vector<640x20xi32>
    %ne3A_138 = arith.constant 0 : i32
    %ne3A_139 = vector.broadcast %ne3A_138 : i32 to vector<640x20xi32>
    %ne3A_140 = arith.cmpi ne, %rem3A_137, %ne3A_139 : vector<640x20xi32>
    %and3A_141 = arith.andi %ne3A_135, %ne3A_140 : vector<640x20xi1>
    %sub3A_142 = arith.constant 1 : i32
    %sub3A_143 = vector.broadcast %sub3A_142 : i32 to vector<640x20xi32>
    %sub3A_144 = arith.subi %div3A_117, %sub3A_143 : vector<640x20xi32>
    %select_n3A_145 = arith.select %and3A_141, %sub3A_144, %div3A_117 : vector<640x20xi1>, vector<640x20xi32>
    %eq3A_146 = arith.cmpi eq, %iota3A_114, %select_n3A_145 : vector<640x20xi32>
    %convert_element_type3A_147 = arith.extui %eq3A_146 : vector<640x20xi1> to vector<640x20xi32>
    %convert_element_type3A_148 = arith.sitofp %convert_element_type3A_147 : vector<640x20xi32> to vector<640x20xf32>
    %dot_general3A_149 = arith.constant dense<0.000000e+00> : vector<640x1xf32>
    %dot_general3A_150 = tpu.matmul %convert_element_type3A_148, %dot_general3A_112, %dot_general3A_149 {dimension_numbers = #tpu.dot_dimension_numbers<[1], [0], [0], [1], [0, 0, 1, 1], [], []>, precision = #tpu.contract_precision<fp32>, transpose_lhs_hint = false} : vector<640x20xf32>, vector<20x1xf32>, vector<640x1xf32> -> vector<640x1xf32>
    %dot_general3A_151 = arith.constant dense<0.000000e+00> : vector<640x1xf32>
    %dot_general3A_152 = tpu.matmul %convert_element_type3A_67, %dot_general3A_7, %dot_general3A_151 {dimension_numbers = #tpu.dot_dimension_numbers<[1], [0], [0], [1], [0, 0, 1, 1], [], []>, precision = #tpu.contract_precision<fp32>, transpose_lhs_hint = false} : vector<640x640xf32>, vector<640x1xf32>, vector<640x1xf32> -> vector<640x1xf32>
    %add3A = arith.addf %dot_general3A_150, %dot_general3A_152 : vector<640x1xf32>
    %add3A_153 = vector.broadcast %add3A : vector<640x1xf32> to vector<640x512xf32>
    %add3A_154 = arith.addf %add3A_153, %dot_general3A_5 : vector<640x512xf32>
    %swap3A = arith.constant 0 : index
    %swap3A_155 = arith.constant 0 : index
    %swap3A_156 = vector.load %arg1[%swap3A, %swap3A_155] : memref<640x512xf32, #tpu.memory_space<vmem>>, vector<640x512xf32>
    tpu.vector_store %arg1[%swap3A, %swap3A_155], %add3A_154 {strides = array<i32>} : memref<640x512xf32, #tpu.memory_space<vmem>>, vector<640x512xf32>,
    return
  }
}

module attributes {stable_mosaic.version = 14 : i64} {
  func.func @_attn_s1_body(%arg0: i32, %arg1: i32, %arg2: memref<2xf32, #tpu.memory_space<smem>>, %arg3: memref<512x1xf32, #tpu.memory_space<vmem>>, %arg4: memref<1x10240xf32, #tpu.memory_space<vmem>>, %arg5: memref<512x2048xf32, #tpu.memory_space<vmem>>, %arg6: memref<512x1xf32, #tpu.memory_space<vmem>>, %arg7: memref<512x1xf32, #tpu.memory_space<vmem>>, %arg8: memref<512x1xf32, #tpu.memory_space<vmem>>) attributes {dimension_semantics = [#tpu.dimension_semantics<arbitrary>, #tpu.dimension_semantics<arbitrary>], iteration_bounds = array<i64: 20, 5>, scalar_prefetch = 0 : i64, scratch_operands = 2 : i64, tpu.core_type = #tpu.core_type<tc>, window_params = [{transform_indices = @transform_0, window_bounds = array<i64: 2>}, {transform_indices = @transform_1, window_bounds = array<i64: 512, 1>}, {pipeline_mode = #tpu.pipeline_mode<synchronous>, transform_indices = @transform_2, window_bounds = array<i64: 1, 10240>}, {transform_indices = @transform_3, window_bounds = array<i64: 512, 2048>}, {transform_indices = @transform_4, window_bounds = array<i64: 512, 1>}]} {
    %get3A = arith.constant 0 : index
    %get3A_0 = memref.load %arg2[%get3A] : memref<2xf32, #tpu.memory_space<smem>>
    %get3A_1 = arith.constant 1 : index
    %get3A_2 = memref.load %arg2[%get3A_1] : memref<2xf32, #tpu.memory_space<smem>>
    %get3A_3 = arith.constant 0 : index
    %get3A_4 = arith.constant 0 : index
    %get3A_5 = vector.load %arg4[%get3A_3, %get3A_4] : memref<1x10240xf32, #tpu.memory_space<vmem>>, vector<1x10240xf32>
    %mul3A = vector.broadcast %get3A_2 : f32 to vector<1x10240xf32>
    %mul3A_6 = arith.mulf %get3A_5, %mul3A : vector<1x10240xf32>
    %reduce_max3A = vector.shape_cast %mul3A_6 : vector<1x10240xf32> to vector<1x1x10240xf32>
    %reduce_max3A_7 = arith.constant dense<0xFF800000> : vector<1xf32>
    %reduce_max3A_8 = vector.multi_reduction <maximumf>, %reduce_max3A, %reduce_max3A_7 [1, 2] : vector<1x1x10240xf32> to vector<1xf32>
    %reduce_max3A_9 = vector.shape_cast %reduce_max3A_8 : vector<1xf32> to vector<1x1x1xf32>
    %reduce_max3A_10 = vector.extract %reduce_max3A_9[0, 0, 0] : f32 from vector<1x1x1xf32>
    %mul3A_11 = arith.constant 2048 : i32
    %mul3A_12 = arith.muli %arg1, %mul3A_11 : i32
    %get3A_13 = arith.constant 0 : index
    %get3A_14 = arith.index_cast %mul3A_12 : i32 to index
    %get3A_15 = vector.load %arg4[%get3A_13, %get3A_14] : memref<1x10240xf32, #tpu.memory_space<vmem>>, vector<1x2048xf32>
    %mul3A_16 = vector.broadcast %get3A_2 : f32 to vector<1x2048xf32>
    %mul3A_17 = arith.mulf %get3A_15, %mul3A_16 : vector<1x2048xf32>
    %sub3A = vector.broadcast %reduce_max3A_10 : f32 to vector<1x2048xf32>
    %sub3A_18 = arith.subf %mul3A_17, %sub3A : vector<1x2048xf32>
    %exp3A = math.exp %sub3A_18 : vector<1x2048xf32>
    %sub3A_19 = vector.broadcast %reduce_max3A_10 : f32 to vector<1x2048xf32>
    %sub3A_20 = arith.subf %mul3A_17, %sub3A_19 : vector<1x2048xf32>
    %mul3A_21 = arith.constant 2.000000e-01 : f32
    %mul3A_22 = vector.broadcast %mul3A_21 : f32 to vector<1x2048xf32>
    %mul3A_23 = arith.mulf %mul3A_22, %sub3A_20 : vector<1x2048xf32>
    %exp3A_24 = math.exp %mul3A_23 : vector<1x2048xf32>
    %get3A_25 = arith.constant 0 : index
    %get3A_26 = arith.constant 0 : index
    %get3A_27 = vector.load %arg3[%get3A_25, %get3A_26] : memref<512x1xf32, #tpu.memory_space<vmem>>, vector<512x1xf32>
    %mul3A_28 = vector.broadcast %get3A_0 : f32 to vector<512x1xf32>
    %mul3A_29 = arith.mulf %get3A_27, %mul3A_28 : vector<512x1xf32>
    %add3A = vector.broadcast %reduce_max3A_10 : f32 to vector<512x1xf32>
    %add3A_30 = arith.addf %mul3A_29, %add3A : vector<512x1xf32>
    %gt3A = arith.constant 0.000000e+00 : f32
    %gt3A_31 = vector.broadcast %gt3A : f32 to vector<512x1xf32>
    %gt3A_32 = arith.cmpf ogt, %add3A_30, %gt3A_31 : vector<512x1xf32>
    %mul3A_33 = arith.constant 2.000000e-01 : f32
    %mul3A_34 = vector.broadcast %mul3A_33 : f32 to vector<512x1xf32>
    %mul3A_35 = arith.mulf %mul3A_34, %add3A_30 : vector<512x1xf32>
    %select_n3A = arith.select %gt3A_32, %add3A_30, %mul3A_35 : vector<512x1xi1>, vector<512x1xf32>
    %sub3A_36 = arith.subf %add3A_30, %select_n3A : vector<512x1xf32>
    %exp3A_37 = math.exp %sub3A_36 : vector<512x1xf32>
    %mul3A_38 = arith.constant 2.000000e-01 : f32
    %mul3A_39 = vector.broadcast %mul3A_38 : f32 to vector<512x1xf32>
    %mul3A_40 = arith.mulf %mul3A_39, %add3A_30 : vector<512x1xf32>
    %sub3A_41 = arith.subf %mul3A_40, %select_n3A : vector<512x1xf32>
    %exp3A_42 = math.exp %sub3A_41 : vector<512x1xf32>
    %neg3A = arith.constant 0.000000e+00 : f32
    %neg3A_43 = vector.broadcast %neg3A : f32 to vector<512x1xf32>
    %neg3A_44 = arith.subf %neg3A_43, %mul3A_29 : vector<512x1xf32>
    %gt3A_45 = vector.broadcast %mul3A_17 : vector<1x2048xf32> to vector<512x2048xf32>
    %gt3A_46 = vector.broadcast %neg3A_44 : vector<512x1xf32> to vector<512x2048xf32>
    %gt3A_47 = arith.cmpf ogt, %gt3A_45, %gt3A_46 : vector<512x2048xf32>
    %get3A_48 = arith.constant 0 : index
    %get3A_49 = arith.constant 0 : index
    %get3A_50 = vector.load %arg5[%get3A_48, %get3A_49] : memref<512x2048xf32, #tpu.memory_space<vmem>>, vector<512x2048xf32>
    %iota3A = tpu.iota {dimensions = array<i32: 1>} : vector<1x2048xi32>
    %mul3A_51 = arith.constant 2048 : i32
    %mul3A_52 = arith.muli %arg1, %mul3A_51 : i32
    %add3A_53 = vector.broadcast %mul3A_52 : i32 to vector<1x2048xi32>
    %add3A_54 = arith.addi %iota3A, %add3A_53 : vector<1x2048xi32>
    %lt3A = arith.constant 10000 : i32
    %lt3A_55 = vector.broadcast %lt3A : i32 to vector<1x2048xi32>
    %lt3A_56 = arith.cmpi slt, %add3A_54, %lt3A_55 : vector<1x2048xi32>
    %jit3A = arith.constant 0.000000e+00 : f32
    %broadcast_in_dim3A = vector.shape_cast %lt3A_56 : vector<1x2048xi1> to vector<1x2048xi1>
    %broadcast_in_dim3A_57 = vector.broadcast %broadcast_in_dim3A : vector<1x2048xi1> to vector<512x2048xi1>
    %broadcast_in_dim3A_58 = vector.broadcast %jit3A : f32 to vector<512x2048xf32>
    %select_n3A_59 = arith.select %broadcast_in_dim3A_57, %get3A_50, %broadcast_in_dim3A_58 : vector<512x2048xi1>, vector<512x2048xf32>
    %jit3A_60 = arith.constant 0.000000e+00 : f32
    %broadcast_in_dim3A_61 = vector.broadcast %jit3A_60 : f32 to vector<512x2048xf32>
    %select_n3A_62 = arith.select %gt3A_47, %select_n3A_59, %broadcast_in_dim3A_61 : vector<512x2048xi1>, vector<512x2048xf32>
    %sub3A_63 = arith.subf %select_n3A_59, %select_n3A_62 : vector<512x2048xf32>
    %mul3A_64 = vector.broadcast %exp3A : vector<1x2048xf32> to vector<512x2048xf32>
    %mul3A_65 = arith.mulf %select_n3A_62, %mul3A_64 : vector<512x2048xf32>
    %reduce_sum3A = arith.constant dense<0.000000e+00> : vector<512xf32>
    %reduce_sum3A_66 = vector.multi_reduction <add>, %mul3A_65, %reduce_sum3A [1] : vector<512x2048xf32> to vector<512xf32>
    %broadcast_in_dim3A_67 = vector.shape_cast %reduce_sum3A_66 : vector<512xf32> to vector<512x1xf32>
    %mul3A_68 = vector.broadcast %exp3A_24 : vector<1x2048xf32> to vector<512x2048xf32>
    %mul3A_69 = arith.mulf %sub3A_63, %mul3A_68 : vector<512x2048xf32>
    %reduce_sum3A_70 = arith.constant dense<0.000000e+00> : vector<512xf32>
    %reduce_sum3A_71 = vector.multi_reduction <add>, %mul3A_69, %reduce_sum3A_70 [1] : vector<512x2048xf32> to vector<512xf32>
    %broadcast_in_dim3A_72 = vector.shape_cast %reduce_sum3A_71 : vector<512xf32> to vector<512x1xf32>
    %eq3A = arith.constant 0 : i32
    %eq3A_73 = arith.cmpi eq, %arg1, %eq3A : i32
    %get3A_74 = arith.constant 0 : index
    %get3A_75 = arith.constant 0 : index
    %get3A_76 = vector.load %arg7[%get3A_74, %get3A_75] : memref<512x1xf32, #tpu.memory_space<vmem>>, vector<512x1xf32>
    %add3A_77 = arith.addf %get3A_76, %broadcast_in_dim3A_67 : vector<512x1xf32>
    %select_n3A_78 = arith.select %eq3A_73, %broadcast_in_dim3A_67, %add3A_77 : vector<512x1xf32>
    %get3A_79 = arith.constant 0 : index
    %get3A_80 = arith.constant 0 : index
    %get3A_81 = vector.load %arg8[%get3A_79, %get3A_80] : memref<512x1xf32, #tpu.memory_space<vmem>>, vector<512x1xf32>
    %add3A_82 = arith.addf %get3A_81, %broadcast_in_dim3A_72 : vector<512x1xf32>
    %select_n3A_83 = arith.select %eq3A_73, %broadcast_in_dim3A_72, %add3A_82 : vector<512x1xf32>
    %swap3A = arith.constant 0 : index
    %swap3A_84 = arith.constant 0 : index
    %swap3A_85 = vector.load %arg7[%swap3A, %swap3A_84] : memref<512x1xf32, #tpu.memory_space<vmem>>, vector<512x1xf32>
    tpu.vector_store %arg7[%swap3A, %swap3A_84], %select_n3A_78 {strides = array<i32>} : memref<512x1xf32, #tpu.memory_space<vmem>>, vector<512x1xf32>,
    %swap3A_86 = arith.constant 0 : index
    %swap3A_87 = arith.constant 0 : index
    %swap3A_88 = vector.load %arg8[%swap3A_86, %swap3A_87] : memref<512x1xf32, #tpu.memory_space<vmem>>, vector<512x1xf32>
    tpu.vector_store %arg8[%swap3A_86, %swap3A_87], %select_n3A_83 {strides = array<i32>} : memref<512x1xf32, #tpu.memory_space<vmem>>, vector<512x1xf32>,
    %eq3A_89 = arith.constant 4 : i32
    %eq3A_90 = arith.cmpi eq, %arg1, %eq3A_89 : i32
    %convert_element_type3A = arith.extui %eq3A_90 : i1 to i32
    %cond3A = arith.constant 0 : i32
    %cond3A_91 = arith.cmpi ne, %convert_element_type3A, %cond3A : i32
    scf.if %cond3A_91 {
      %mul3A_92 = arith.mulf %exp3A_37, %select_n3A_78 : vector<512x1xf32>
      %mul3A_93 = arith.mulf %exp3A_42, %select_n3A_83 : vector<512x1xf32>
      %add3A_94 = arith.addf %mul3A_92, %mul3A_93 : vector<512x1xf32>
      %swap3A_95 = arith.constant 0 : index
      %swap3A_96 = arith.constant 0 : index
      %swap3A_97 = vector.load %arg6[%swap3A_95, %swap3A_96] : memref<512x1xf32, #tpu.memory_space<vmem>>, vector<512x1xf32>
      tpu.vector_store %arg6[%swap3A_95, %swap3A_96], %add3A_94 {strides = array<i32>} : memref<512x1xf32, #tpu.memory_space<vmem>>, vector<512x1xf32>,
    } else {
    }
    return
  }
  func.func @transform_0(%arg0: i32, %arg1: i32) -> i32 {
    %c0_i32 = arith.constant 0 : i32
    %c0_i32_0 = arith.constant 0 : i32
    return %c0_i32 : i32
  }
  func.func @transform_1(%arg0: i32, %arg1: i32) -> (i32, i32) {
    %c0_i32 = arith.constant 0 : i32
    %c0_i32_0 = arith.constant 0 : i32
    return %arg0, %c0_i32 : i32, i32
  }
  func.func @transform_2(%arg0: i32, %arg1: i32) -> (i32, i32) {
    %c0_i32 = arith.constant 0 : i32
    %c0_i32_0 = arith.constant 0 : i32
    %c0_i32_1 = arith.constant 0 : i32
    return %c0_i32, %c0_i32_0 : i32, i32
  }
  func.func @transform_3(%arg0: i32, %arg1: i32) -> (i32, i32) {
    %c0_i32 = arith.constant 0 : i32
    return %arg0, %arg1 : i32, i32
  }
  func.func @transform_4(%arg0: i32, %arg1: i32) -> (i32, i32) {
    %c0_i32 = arith.constant 0 : i32
    %c0_i32_0 = arith.constant 0 : i32
    return %arg0, %c0_i32 : i32, i32
  }
}

module attributes {stable_mosaic.version = 14 : i64} {
  func.func @_attn_out_body(%arg0: i32, %arg1: i32, %arg2: memref<2xf32, #tpu.memory_space<smem>>, %arg3: memref<512x1xf32, #tpu.memory_space<vmem>>, %arg4: memref<1x10240xf32, #tpu.memory_space<vmem>>, %arg5: memref<2048x1xf32, #tpu.memory_space<vmem>>, %arg6: memref<512x1xf32, #tpu.memory_space<vmem>>, %arg7: memref<512x2048xf32, #tpu.memory_space<vmem>>, %arg8: memref<512x1xf32, #tpu.memory_space<vmem>>, %arg9: memref<512x1xf32, #tpu.memory_space<vmem>>) attributes {dimension_semantics = [#tpu.dimension_semantics<arbitrary>, #tpu.dimension_semantics<arbitrary>], iteration_bounds = array<i64: 20, 5>, scalar_prefetch = 0 : i64, scratch_operands = 1 : i64, tpu.core_type = #tpu.core_type<tc>, window_params = [{transform_indices = @transform_0, window_bounds = array<i64: 2>}, {transform_indices = @transform_1, window_bounds = array<i64: 512, 1>}, {pipeline_mode = #tpu.pipeline_mode<synchronous>, transform_indices = @transform_2, window_bounds = array<i64: 1, 10240>}, {transform_indices = @transform_3, window_bounds = array<i64: 2048, 1>}, {transform_indices = @transform_4, window_bounds = array<i64: 512, 1>}, {transform_indices = @transform_5, window_bounds = array<i64: 512, 2048>}, {transform_indices = @transform_6, window_bounds = array<i64: 512, 1>}]} {
    %get3A = arith.constant 0 : index
    %get3A_0 = memref.load %arg2[%get3A] : memref<2xf32, #tpu.memory_space<smem>>
    %get3A_1 = arith.constant 1 : index
    %get3A_2 = memref.load %arg2[%get3A_1] : memref<2xf32, #tpu.memory_space<smem>>
    %get3A_3 = arith.constant 0 : index
    %get3A_4 = arith.constant 0 : index
    %get3A_5 = vector.load %arg4[%get3A_3, %get3A_4] : memref<1x10240xf32, #tpu.memory_space<vmem>>, vector<1x10240xf32>
    %mul3A = vector.broadcast %get3A_2 : f32 to vector<1x10240xf32>
    %mul3A_6 = arith.mulf %get3A_5, %mul3A : vector<1x10240xf32>
    %reduce_max3A = vector.shape_cast %mul3A_6 : vector<1x10240xf32> to vector<1x1x10240xf32>
    %reduce_max3A_7 = arith.constant dense<0xFF800000> : vector<1xf32>
    %reduce_max3A_8 = vector.multi_reduction <maximumf>, %reduce_max3A, %reduce_max3A_7 [1, 2] : vector<1x1x10240xf32> to vector<1xf32>
    %reduce_max3A_9 = vector.shape_cast %reduce_max3A_8 : vector<1xf32> to vector<1x1x1xf32>
    %reduce_max3A_10 = vector.extract %reduce_max3A_9[0, 0, 0] : f32 from vector<1x1x1xf32>
    %mul3A_11 = arith.constant 2048 : i32
    %mul3A_12 = arith.muli %arg1, %mul3A_11 : i32
    %get3A_13 = arith.constant 0 : index
    %get3A_14 = arith.index_cast %mul3A_12 : i32 to index
    %get3A_15 = vector.load %arg4[%get3A_13, %get3A_14] : memref<1x10240xf32, #tpu.memory_space<vmem>>, vector<1x2048xf32>
    %mul3A_16 = vector.broadcast %get3A_2 : f32 to vector<1x2048xf32>
    %mul3A_17 = arith.mulf %get3A_15, %mul3A_16 : vector<1x2048xf32>
    %sub3A = vector.broadcast %reduce_max3A_10 : f32 to vector<1x2048xf32>
    %sub3A_18 = arith.subf %mul3A_17, %sub3A : vector<1x2048xf32>
    %exp3A = math.exp %sub3A_18 : vector<1x2048xf32>
    %sub3A_19 = vector.broadcast %reduce_max3A_10 : f32 to vector<1x2048xf32>
    %sub3A_20 = arith.subf %mul3A_17, %sub3A_19 : vector<1x2048xf32>
    %mul3A_21 = arith.constant 2.000000e-01 : f32
    %mul3A_22 = vector.broadcast %mul3A_21 : f32 to vector<1x2048xf32>
    %mul3A_23 = arith.mulf %mul3A_22, %sub3A_20 : vector<1x2048xf32>
    %exp3A_24 = math.exp %mul3A_23 : vector<1x2048xf32>
    %get3A_25 = arith.constant 0 : index
    %get3A_26 = arith.constant 0 : index
    %get3A_27 = vector.load %arg3[%get3A_25, %get3A_26] : memref<512x1xf32, #tpu.memory_space<vmem>>, vector<512x1xf32>
    %mul3A_28 = vector.broadcast %get3A_0 : f32 to vector<512x1xf32>
    %mul3A_29 = arith.mulf %get3A_27, %mul3A_28 : vector<512x1xf32>
    %add3A = vector.broadcast %reduce_max3A_10 : f32 to vector<512x1xf32>
    %add3A_30 = arith.addf %mul3A_29, %add3A : vector<512x1xf32>
    %gt3A = arith.constant 0.000000e+00 : f32
    %gt3A_31 = vector.broadcast %gt3A : f32 to vector<512x1xf32>
    %gt3A_32 = arith.cmpf ogt, %add3A_30, %gt3A_31 : vector<512x1xf32>
    %mul3A_33 = arith.constant 2.000000e-01 : f32
    %mul3A_34 = vector.broadcast %mul3A_33 : f32 to vector<512x1xf32>
    %mul3A_35 = arith.mulf %mul3A_34, %add3A_30 : vector<512x1xf32>
    %select_n3A = arith.select %gt3A_32, %add3A_30, %mul3A_35 : vector<512x1xi1>, vector<512x1xf32>
    %sub3A_36 = arith.subf %add3A_30, %select_n3A : vector<512x1xf32>
    %exp3A_37 = math.exp %sub3A_36 : vector<512x1xf32>
    %mul3A_38 = arith.constant 2.000000e-01 : f32
    %mul3A_39 = vector.broadcast %mul3A_38 : f32 to vector<512x1xf32>
    %mul3A_40 = arith.mulf %mul3A_39, %add3A_30 : vector<512x1xf32>
    %sub3A_41 = arith.subf %mul3A_40, %select_n3A : vector<512x1xf32>
    %exp3A_42 = math.exp %sub3A_41 : vector<512x1xf32>
    %neg3A = arith.constant 0.000000e+00 : f32
    %neg3A_43 = vector.broadcast %neg3A : f32 to vector<512x1xf32>
    %neg3A_44 = arith.subf %neg3A_43, %mul3A_29 : vector<512x1xf32>
    %gt3A_45 = vector.broadcast %mul3A_17 : vector<1x2048xf32> to vector<512x2048xf32>
    %gt3A_46 = vector.broadcast %neg3A_44 : vector<512x1xf32> to vector<512x2048xf32>
    %gt3A_47 = arith.cmpf ogt, %gt3A_45, %gt3A_46 : vector<512x2048xf32>
    %get3A_48 = arith.constant 0 : index
    %get3A_49 = arith.constant 0 : index
    %get3A_50 = vector.load %arg7[%get3A_48, %get3A_49] : memref<512x2048xf32, #tpu.memory_space<vmem>>, vector<512x2048xf32>
    %iota3A = tpu.iota {dimensions = array<i32: 1>} : vector<1x2048xi32>
    %mul3A_51 = arith.constant 2048 : i32
    %mul3A_52 = arith.muli %arg1, %mul3A_51 : i32
    %add3A_53 = vector.broadcast %mul3A_52 : i32 to vector<1x2048xi32>
    %add3A_54 = arith.addi %iota3A, %add3A_53 : vector<1x2048xi32>
    %lt3A = arith.constant 10000 : i32
    %lt3A_55 = vector.broadcast %lt3A : i32 to vector<1x2048xi32>
    %lt3A_56 = arith.cmpi slt, %add3A_54, %lt3A_55 : vector<1x2048xi32>
    %jit3A = arith.constant 0.000000e+00 : f32
    %broadcast_in_dim3A = vector.shape_cast %lt3A_56 : vector<1x2048xi1> to vector<1x2048xi1>
    %broadcast_in_dim3A_57 = vector.broadcast %broadcast_in_dim3A : vector<1x2048xi1> to vector<512x2048xi1>
    %broadcast_in_dim3A_58 = vector.broadcast %jit3A : f32 to vector<512x2048xf32>
    %select_n3A_59 = arith.select %broadcast_in_dim3A_57, %get3A_50, %broadcast_in_dim3A_58 : vector<512x2048xi1>, vector<512x2048xf32>
    %mul3A_60 = vector.broadcast %exp3A_37 : vector<512x1xf32> to vector<512x2048xf32>
    %mul3A_61 = vector.broadcast %exp3A : vector<1x2048xf32> to vector<512x2048xf32>
    %mul3A_62 = arith.mulf %mul3A_60, %mul3A_61 : vector<512x2048xf32>
    %mul3A_63 = vector.broadcast %exp3A_42 : vector<512x1xf32> to vector<512x2048xf32>
    %mul3A_64 = vector.broadcast %exp3A_24 : vector<1x2048xf32> to vector<512x2048xf32>
    %mul3A_65 = arith.mulf %mul3A_63, %mul3A_64 : vector<512x2048xf32>
    %select_n3A_66 = arith.select %gt3A_47, %mul3A_62, %mul3A_65 : vector<512x2048xi1>, vector<512x2048xf32>
    %mul3A_67 = arith.mulf %select_n3A_66, %select_n3A_59 : vector<512x2048xf32>
    %get3A_68 = arith.constant 0 : index
    %get3A_69 = arith.constant 0 : index
    %get3A_70 = vector.load %arg6[%get3A_68, %get3A_69] : memref<512x1xf32, #tpu.memory_space<vmem>>, vector<512x1xf32>
    %gt3A_71 = arith.constant 0.000000e+00 : f32
    %gt3A_72 = vector.broadcast %gt3A_71 : f32 to vector<512x1xf32>
    %gt3A_73 = arith.cmpf ogt, %get3A_70, %gt3A_72 : vector<512x1xf32>
    %div3A = arith.constant 1.000000e+00 : f32
    %div3A_74 = vector.broadcast %div3A : f32 to vector<512x1xf32>
    %div3A_75 = arith.divf %div3A_74, %get3A_70 : vector<512x1xf32>
    %jit3A_76 = arith.constant 0.000000e+00 : f32
    %broadcast_in_dim3A_77 = vector.broadcast %jit3A_76 : f32 to vector<512x1xf32>
    %select_n3A_78 = arith.select %gt3A_73, %div3A_75, %broadcast_in_dim3A_77 : vector<512x1xi1>, vector<512x1xf32>
    %div3A_79 = arith.constant 1.000000e+00 : f32
    %div3A_80 = arith.constant 1.000000e+04 : f32
    %div3A_81 = arith.divf %div3A_79, %div3A_80 : f32
    %gt3A_82 = arith.constant 0.000000e+00 : f32
    %gt3A_83 = vector.broadcast %gt3A_82 : f32 to vector<512x1xf32>
    %gt3A_84 = arith.cmpf ogt, %get3A_70, %gt3A_83 : vector<512x1xf32>
    %mul3A_85 = vector.broadcast %select_n3A_78 : vector<512x1xf32> to vector<512x2048xf32>
    %mul3A_86 = arith.mulf %mul3A_67, %mul3A_85 : vector<512x2048xf32>
    %broadcast_in_dim3A_87 = vector.shape_cast %gt3A_84 : vector<512x1xi1> to vector<512x1xi1>
    %broadcast_in_dim3A_88 = vector.broadcast %broadcast_in_dim3A_87 : vector<512x1xi1> to vector<512x2048xi1>
    %broadcast_in_dim3A_89 = vector.broadcast %div3A_81 : f32 to vector<512x2048xf32>
    %select_n3A_90 = arith.select %broadcast_in_dim3A_88, %mul3A_86, %broadcast_in_dim3A_89 : vector<512x2048xi1>, vector<512x2048xf32>
    %get3A_91 = arith.constant 0 : index
    %get3A_92 = arith.constant 0 : index
    %get3A_93 = vector.load %arg5[%get3A_91, %get3A_92] : memref<2048x1xf32, #tpu.memory_space<vmem>>, vector<2048x1xf32>
    %dot_general3A = arith.constant dense<0.000000e+00> : vector<512x1xf32>
    %dot_general3A_94 = tpu.matmul %select_n3A_90, %get3A_93, %dot_general3A {dimension_numbers = #tpu.dot_dimension_numbers<[1], [0], [0], [1], [0, 0, 1, 1], [], []>, transpose_lhs_hint = false} : vector<512x2048xf32>, vector<2048x1xf32>, vector<512x1xf32> -> vector<512x1xf32>
    %eq3A = arith.constant 0 : i32
    %eq3A_95 = arith.cmpi eq, %arg1, %eq3A : i32
    %get3A_96 = arith.constant 0 : index
    %get3A_97 = arith.constant 0 : index
    %get3A_98 = vector.load %arg9[%get3A_96, %get3A_97] : memref<512x1xf32, #tpu.memory_space<vmem>>, vector<512x1xf32>
    %add3A_99 = arith.addf %get3A_98, %dot_general3A_94 : vector<512x1xf32>
    %select_n3A_100 = arith.select %eq3A_95, %dot_general3A_94, %add3A_99 : vector<512x1xf32>
    %swap3A = arith.constant 0 : index
    %swap3A_101 = arith.constant 0 : index
    %swap3A_102 = vector.load %arg9[%swap3A, %swap3A_101] : memref<512x1xf32, #tpu.memory_space<vmem>>, vector<512x1xf32>
    tpu.vector_store %arg9[%swap3A, %swap3A_101], %select_n3A_100 {strides = array<i32>} : memref<512x1xf32, #tpu.memory_space<vmem>>, vector<512x1xf32>,
    %eq3A_103 = arith.constant 4 : i32
    %eq3A_104 = arith.cmpi eq, %arg1, %eq3A_103 : i32
    %convert_element_type3A = arith.extui %eq3A_104 : i1 to i32
    %cond3A = arith.constant 0 : i32
    %cond3A_105 = arith.cmpi ne, %convert_element_type3A, %cond3A : i32
    scf.if %cond3A_105 {
      %swap3A_106 = arith.constant 0 : index
      %swap3A_107 = arith.constant 0 : index
      %swap3A_108 = vector.load %arg8[%swap3A_106, %swap3A_107] : memref<512x1xf32, #tpu.memory_space<vmem>>, vector<512x1xf32>
      tpu.vector_store %arg8[%swap3A_106, %swap3A_107], %select_n3A_100 {strides = array<i32>} : memref<512x1xf32, #tpu.memory_space<vmem>>, vector<512x1xf32>,
    } else {
    }
    return
  }
  func.func @transform_0(%arg0: i32, %arg1: i32) -> i32 {
    %c0_i32 = arith.constant 0 : i32
    %c0_i32_0 = arith.constant 0 : i32
    return %c0_i32 : i32
  }
  func.func @transform_1(%arg0: i32, %arg1: i32) -> (i32, i32) {
    %c0_i32 = arith.constant 0 : i32
    %c0_i32_0 = arith.constant 0 : i32
    return %arg0, %c0_i32 : i32, i32
  }
  func.func @transform_2(%arg0: i32, %arg1: i32) -> (i32, i32) {
    %c0_i32 = arith.constant 0 : i32
    %c0_i32_0 = arith.constant 0 : i32
    %c0_i32_1 = arith.constant 0 : i32
    return %c0_i32, %c0_i32_0 : i32, i32
  }
  func.func @transform_3(%arg0: i32, %arg1: i32) -> (i32, i32) {
    %c0_i32 = arith.constant 0 : i32
    %c0_i32_0 = arith.constant 0 : i32
    return %arg1, %c0_i32 : i32, i32
  }
  func.func @transform_4(%arg0: i32, %arg1: i32) -> (i32, i32) {
    %c0_i32 = arith.constant 0 : i32
    %c0_i32_0 = arith.constant 0 : i32
    return %arg0, %c0_i32 : i32, i32
  }
  func.func @transform_5(%arg0: i32, %arg1: i32) -> (i32, i32) {
    %c0_i32 = arith.constant 0 : i32
    return %arg0, %arg1 : i32, i32
  }
  func.func @transform_6(%arg0: i32, %arg1: i32) -> (i32, i32) {
    %c0_i32 = arith.constant 0 : i32
    %c0_i32_0 = arith.constant 0 : i32
    return %arg0, %c0_i32 : i32, i32
  }
}

</mosaic_0001>

<sc_bundles>
// kernel: kernel.11.cloned.1.call-start
scs
__scs_entry_jumppad:
0x0: {  	(pc) =	sbr.rel $0x88, $3  }
0x1: {  	(tag) =	ssettag $0x0;
	lr =	simm.s32 $0x1  }
0x2: {  	[smem:$0x3F9B] =	sst lr;
	_ =	strace $0xD0000000  }
0x3: {  	_ = 	snop  }
0x4: {  	_ = 	snop  }
0x5: {  	_ = 	snop  }
0x6: {  	_ = 	snop  }
0x7: {  	_ = 	snop  }
__scs_overlays_trampoline_lowered:
0x8: {  	[smem:$0x3FAA] =	sst s0  }
0x9: {  	[smem:$0x3FAB] =	sst s1  }
0xa: {  	[smem:$0x3FAC] =	sst s2  }
0xb: {  	[smem:$0x3FAD] =	sst s3  }
0xc: {  	[smem:$0x3FAE] =	sst s4  }
0xd: {  	[smem:$0x3FAF] =	sst s5  }
0xe: {  	[smem:$0x3FB0] =	sst s6  }
0xf: {  	[smem:$0x3FB1] =	sst s7  }
0x10: {  	[smem:$0x3FB2] =	sst s8  }
0x11: {  	[smem:$0x3FB3] =	sst s9;
	s0 =	simm.s32 @!p0 $0x0  }
0x12: {  	s1 =	sld [smem:$0x3F99];
	s0 =	simm.s32 @p0 $0x1  }
0x13: {  	[smem:$0x3FB4] =	sst s0;
	s0 =	simm.s32 @!p1 $0x0  }
0x14: {  	s2 =	sld [smem:$0x3F98];
	s0 =	simm.s32 @p1 $0x1  }
0x15: {  	[smem:$0x3FB5] =	sst s0;
	s0 =	simm.s32 @!p2 $0x0  }
0x16: {  	s3 =	sld [smem:$0x3FDB];
	s0 =	simm.s32 @p2 $0x1  }
0x17: {  	s4 =	simm.s32 $0x1BF5;
	[smem:$0x3FB7] =	sst s0  }
0x18: {  	s0 =	sld [smem:$0x3F9A];
	_ =	swait.ge [sflag:s4], $0x0  }
0x19: {  	s7 =	sld [smem:$0x3F9B]  }
0x1a: {  	s8 =	sadd.s32 $0xFFFFE003, lr  }
0x1b: {  	s9 =	sadd.s32 $0xFFFFFEF7, lr;
	s5 =	simm.s32 $0xFFFFFFFF;
	p2 =	slt.u32 s8, $0xFFFFF086  }
0x1c: {  	p1 =	slt.u32 s9, $0xF7A;
	s5 =	simm.s32 @!p2 $0x0  }
0x1d: {  	s5 =	simm.s32 @p1 $0x1;
	p0 =	seq.s32 s7, s2  }
0x1e: {  	s7 =	smul.u32 @!p0 $0xF7A, s2;
	p2 =	seq.s32 @!p0 s5, $0x0  }
0x1f: {  	s9 =	smul.u32 $0xF7A, s1;
	s8 =	simm.s32 @!p0 $0x1BF5;
	p2 =	por !p2, p0  }
0x20: {  	[sflag:s8] =	ssyncset.s32 @!p0 $0xFFFFF086;
	s6 =	sadd.s32 @!p0 s3, s7;
	s7 =	simm.s32 @!p0 $0x108  }
0x21: {  	s3 =	sadd.s32 s3, s9;
	s6 =	sadd.s32 @!p0 $0x88, s6;
	s7 =	simm.s32 @p2 $0x1082  }
0x22: {  	[simem:s7], [sflag:s8] =	dma.local @!p0 [hbm:s6], $0xF7A  }
0x23: {  	s9 =	sor.u32 $0xD0000000, s2;
	s6 =	simm.s32 $0x108;
	_ =	swait.ge @!p0 [sflag:s8], $0x0  }
0x24: {  	s3 =	sadd.s32 $0x88, s3;
	s6 =	simm.s32 @!p1 $0x1082;
	[sflag:s4] =	ssyncset.s32 $0xFFFFF086  }
0x25: {  	[simem:s6], [sflag:s4] =	dma.local [hbm:s3], $0xF7A  }
0x26: {  	[smem:$0x3F9B] =	sst s1;
	(tag) =	ssettag s2;
	_ =	strace s9  }
0x27: {  	s1 =	sld [smem:$0x3FAB]  }
0x28: {  	s2 =	sld [smem:$0x3FAC]  }
0x29: {  	s4 =	sld [smem:$0x3FAE]  }
0x2a: {  	p0 =	seq.s32 s5, $0x0;
	s5 =	sld [smem:$0x3FAF]  }
0x2b: {  	s6 =	sld [smem:$0x3FB0]  }
0x2c: {  	s7 =	sld [smem:$0x3FB1]  }
0x2d: {  	s3 =	simm.s32 $0x108;
	s8 =	sld [smem:$0x3FB2]  }
0x2e: {  	s3 =	simm.s32 @!p0 $0x1082;
	s9 =	sld [smem:$0x3FB3]  }
0x2f: {  	lr =	sadd.s32 s0, s3;
	s0 =	sld [smem:$0x3FAA]  }
0x30: {  	s3 =	sld [smem:$0x3FAD]  }
0x31: {  	[smem:$0x3FB6] =	sst s10  }
0x32: {  	s10 =	sld [smem:$0x3FB4];
	_ =	sdelay $0x3  }
0x33: {  	p0 =	seq.s32 s10, $0x1;
	s10 =	sld [smem:$0x3FB6];
	_ =	sdelay $0x3  }
0x34: {  	[smem:$0x3FB6] =	sst s10  }
0x35: {  	s10 =	sld [smem:$0x3FB5];
	_ =	sdelay $0x3  }
0x36: {  	p1 =	seq.s32 s10, $0x1;
	s10 =	sld [smem:$0x3FB6];
	_ =	sdelay $0x3  }
0x37: {  	[smem:$0x3FB6] =	sst s10  }
0x38: {  	s10 =	sld [smem:$0x3FB7]  }
0x39: {  	_ = 	snop;
	(pc) =	sbr.ind lr, $3  }
0x3a: {  	_ = 	snop  }
0x3b: {  	_ = 	snop  }
0x3c: {  	p2 =	seq.s32 s10, $0x1;
	s10 =	sld [smem:$0x3FB6]  }
0x3d: {  	_ =	shalt  }
0x3e: {  	_ =	shalt  }
0x3f: {  	_ =	shalt  }
0x40: {  	_ =	shalt  }
0x41: {  	_ =	shalt  }
0x42: {  	_ =	shalt  }
0x43: {  	_ =	shalt  }
0x44: {  	_ =	shalt  }
0x45: {  	_ =	shalt  }
0x46: {  	_ =	shalt  }
0x47: {  	_ =	shalt  }
0x48: {  	_ =	shalt  }
0x49: {  	_ =	shalt  }
0x4a: {  	_ =	shalt  }
0x4b: {  	_ =	shalt  }
0x4c: {  	_ =	shalt  }
0x4d: {  	_ =	shalt  }
0x4e: {  	_ =	shalt  }
0x4f: {  	_ =	shalt  }
0x50: {  	_ =	shalt  }
0x51: {  	_ =	shalt  }
0x52: {  	_ =	shalt  }
0x53: {  	_ =	shalt  }
0x54: {  	_ =	shalt  }
0x55: {  	_ =	shalt  }
0x56: {  	_ =	shalt  }
0x57: {  	_ =	shalt  }
0x58: {  	_ =	shalt  }
0x59: {  	_ =	shalt  }
0x5a: {  	_ =	shalt  }
0x5b: {  	_ =	shalt  }
0x5c: {  	_ =	shalt  }
0x5d: {  	_ =	shalt  }
0x5e: {  	_ =	shalt  }
0x5f: {  	_ =	shalt  }
0x60: {  	_ =	shalt  }
0x61: {  	_ =	shalt  }
0x62: {  	_ =	shalt  }
0x63: {  	_ =	shalt  }
0x64: {  	_ =	shalt  }
0x65: {  	_ =	shalt  }
0x66: {  	_ =	shalt  }
0x67: {  	_ =	shalt  }
0x68: {  	_ =	shalt  }
0x69: {  	_ =	shalt  }
0x6a: {  	_ =	shalt  }
0x6b: {  	_ =	shalt  }
0x6c: {  	_ =	shalt  }
0x6d: {  	_ =	shalt  }
0x6e: {  	_ =	shalt  }
0x6f: {  	_ =	shalt  }
0x70: {  	_ =	shalt  }
0x71: {  	_ =	shalt  }
0x72: {  	_ =	shalt  }
0x73: {  	_ =	shalt  }
0x74: {  	_ =	shalt  }
0x75: {  	_ =	shalt  }
0x76: {  	_ =	shalt  }
0x77: {  	_ =	shalt  }
0x78: {  	_ =	shalt  }
0x79: {  	_ =	shalt  }
0x7a: {  	_ =	shalt  }
0x7b: {  	_ =	shalt  }
0x7c: {  	_ =	shalt  }
0x7d: {  	_ =	shalt  }
0x7e: {  	_ =	shalt  }
0x7f: {  	_ =	shalt  }
0x80: {  	_ =	shalt  }
0x81: {  	_ =	shalt  }
0x82: {  	_ =	shalt  }
0x83: {  	_ =	shalt  }
0x84: {  	_ =	shalt  }
0x85: {  	_ =	shalt  }
0x86: {  	_ =	shalt  }
0x87: {  	_ =	shalt  }
.Lfunc_end0:
.L_simem_size_0:
called_computation.1_lowered:
.L_overlay_start_0:
0x88: {  	s2 =	sld [smem:$0x3FD9]  }
0x89: {  	s3 =	sld [smem:$0x3FFE];
	_ =	sdelay $0x1  }
0x8a: {  	s1 =	srdreg.scid  }
0x8b: {  	s0 =	sand.u32 $0x1, s1  }
0x8c: {  	s16 =	sshll.u32 s0, $0xA;
	s2 =	sadd.s32 s3, s2  }
0x8d: {  	s2 =	sadd.s32 s2, s16  }
0x8e: {  	[smem:$0x3FC2] =	sst s2  }
0x8f: {  	_ = 	snop  }
0x90: {  	(tm) =	ssettm $0x1  }
0x91: {  	s17 =	sld [smem:$0x3FFB];
	_ =	sdelay $0x3  }
0x92: {  	_ =	strace s17  }
0x93: {  	s2 =	sld [smem:$0x3FFC];
	_ =	sdelay $0x3  }
0x94: {  	_ =	strace s2  }
0x95: {  	s2 =	sld [smem:$0x3FFD];
	_ =	sdelay $0x3  }
0x96: {  	_ =	strace s2  }
0x97: {  	_ =	strace $0x8FFFFFFF  }
0x98: {  	s18 =	sld [smem:$0x3FDB];
	_ =	sdelay $0x1  }
0x99: {  	s19 =	simm.s32 $_scs_section_size  }
0x9a: {  	s4 =	simm.s32 $_size__tile_overlayer_lowered;
	s5 =	simm.s32 $_tile_overlayer_lowered  }
0x9b: {  	s22 =	simm.s32 $0x1BFF;
	s21 =	sshll.u32 s5, $0x1;
	s2 =	sadd.s32 s19, s18  }
0x9c: {  	s6 =	simm.s32 $0x0;
	s20 =	sshll.u32 s4, $0x1;
	s4 =	sadd.s32 s21, s2  }
0x9d: {  	[timem:s6], [sflag:s22] =	dma.local [hbm:s4], s20  }
0x9e: {  	_ =	swait.ge [sflag:s22], s20  }
0x9f: {  	s3 =	ssub.s32 $0x0, s20;
	[sflag:s22] =	ssyncset.done $0x0  }
0xa0: {  	[sflag:s22] =	ssyncadd.s32 s3;
	_ =	sdelay $0x1  }
0xa1: {  	s23 =	simm.s32 $0x1B8B  }
0xa2: {  	_ =	swait.ge [sflag:s23], $0x1  }
0xa3: {  	[sflag:s23] =	ssyncset.done $0x0  }
0xa4: {  	s25 =	simm.s32 $0x1B8E;
	s24 =	sld [smem:$0x3FFE];
	[sflag:s23] =	ssyncadd.s32 $0xFFFFFFFF  }
0xa5: {  	s26 =	simm.s32 $execute0_lowered;
	[smem:$0x3FD2] =	sst s25  }
0xa6: {  	s4 =	sshll.u32 s26, $0x1;
	_ =	strace $0x80000049;
	[dreg:$0x1] =	wrdreg $0xFFFFFFFF  }
0xa7: {  	s28 =	simm.s32 $_size_execute0_lowered;
	s2 =	sadd.s32 s2, s4;
	[dreg:$0x0] =	wrdreg $0x0  }
0xa8: {  	s4 =	sshll.u32 s28, $0x1;
	[dreg:$0x2] =	wrdreg s2  }
0xa9: {  	[dreg:$0x3] =	wrdreg s4  }
0xaa: {  	[dreg:$0x4] =	wrdreg $0xC0  }
0xab: {  	_ =	task [dreg:s6], $0x5FFFF  }
0xac: {  	[dreg:$0x1] =	wrdreg $0xFFFFFFFF  }
0xad: {  	[dreg:$0x0] =	wrdreg $0x60  }
0xae: {  	[dreg:$0x2] =	wrdreg s24  }
0xaf: {  	[dreg:$0x3] =	wrdreg $0x9  }
0xb0: {  	_ =	task.clear_ibuf [dreg:s6], $0x4FFFF;
	_ =	strace $0x90000049  }
0xb1: {  	s29 =	simm.s32 $0x9;
	_ =	strace $0x8000004B  }
0xb2: {  	_ =	swait.ge [sflag:s29], $0x1  }
0xb3: {  	[sflag:s29] =	ssyncadd.s32 $0xFFFFFFFF  }
0xb4: {  	_ =	strace $0x9000004B  }
0xb5: {  	_ =	sfence  }
0xb6: {  	s30 =	sld [smem:$0x0];
	_ =	sdelay $0x2  }
0xb7: {  	s31 =	sshll.u32 s1, $0xD;
	s1 =	sshrl.u32 s1, $0x2  }
0xb8: {  	s3 =	sand.u32 $0x4000, s31;
	s1 =	sadd.s32 s1, s30  }
0xb9: {  	s0 =	sor.u32 s3, s0;
	s1 =	sshll.u32 s1, $0x11  }
0xba: {  	s0 =	sor.u32 s1, s0  }
0xbb: {  	s0 =	sadd.s32 $0x8F2B, s0  }
0xbc: {  	[sflag:s0] =	ssyncadd.remote.s32 $0x1  }
0xbd: {  	_ =	sfence.sel $0xFFFF  }
0xbe: {  	[dreg:$0x0] =	wrdreg $0xFFFFFFFF;
	(pc) =	sbr.abs _section_cstart, $3  }
0xbf: {  	[dreg:$0x1] =	wrdreg $0xFFFFFFFF  }
0xc0: {  	_ =	task.clear_ibuf [dreg:s6], $0x2FFFF;
	_ =	strace $0x9FFFFFFF  }
0xc1: {  	(tm) =	ssettm $0x7FFFFFFF  }
tec
execute0_lowered:
.L_overlay_start_1:
0x0: {  	(tag) =	ssettag $0x1  }
0x1: {  	s4 =	rddreg [dreg:$0x0]  }
0x2: {  	s0 =	rddreg [dreg:$0x1];
	s2 =	simm.s32 $0x0;
	s3 =	srdreg.scid  }
0x3: {  	s1 =	stileid.u32;
	s9 =	simm.s32 $0x200;
	s10 =	simm.s32 $0x80  }
0x4: {  	s11 =	simm.s32 $0x400;
	s12 =	simm.s32 $0x600;
	s13 =	simm.s32 $0x480  }
0x5: {  	s14 =	simm.s32 $0x280;
	s15 =	simm.s32 $0x680;
	s16 =	simm.s32 $0x100  }
0x6: {  	s17 =	simm.s32 $0x500;
	s18 =	simm.s32 $0x300;
	s19 =	simm.s32 $0x700  }
0x7: {  	s20 =	simm.s32 $0x1;
	s21 =	simm.s32 $0x800;
	s3 =	sand.u32 $0x1, s3  }
0x8: {  	[smem:$0x7FF] =	sst s2;
	s5 =	sshll.u32 s1, $0x7;
	s6 =	sshll.u32 s3, $0x6  }
0x9: {  	s7 =	ssub.s32 $0x2, s3;
	_ =	strace $0x8000004A;
	s5 =	sor.u32 s6, s5  }
0xa: {  	s3 =	sadd.s32 $0xC00, s4;
	s31 =	sshrl.u32 s7, $0x1;
	s8 =	sadd.s32 s5, s4  }
0xb: {  	s7 =	ssub.s32 s7, s31;
	s4 =	sadd.s32 $0x18600, s8;
	s5 =	sadd.s32 $0x17E00, s8  }
0xc: {  	s6 =	sadd.s32 $0xAC00, s8;
	s7 =	smax.u32 s7, $0x1;
	s8 =	simm.s32 $0x2  }
.LBB2_1:
0xd: {  	[tilespmem:s2], [sflag:$0x2] =	stream.linear.gather [hbm4b:s4+s2], $0x180, $0x38;
	[tilespmem:$0xA00] =	vst v63  }
0xe: {  	_ =	swait.ge [sflag:s8], $0x180  }
0xf: {  	[sflag:s8] =	ssyncset.done $0x0  }
0x10: {  	[sflag:s8] =	ssyncadd.s32 $0xFFFFFE80  }
0x11: {  	[tilespmem:s9], [sflag:$0x2] =	stream.linear.gather [hbm4b:s5+s2], $0x180, $0x38;
	[tilespmem:$0xA00] =	vst v63  }
0x12: {  	_ =	swait.ge [sflag:s8], $0x180  }
0x13: {  	[sflag:s8] =	ssyncset.done $0x0  }
0x14: {  	[sflag:s8] =	ssyncadd.s32 $0xFFFFFE80  }
0x15: {  	[tilespmem:s11], [sflag:$0x1] =	stream.indirect.gather [hbm4b:s3+s10], $0x1, s2, s10, $0xb8;
	[tilespmem:$0xA00] =	vst v63  }
0x16: {  	_ = 	snop  }
0x17: {  	[tilespmem:s12], [sflag:$0x1] =	stream.indirect.gather [hbm4b:s3+s10], $0x1, s9, s10, $0xb8;
	[tilespmem:$0xA00] =	vst v63  }
0x18: {  	_ = 	snop  }
0x19: {  	[tilespmem:s13], [sflag:$0x1] =	stream.indirect.gather [hbm4b:s3+s10], $0x1, s10, s10, $0xb8;
	[tilespmem:$0xA00] =	vst v63  }
0x1a: {  	_ = 	snop  }
0x1b: {  	[tilespmem:s15], [sflag:$0x1] =	stream.indirect.gather [hbm4b:s3+s10], $0x1, s14, s10, $0xb8;
	[tilespmem:$0xA00] =	vst v63  }
0x1c: {  	_ = 	snop  }
0x1d: {  	[tilespmem:s17], [sflag:$0x1] =	stream.indirect.gather [hbm4b:s3+s10], $0x1, s16, s10, $0xb8;
	[tilespmem:$0xA00] =	vst v63  }
0x1e: {  	_ = 	snop  }
0x1f: {  	[tilespmem:s19], [sflag:$0x1] =	stream.indirect.gather [hbm4b:s3+s10], $0x1, s18, s10, $0xb8;
	[tilespmem:$0xA00] =	vst v63  }
0x20: {  	_ =	swait.ge [sflag:s20], $0x80  }
0x21: {  	[sflag:s20] =	ssyncset.done $0x0  }
0x22: {  	[sflag:s20] =	ssyncadd.s32 $0xFFFFFF80  }
0x23: {  	_ =	swait.ge [sflag:s20], $0x80  }
0x24: {  	[sflag:s20] =	ssyncset.done $0x0  }
0x25: {  	[sflag:s20] =	ssyncadd.s32 $0xFFFFFF80  }
0x26: {  	_ =	swait.ge [sflag:s20], $0x80  }
0x27: {  	[sflag:s20] =	ssyncset.done $0x0  }
0x28: {  	[sflag:s20] =	ssyncadd.s32 $0xFFFFFF80  }
0x29: {  	_ =	swait.ge [sflag:s20], $0x80  }
0x2a: {  	[sflag:s20] =	ssyncset.done $0x0  }
0x2b: {  	[sflag:s20] =	ssyncadd.s32 $0xFFFFFF80  }
0x2c: {  	_ =	swait.ge [sflag:s20], $0x80  }
0x2d: {  	[sflag:s20] =	ssyncset.done $0x0  }
0x2e: {  	[sflag:s20] =	ssyncadd.s32 $0xFFFFFF80  }
0x2f: {  	_ =	swait.ge [sflag:s20], $0x80  }
0x30: {  	[sflag:s20] =	ssyncset.done $0x0  }
0x31: {  	[sflag:s20] =	ssyncadd.s32 $0xFFFFFF80  }
0x32: {  	v0 =	vld [tilespmem:$0x0]  }
0x33: {  	v1 =	vld [tilespmem:$0x200]  }
0x34: {  	v4 =	vld [tilespmem:$0x600]  }
0x35: {  	v5 =	vld [tilespmem:$0x400]  }
0x36: {  	v2 =	vld [tilespmem:$0x10]  }
0x37: {  	v3 =	vld [tilespmem:$0x210]  }
0x38: {  	v6 =	vld [tilespmem:$0x610]  }
0x39: {  	v7 =	vld [tilespmem:$0x410]  }
0x3a: {  	v8 =	vld [tilespmem:$0x20]  }
0x3b: {  	v9 =	vld [tilespmem:$0x220]  }
0x3c: {  	v10 =	vld [tilespmem:$0x620]  }
0x3d: {  	v11 =	vld [tilespmem:$0x420]  }
0x3e: {  	v12 =	vld [tilespmem:$0x30]  }
0x3f: {  	v13 =	vld [tilespmem:$0x230]  }
0x40: {  	v14 =	vld [tilespmem:$0x630]  }
0x41: {  	v15 =	vld [tilespmem:$0x430]  }
0x42: {  	v16 =	vld [tilespmem:$0x40]  }
0x43: {  	v17 =	vld [tilespmem:$0x240]  }
0x44: {  	v18 =	vld [tilespmem:$0x640]  }
0x45: {  	v19 =	vld [tilespmem:$0x440]  }
0x46: {  	v20 =	vld [tilespmem:$0x50]  }
0x47: {  	v21 =	vld [tilespmem:$0x250]  }
0x48: {  	v22 =	vld [tilespmem:$0x650]  }
0x49: {  	v23 =	vld [tilespmem:$0x450]  }
0x4a: {  	v24 =	vld [tilespmem:$0x60]  }
0x4b: {  	v25 =	vld [tilespmem:$0x260]  }
0x4c: {  	v26 =	vld [tilespmem:$0x660]  }
0x4d: {  	v27 =	vld [tilespmem:$0x460]  }
0x4e: {  	v28 =	vld [tilespmem:$0x70]  }
0x4f: {  	v29 =	vld [tilespmem:$0x270]  }
0x50: {  	v30 =	vld [tilespmem:$0x670]  }
0x51: {  	v31 =	vld [tilespmem:$0x470]  }
0x52: {  	v32 =	vld [tilespmem:$0x80]  }
0x53: {  	v33 =	vld [tilespmem:$0x280]  }
0x54: {  	v34 =	vld [tilespmem:$0x680]  }
0x55: {  	v35 =	vld [tilespmem:$0x480]  }
0x56: {  	v36 =	vld [tilespmem:$0x90]  }
0x57: {  	v37 =	vld [tilespmem:$0x290]  }
0x58: {  	v38 =	vld [tilespmem:$0x690]  }
0x59: {  	v39 =	vld [tilespmem:$0x490]  }
0x5a: {  	v40 =	vld [tilespmem:$0xA0]  }
0x5b: {  	v41 =	vld [tilespmem:$0x2A0]  }
0x5c: {  	v42 =	vld [tilespmem:$0x6A0]  }
0x5d: {  	v43 =	vld [tilespmem:$0x4A0]  }
0x5e: {  	v44 =	vld [tilespmem:$0xB0]  }
0x5f: {  	v45 =	vld [tilespmem:$0x2B0]  }
0x60: {  	v46 =	vld [tilespmem:$0x6B0]  }
0x61: {  	v47 =	vld [tilespmem:$0x4B0]  }
0x62: {  	v48 =	vld [tilespmem:$0xC0]  }
0x63: {  	v49 =	vld [tilespmem:$0x2C0]  }
0x64: {  	v56 =	vsub.s32 v9, v8;
	v8 =	vld [tilespmem:$0x6C0]  }
0x65: {  	v0 =	vsub.s32 v1, v0;
	v55 =	vsub.s32 v3, v2;
	v9 =	vld [tilespmem:$0x4C0]  }
0x66: {  	v58 =	vsub.s32 v13, v12;
	v12 =	vld [tilespmem:$0xD0];
	v60 =	vsub.s32 v17, v16;
	v62 =	vsub.s32 v21, v20  }
0x67: {  	v13 =	vld [tilespmem:$0x2D0];
	v25 =	vsub.s32 v25, v24;
	v50 =	vsub.s32 v29, v28;
	v51 =	vsub.s32 v33, v32  }
0x68: {  	v17 =	vld [tilespmem:$0xE0];
	v54 =	vsub.f32 v4, v5;
	v7 =	vsub.f32 v6, v7;
	v0 =	vcvt.s32.f32 v0  }
0x69: {  	v21 =	vld [tilespmem:$0x2E0];
	v10 =	vsub.f32 v10, v11;
	v1 =	vcvt.s32.f32 v55;
	v2 =	vcvt.s32.f32 v56  }
0x6a: {  	v24 =	vld [tilespmem:$0xF0];
	v18 =	vsub.f32 v18, v19;
	v63 =	vcvt.s32.f32 v62;
	v16 =	vcvt.s32.f32 v25  }
0x6b: {  	v4 =	vld [tilespmem:$0x6F0];
	v20 =	vcvt.s32.f32 v50;
	v53 =	vcvt.s32.f32 v51;
	v55 =	vsub.s32 v37, v36  }
0x6c: {  	v5 =	vld [tilespmem:$0x4F0];
	v51 =	vsub.f32 v26, v27;
	v0 =	vmax.f32 v0, $1.000000000e+00;
	v57 =	vmax.f32 v1, $1.000000000e+00  }
0x6d: {  	v33 =	vld [tilespmem:$0x100];
	v59 =	vmax.f32 v2, $1.000000000e+00;
	v1 =	vcvt.s32.f32 v58;
	v2 =	vcvt.s32.f32 v60  }
0x6e: {  	v6 =	vld [tilespmem:$0x700];
	v3 =	vmax.f32 v63, $1.000000000e+00;
	v16 =	vmax.f32 v16, $1.000000000e+00;
	v52 =	vmax.f32 v20, $1.000000000e+00  }
0x6f: {  	v32 =	vld [tilespmem:$0x510];
	v56 =	vmax.f32 v53, $1.000000000e+00;
	v58 =	vsub.s32 v41, v40;
	(erf) = vrcp.f32 v0  }
0x70: {  	v26 =	vld [tilespmem:$0x710];
	v40 =	vsub.f32 v14, v15;
	v53 =	vsub.f32 v30, v31;
	(erf) = vrcp.f32 v57  }
0x71: {  	v15 =	vld [tilespmem:$0x500];
	v28 =	vcvt.s32.f32 v58;
	v61 =	vmax.f32 v1, $1.000000000e+00;
	(erf) = vrcp.f32 v59  }
0x72: {  	v0 =	vld [tilespmem:$0x6D0];
	v2 =	vmax.f32 v2, $1.000000000e+00;
	v57 =	vcvt.s32.f32 v55;
	(erf) = vrcp.f32 v61  }
0x73: {  	v58 =	vld [tilespmem:$0x120];
	v55 =	vsub.f32 v34, v35;
	v12 =	vsub.s32 v13, v12;
	(erf) = vrcp.f32 v2  }
0x74: {  	v1 =	vld [tilespmem:$0x4D0];
	v17 =	vsub.s32 v21, v17;
	v8 =	vsub.f32 v8, v9;
	(erf) = vrcp.f32 v3  }
0x75: {  	v21 =	vld [tilespmem:$0x520];
	v59 =	vsub.s32 v45, v44;
	v62 =	vmax.f32 v28, $1.000000000e+00;
	(erf) = vrcp.f32 v16  }
0x76: {  	v28 =	vld [tilespmem:$0x300];
	v45 =	vsub.f32 v22, v23;
	v12 =	vcvt.s32.f32 v12;
	(erf) = vrcp.f32 v52  }
0x77: {  	v22 =	vld [tilespmem:$0x110];
	v17 =	vcvt.s32.f32 v17;
	v20 =	vmax.f32 v57, $1.000000000e+00;
	v29 =	vcvt.s32.f32 v59  }
0x78: {  	v59 =	vsub.f32 v38, v39;
	v16 =	vld [tilespmem:$0x2F0];
	(erf) = vrcp.f32 v56;
	v56 =	vsub.s32 v49, v48;
	v60 =	vpop (erf)  }
0x79: {  	v23 =	vld [tilespmem:$0x310];
	v12 =	vmax.f32 v12, $1.000000000e+00;
	v37 =	vmax.f32 v29, $1.000000000e+00;
	v31 =	vcvt.s32.f32 v56;
	v61 =	vpop (erf)  }
0x7a: {  	v38 =	vld [tilespmem:$0x560];
	v0 =	vsub.f32 v0, v1;
	v25 =	vmul.f32 v60, v54;
	(erf) = vrcp.f32 v20;
	v63 =	vpop (erf)  }
0x7b: {  	v48 =	vmax.f32 v17, $1.000000000e+00;
	v60 =	vld [tilespmem:$0x320];
	(erf) = vrcp.f32 v62;
	v7 =	vmul.f32 v61, v7;
	v41 =	vpop (erf)  }
0x7c: {  	v61 =	vsub.f32 v42, v43;
	v42 =	vld [tilespmem:$0x330];
	(erf) = vrcp.f32 v37;
	v10 =	vmul.f32 v63, v10;
	v44 =	vpop (erf)  }
0x7d: {  	v63 =	vld [tilespmem:$0x130];
	v11 =	vmul.f32 v41, v40;
	v40 =	vsub.f32 v46, v47;
	v46 =	vsub.s32 v16, v24;
	v50 =	vpop (erf)  }
0x7e: {  	v49 =	vsub.s32 v28, v33;
	v47 =	vld [tilespmem:$0x150];
	v18 =	vmul.f32 v44, v18;
	v9 =	vcvt.s32.f32 v46;
	v52 =	vpop (erf)  }
0x7f: {  	v31 =	vmax.f32 v31, $1.000000000e+00;
	v44 =	vld [tilespmem:$0x140];
	v14 =	vmul.f32 v50, v45;
	v54 =	vpop (erf);
	v19 =	vmul.f32 v52, v51  }
0x80: {  	v45 =	vld [tilespmem:$0x340];
	v51 =	vcvt.s32.f32 v49;
	v52 =	vsub.s32 v23, v22;
	v27 =	vmul.f32 v54, v53  }
0x81: {  	v50 =	vld [tilespmem:$0x350];
	v57 =	vpop (erf);
	(erf) = vrcp.f32 v31;
	v17 =	vcvt.s32.f32 v52;
	v54 =	vsub.s32 v60, v58  }
0x82: {  	v53 =	vld [tilespmem:$0x160];
	v60 =	vsub.s32 v42, v63;
	v20 =	vmul.f32 v57, v55;
	(erf) = vrcp.f32 v12  }
0x83: {  	[tilespmem:$0x820] =	vst v10;
	v9 =	vmax.f32 v9, $1.000000000e+00;
	v58 =	vld [tilespmem:$0x170];
	v57 =	vcvt.s32.f32 v54;
	v10 =	vcvt.s32.f32 v60;
	v62 =	vpop (erf)  }
0x84: {  	[tilespmem:$0x800] =	vst v25;
	v55 =	vld [tilespmem:$0x360];
	v56 =	vmax.f32 v51, $1.000000000e+00;
	(erf) = vrcp.f32 v48;
	v41 =	vpop (erf);
	v29 =	vmul.f32 v62, v59  }
0x85: {  	[tilespmem:$0x810] =	vst v7;
	(erf) = vrcp.f32 v9;
	v59 =	vmax.f32 v17, $1.000000000e+00;
	v35 =	vmul.f32 v41, v61;
	v61 =	vld [tilespmem:$0x370]  }
0x86: {  	v2 =	vld [tilespmem:$0x6E0];
	[tilespmem:$0x830] =	vst v11;
	v9 =	vmax.f32 v57, $1.000000000e+00;
	v12 =	vsub.s32 v50, v47;
	v43 =	vpop (erf);
	(erf) = vrcp.f32 v56  }
0x87: {  	v3 =	vld [tilespmem:$0x4E0];
	[tilespmem:$0x840] =	vst v18;
	v18 =	vsub.s32 v45, v44;
	v12 =	vcvt.s32.f32 v12;
	(erf) = vrcp.f32 v59  }
0x88: {  	v28 =	vld [tilespmem:$0x540];
	[tilespmem:$0x850] =	vst v14;
	v10 =	vmax.f32 v10, $1.000000000e+00;
	(erf) = vrcp.f32 v9;
	v9 =	vcvt.s32.f32 v18  }
0x89: {  	v25 =	vld [tilespmem:$0x530];
	[tilespmem:$0x860] =	vst v19;
	v36 =	vmul.f32 v43, v40;
	v24 =	vsub.s32 v55, v53;
	(erf) = vrcp.f32 v10  }
0x8a: {  	v46 =	vld [tilespmem:$0x570];
	[tilespmem:$0x870] =	vst v27;
	v10 =	vcvt.s32.f32 v24;
	v9 =	vmax.f32 v9, $1.000000000e+00;
	v13 =	vsub.s32 v61, v58  }
0x8b: {  	v23 =	vld [tilespmem:$0x730];
	[tilespmem:$0x880] =	vst v20;
	v12 =	vmax.f32 v12, $1.000000000e+00;
	(erf) = vrcp.f32 v9;
	v13 =	vcvt.s32.f32 v13  }
0x8c: {  	v2 =	vsub.f32 v2, v3;
	v63 =	vld [tilespmem:$0x720];
	[tilespmem:$0x890] =	vst v29;
	v62 =	vpop (erf);
	v10 =	vmax.f32 v10, $1.000000000e+00;
	(erf) = vrcp.f32 v12  }
0x8d: {  	v31 =	vld [tilespmem:$0x550];
	[tilespmem:$0x8A0] =	vst v35;
	v8 =	vmul.f32 v62, v8;
	v30 =	vpop (erf);
	(erf) = vrcp.f32 v10;
	v33 =	vmax.f32 v13, $1.000000000e+00  }
0x8e: {  	v4 =	vsub.f32 v4, v5;
	v27 =	vld [tilespmem:$0x740];
	[tilespmem:$0x8B0] =	vst v36;
	v0 =	vmul.f32 v30, v0;
	v34 =	vpop (erf);
	(erf) = vrcp.f32 v33  }
0x8f: {  	v37 =	vsub.f32 v6, v15;
	v29 =	vld [tilespmem:$0x750];
	v36 =	vpop (erf);
	[tilespmem:$0x8C0] =	vst v8;
	v2 =	vmul.f32 v34, v2  }
0x90: {  	v41 =	vsub.f32 v26, v32;
	v35 =	vld [tilespmem:$0x760];
	v39 =	vpop (erf);
	[tilespmem:$0x8D0] =	vst v0;
	v40 =	vmul.f32 v36, v4  }
0x91: {  	v42 =	vld [tilespmem:$0x770];
	v45 =	vsub.f32 v63, v21;
	v43 =	vpop (erf);
	[tilespmem:$0x8E0] =	vst v2;
	v44 =	vmul.f32 v39, v37  }
0x92: {  	v49 =	vsub.f32 v23, v25;
	v47 =	vpop (erf);
	[tilespmem:$0x8F0] =	vst v40;
	v48 =	vmul.f32 v43, v41  }
0x93: {  	v52 =	vsub.f32 v27, v28;
	v50 =	vpop (erf);
	[tilespmem:$0x900] =	vst v44;
	v51 =	vmul.f32 v47, v45  }
0x94: {  	v1 =	vsub.f32 v29, v31;
	[tilespmem:$0x910] =	vst v48;
	v54 =	vmul.f32 v50, v49;
	v53 =	vpop (erf)  }
0x95: {  	v57 =	vsub.f32 v35, v38;
	[tilespmem:$0x920] =	vst v51;
	v55 =	vpop (erf);
	v56 =	vmul.f32 v53, v52  }
0x96: {  	v60 =	vsub.f32 v42, v46;
	[tilespmem:$0x930] =	vst v54;
	v58 =	vpop (erf);
	v59 =	vmul.f32 v55, v1  }
0x97: {  	[tilespmem:$0x940] =	vst v56;
	v61 =	vmul.f32 v58, v57;
	v62 =	vpop (erf)  }
0x98: {  	[tilespmem:$0x950] =	vst v59;
	v63 =	vmul.f32 v62, v60  }
0x99: {  	p0 =	sne.s32 s7, $0x1;
	[tilespmem:$0x960] =	vst v61  }
.Ltmp0:
0x9a: {  	[tilespmem:$0x970] =	vst v63;
	(pc) =	sbr.rel @p0 .LBB2_1-.Ltmp0, $4  }
0x9b: {  	[hbm4b:s6+s2] =	stream.linear.scatter [tilespmem:s21], [sflag:$0x2], $0x180, $0x38;
	[tilespmem:$0xA00] =	vst v63  }
0x9c: {  	_ =	swait.ge [sflag:s8], $0x180  }
0x9d: {  	[sflag:s8] =	ssyncset.done $0x0  }
0x9e: {  	s7 =	sadd.s32 $0xFFFFFFFF, s7;
	[sflag:s8] =	ssyncadd.s32 $0xFFFFFE80  }
0x9f: {  	_ =	sfence.sel $0x180000  }
0xa0: {  	[bflag:$0x0] =	sbarrier.arrive $0xFFFF  }
0xa1: {  	p0 =	sne.s32 s1, $0x0;
	_ =	strace $0x9000004A  }
0xa2: {  	s0 =	sadd.s32 @!p0 $0x100000, s0;
	[bflag:$0x2] =	sbarrier.arrive $0xFFFF  }
0xa3: {  	[sflag:s0] =	ssyncadd.tile.s32 @!p0 $0x1;
	_ =	shalt  }
.Lfunc_end2:
_tile_overlayer_lowered:
.L_overlay_start_2:
0xa4: {  	(tag) =	ssettag $0x2  }
0xa5: {  	s0 =	rddreg [dreg:$0x0];
	s2 =	stileid.u32  }
0xa6: {  	s1 =	rddreg [dreg:$0x1];
	p0 =	sne.s32 s2, $0x0  }
0xa7: {  	s3 =	rddreg [dreg:$0x2];
	[bflag:$0x3] =	sbarrier.arrive $0xFFFF;
	s2 =	simm.s32 @!p0 $0x1C02  }
0xa8: {  	[timem:s3], [sflag:s2] =	dma.local @!p0 [hbm:s0], s1  }
0xa9: {  	s0 =	simm.s32 @!p0 $0x2  }
0xaa: {  	_ =	swait.ge @!p0 [sflag:s0], s1  }
0xab: {  	s1 =	ssub.s32 @!p0 $0x0, s1;
	[sflag:s0] =	ssyncset.done @!p0 $0x0  }
0xac: {  	[sflag:s0] =	ssyncadd.s32 @!p0 s1  }
0xad: {  	[bflag:$0x3] =	sbarrier.arrive $0xFFFF  }
0xae: {  	_ =	shalt  }

// kernel: kernel.8.cloned.1.call-start
scs
__scs_entry_jumppad:
0x0: {  	(pc) =	sbr.rel $0x88, $3  }
0x1: {  	(tag) =	ssettag $0x0;
	lr =	simm.s32 $0x1  }
0x2: {  	[smem:$0x3F9B] =	sst lr;
	_ =	strace $0xD0000000  }
0x3: {  	_ = 	snop  }
0x4: {  	_ = 	snop  }
0x5: {  	_ = 	snop  }
0x6: {  	_ = 	snop  }
0x7: {  	_ = 	snop  }
__scs_overlays_trampoline_lowered:
0x8: {  	[smem:$0x3FAA] =	sst s0  }
0x9: {  	[smem:$0x3FAB] =	sst s1  }
0xa: {  	[smem:$0x3FAC] =	sst s2  }
0xb: {  	[smem:$0x3FAD] =	sst s3  }
0xc: {  	[smem:$0x3FAE] =	sst s4  }
0xd: {  	[smem:$0x3FAF] =	sst s5  }
0xe: {  	[smem:$0x3FB0] =	sst s6  }
0xf: {  	[smem:$0x3FB1] =	sst s7  }
0x10: {  	[smem:$0x3FB2] =	sst s8  }
0x11: {  	[smem:$0x3FB3] =	sst s9;
	s0 =	simm.s32 @!p0 $0x0  }
0x12: {  	s1 =	sld [smem:$0x3F99];
	s0 =	simm.s32 @p0 $0x1  }
0x13: {  	[smem:$0x3FB4] =	sst s0;
	s0 =	simm.s32 @!p1 $0x0  }
0x14: {  	s2 =	sld [smem:$0x3F98];
	s0 =	simm.s32 @p1 $0x1  }
0x15: {  	[smem:$0x3FB5] =	sst s0;
	s0 =	simm.s32 @!p2 $0x0  }
0x16: {  	s3 =	sld [smem:$0x3FDB];
	s0 =	simm.s32 @p2 $0x1  }
0x17: {  	s4 =	simm.s32 $0x1BF5;
	[smem:$0x3FB7] =	sst s0  }
0x18: {  	s0 =	sld [smem:$0x3F9A];
	_ =	swait.ge [sflag:s4], $0x0  }
0x19: {  	s7 =	sld [smem:$0x3F9B]  }
0x1a: {  	s8 =	sadd.s32 $0xFFFFE003, lr  }
0x1b: {  	s9 =	sadd.s32 $0xFFFFFEF7, lr;
	s5 =	simm.s32 $0xFFFFFFFF;
	p2 =	slt.u32 s8, $0xFFFFF086  }
0x1c: {  	p1 =	slt.u32 s9, $0xF7A;
	s5 =	simm.s32 @!p2 $0x0  }
0x1d: {  	s5 =	simm.s32 @p1 $0x1;
	p0 =	seq.s32 s7, s2  }
0x1e: {  	s7 =	smul.u32 @!p0 $0xF7A, s2;
	p2 =	seq.s32 @!p0 s5, $0x0  }
0x1f: {  	s9 =	smul.u32 $0xF7A, s1;
	s8 =	simm.s32 @!p0 $0x1BF5;
	p2 =	por !p2, p0  }
0x20: {  	[sflag:s8] =	ssyncset.s32 @!p0 $0xFFFFF086;
	s6 =	sadd.s32 @!p0 s3, s7;
	s7 =	simm.s32 @!p0 $0x108  }
0x21: {  	s3 =	sadd.s32 s3, s9;
	s6 =	sadd.s32 @!p0 $0x88, s6;
	s7 =	simm.s32 @p2 $0x1082  }
0x22: {  	[simem:s7], [sflag:s8] =	dma.local @!p0 [hbm:s6], $0xF7A  }
0x23: {  	s9 =	sor.u32 $0xD0000000, s2;
	s6 =	simm.s32 $0x108;
	_ =	swait.ge @!p0 [sflag:s8], $0x0  }
0x24: {  	s3 =	sadd.s32 $0x88, s3;
	s6 =	simm.s32 @!p1 $0x1082;
	[sflag:s4] =	ssyncset.s32 $0xFFFFF086  }
0x25: {  	[simem:s6], [sflag:s4] =	dma.local [hbm:s3], $0xF7A  }
0x26: {  	[smem:$0x3F9B] =	sst s1;
	(tag) =	ssettag s2;
	_ =	strace s9  }
0x27: {  	s1 =	sld [smem:$0x3FAB]  }
0x28: {  	s2 =	sld [smem:$0x3FAC]  }
0x29: {  	s4 =	sld [smem:$0x3FAE]  }
0x2a: {  	p0 =	seq.s32 s5, $0x0;
	s5 =	sld [smem:$0x3FAF]  }
0x2b: {  	s6 =	sld [smem:$0x3FB0]  }
0x2c: {  	s7 =	sld [smem:$0x3FB1]  }
0x2d: {  	s3 =	simm.s32 $0x108;
	s8 =	sld [smem:$0x3FB2]  }
0x2e: {  	s3 =	simm.s32 @!p0 $0x1082;
	s9 =	sld [smem:$0x3FB3]  }
0x2f: {  	lr =	sadd.s32 s0, s3;
	s0 =	sld [smem:$0x3FAA]  }
0x30: {  	s3 =	sld [smem:$0x3FAD]  }
0x31: {  	[smem:$0x3FB6] =	sst s10  }
0x32: {  	s10 =	sld [smem:$0x3FB4];
	_ =	sdelay $0x3  }
0x33: {  	p0 =	seq.s32 s10, $0x1;
	s10 =	sld [smem:$0x3FB6];
	_ =	sdelay $0x3  }
0x34: {  	[smem:$0x3FB6] =	sst s10  }
0x35: {  	s10 =	sld [smem:$0x3FB5];
	_ =	sdelay $0x3  }
0x36: {  	p1 =	seq.s32 s10, $0x1;
	s10 =	sld [smem:$0x3FB6];
	_ =	sdelay $0x3  }
0x37: {  	[smem:$0x3FB6] =	sst s10  }
0x38: {  	s10 =	sld [smem:$0x3FB7]  }
0x39: {  	_ = 	snop;
	(pc) =	sbr.ind lr, $3  }
0x3a: {  	_ = 	snop  }
0x3b: {  	_ = 	snop  }
0x3c: {  	p2 =	seq.s32 s10, $0x1;
	s10 =	sld [smem:$0x3FB6]  }
0x3d: {  	_ =	shalt  }
0x3e: {  	_ =	shalt  }
0x3f: {  	_ =	shalt  }
0x40: {  	_ =	shalt  }
0x41: {  	_ =	shalt  }
0x42: {  	_ =	shalt  }
0x43: {  	_ =	shalt  }
0x44: {  	_ =	shalt  }
0x45: {  	_ =	shalt  }
0x46: {  	_ =	shalt  }
0x47: {  	_ =	shalt  }
0x48: {  	_ =	shalt  }
0x49: {  	_ =	shalt  }
0x4a: {  	_ =	shalt  }
0x4b: {  	_ =	shalt  }
0x4c: {  	_ =	shalt  }
0x4d: {  	_ =	shalt  }
0x4e: {  	_ =	shalt  }
0x4f: {  	_ =	shalt  }
0x50: {  	_ =	shalt  }
0x51: {  	_ =	shalt  }
0x52: {  	_ =	shalt  }
0x53: {  	_ =	shalt  }
0x54: {  	_ =	shalt  }
0x55: {  	_ =	shalt  }
0x56: {  	_ =	shalt  }
0x57: {  	_ =	shalt  }
0x58: {  	_ =	shalt  }
0x59: {  	_ =	shalt  }
0x5a: {  	_ =	shalt  }
0x5b: {  	_ =	shalt  }
0x5c: {  	_ =	shalt  }
0x5d: {  	_ =	shalt  }
0x5e: {  	_ =	shalt  }
0x5f: {  	_ =	shalt  }
0x60: {  	_ =	shalt  }
0x61: {  	_ =	shalt  }
0x62: {  	_ =	shalt  }
0x63: {  	_ =	shalt  }
0x64: {  	_ =	shalt  }
0x65: {  	_ =	shalt  }
0x66: {  	_ =	shalt  }
0x67: {  	_ =	shalt  }
0x68: {  	_ =	shalt  }
0x69: {  	_ =	shalt  }
0x6a: {  	_ =	shalt  }
0x6b: {  	_ =	shalt  }
0x6c: {  	_ =	shalt  }
0x6d: {  	_ =	shalt  }
0x6e: {  	_ =	shalt  }
0x6f: {  	_ =	shalt  }
0x70: {  	_ =	shalt  }
0x71: {  	_ =	shalt  }
0x72: {  	_ =	shalt  }
0x73: {  	_ =	shalt  }
0x74: {  	_ =	shalt  }
0x75: {  	_ =	shalt  }
0x76: {  	_ =	shalt  }
0x77: {  	_ =	shalt  }
0x78: {  	_ =	shalt  }
0x79: {  	_ =	shalt  }
0x7a: {  	_ =	shalt  }
0x7b: {  	_ =	shalt  }
0x7c: {  	_ =	shalt  }
0x7d: {  	_ =	shalt  }
0x7e: {  	_ =	shalt  }
0x7f: {  	_ =	shalt  }
0x80: {  	_ =	shalt  }
0x81: {  	_ =	shalt  }
0x82: {  	_ =	shalt  }
0x83: {  	_ =	shalt  }
0x84: {  	_ =	shalt  }
0x85: {  	_ =	shalt  }
0x86: {  	_ =	shalt  }
0x87: {  	_ =	shalt  }
.Lfunc_end0:
.L_simem_size_0:
called_computation_lowered:
.L_overlay_start_0:
0x88: {  	s2 =	sld [smem:$0x3FD9]  }
0x89: {  	s3 =	sld [smem:$0x3FFE];
	_ =	sdelay $0x1  }
0x8a: {  	s1 =	srdreg.scid  }
0x8b: {  	s0 =	sand.u32 $0x1, s1  }
0x8c: {  	s16 =	sshll.u32 s0, $0xA;
	s2 =	sadd.s32 s3, s2  }
0x8d: {  	s2 =	sadd.s32 s2, s16  }
0x8e: {  	[smem:$0x3FC2] =	sst s2  }
0x8f: {  	_ = 	snop  }
0x90: {  	(tm) =	ssettm $0x1  }
0x91: {  	s17 =	sld [smem:$0x3FFB];
	_ =	sdelay $0x3  }
0x92: {  	_ =	strace s17  }
0x93: {  	s2 =	sld [smem:$0x3FFC];
	_ =	sdelay $0x3  }
0x94: {  	_ =	strace s2  }
0x95: {  	s2 =	sld [smem:$0x3FFD];
	_ =	sdelay $0x3  }
0x96: {  	_ =	strace s2  }
0x97: {  	_ =	strace $0x8FFFFFFF  }
0x98: {  	s18 =	sld [smem:$0x3FDB];
	_ =	sdelay $0x1  }
0x99: {  	s19 =	simm.s32 $_scs_section_size  }
0x9a: {  	s4 =	simm.s32 $_size__tile_overlayer_lowered;
	s5 =	simm.s32 $_tile_overlayer_lowered  }
0x9b: {  	s22 =	simm.s32 $0x1BFF;
	s21 =	sshll.u32 s5, $0x1;
	s2 =	sadd.s32 s19, s18  }
0x9c: {  	s6 =	simm.s32 $0x0;
	s20 =	sshll.u32 s4, $0x1;
	s4 =	sadd.s32 s21, s2  }
0x9d: {  	[timem:s6], [sflag:s22] =	dma.local [hbm:s4], s20  }
0x9e: {  	_ =	swait.ge [sflag:s22], s20  }
0x9f: {  	s3 =	ssub.s32 $0x0, s20;
	[sflag:s22] =	ssyncset.done $0x0  }
0xa0: {  	[sflag:s22] =	ssyncadd.s32 s3;
	_ =	sdelay $0x1  }
0xa1: {  	s23 =	simm.s32 $0x1B8B  }
0xa2: {  	_ =	swait.ge [sflag:s23], $0x1  }
0xa3: {  	[sflag:s23] =	ssyncset.done $0x0  }
0xa4: {  	s25 =	simm.s32 $0x1B8E;
	s24 =	sld [smem:$0x3FFE];
	[sflag:s23] =	ssyncadd.s32 $0xFFFFFFFF  }
0xa5: {  	s26 =	simm.s32 $execute0_lowered;
	[smem:$0x3FD2] =	sst s25  }
0xa6: {  	s4 =	sshll.u32 s26, $0x1;
	_ =	strace $0x80000046;
	[dreg:$0x1] =	wrdreg $0xFFFFFFFF  }
0xa7: {  	s28 =	simm.s32 $_size_execute0_lowered;
	s2 =	sadd.s32 s2, s4;
	[dreg:$0x0] =	wrdreg $0x0  }
0xa8: {  	s4 =	sshll.u32 s28, $0x1;
	[dreg:$0x2] =	wrdreg s2  }
0xa9: {  	[dreg:$0x3] =	wrdreg s4  }
0xaa: {  	[dreg:$0x4] =	wrdreg $0xC0  }
0xab: {  	_ =	task [dreg:s6], $0x5FFFF  }
0xac: {  	[dreg:$0x1] =	wrdreg $0xFFFFFFFF  }
0xad: {  	[dreg:$0x0] =	wrdreg $0x60  }
0xae: {  	[dreg:$0x2] =	wrdreg s24  }
0xaf: {  	[dreg:$0x3] =	wrdreg $0x9  }
0xb0: {  	_ =	task.clear_ibuf [dreg:s6], $0x4FFFF;
	_ =	strace $0x90000046  }
0xb1: {  	s29 =	simm.s32 $0x9;
	_ =	strace $0x80000048  }
0xb2: {  	_ =	swait.ge [sflag:s29], $0x1  }
0xb3: {  	[sflag:s29] =	ssyncadd.s32 $0xFFFFFFFF  }
0xb4: {  	_ =	strace $0x90000048  }
0xb5: {  	_ =	sfence  }
0xb6: {  	s30 =	sld [smem:$0x0];
	_ =	sdelay $0x2  }
0xb7: {  	s31 =	sshll.u32 s1, $0xD;
	s1 =	sshrl.u32 s1, $0x2  }
0xb8: {  	s3 =	sand.u32 $0x4000, s31;
	s1 =	sadd.s32 s1, s30  }
0xb9: {  	s0 =	sor.u32 s3, s0;
	s1 =	sshll.u32 s1, $0x11  }
0xba: {  	s0 =	sor.u32 s1, s0  }
0xbb: {  	s0 =	sadd.s32 $0x8F2B, s0  }
0xbc: {  	[sflag:s0] =	ssyncadd.remote.s32 $0x1  }
0xbd: {  	_ =	sfence.sel $0xFFFF  }
0xbe: {  	[dreg:$0x0] =	wrdreg $0xFFFFFFFF;
	(pc) =	sbr.abs _section_cstart, $3  }
0xbf: {  	[dreg:$0x1] =	wrdreg $0xFFFFFFFF  }
0xc0: {  	_ =	task.clear_ibuf [dreg:s6], $0x2FFFF;
	_ =	strace $0x9FFFFFFF  }
0xc1: {  	(tm) =	ssettm $0x7FFFFFFF  }
tec
execute0_lowered:
.L_overlay_start_1:
0x0: {  	(tag) =	ssettag $0x1  }
0x1: {  	s1 =	srdreg.scid  }
0x2: {  	s0 =	stileid.u32;
	s4 =	rddreg [dreg:$0x0]  }
0x3: {  	s2 =	simm.s32 $0x0;
	s7 =	simm.s32 $0x2;
	s8 =	simm.s32 $0x80  }
0x4: {  	s9 =	simm.s32 $0x1;
	s3 =	sand.u32 $0x1, s1;
	s5 =	sshll.u32 s0, $0x1  }
0x5: {  	s10 =	simm.s32 $0x2800;
	s11 =	simm.s32 $0x0;
	s5 =	sor.u32 s3, s5  }
0x6: {  	[smem:$0x7FF] =	sst s2;
	s6 =	ssub.s32 $0x2, s3;
	s5 =	smul.u32 $0x500, s5  }
0x7: {  	s1 =	rddreg [dreg:$0x1];
	_ =	strace $0x80000047;
	s31 =	sshrl.u32 s6, $0x1  }
0x8: {  	s3 =	sadd.s32 $0xC00, s4;
	s6 =	ssub.s32 s6, s31;
	s5 =	sadd.s32 s5, s4  }
0x9: {  	s6 =	smax.u32 s6, $0x1;
	s4 =	sadd.s32 $0x3E00, s5;
	s5 =	sadd.s32 $0xDE00, s5  }
.LBB2_1:
0xa: {  	[tilespmem:s2], [sflag:$0x2] =	stream.linear.gather [hbm4b:s4+s2], $0x2800, $0x38;
	[tilespmem:$0x5000] =	vst v63  }
0xb: {  	_ =	swait.ge [sflag:s7], $0x2800  }
0xc: {  	[sflag:s7] =	ssyncset.done $0x0  }
0xd: {  	s12 =	simm.s32 $0x0;
	s13 =	simm.s32 $0x2800;
	[sflag:s7] =	ssyncadd.s32 $0xFFFFD800  }
0xe: {  	[tilespmem:s13], [sflag:$0x1] =	stream.indirect.gather [hbm4b:s3+s8], $0x1, s12, s8, $0xb8;
	[tilespmem:$0x5000] =	vst v63  }
0xf: {  	s19 =	simm.s32 $0x2880;
	s20 =	simm.s32 $0x80  }
0x10: {  	[tilespmem:s19], [sflag:$0x1] =	stream.indirect.gather [hbm4b:s3+s8], $0x1, s20, s8, $0xb8;
	[tilespmem:$0x5000] =	vst v63  }
0x11: {  	s21 =	simm.s32 $0x2900;
	s22 =	simm.s32 $0x100  }
0x12: {  	[tilespmem:s21], [sflag:$0x1] =	stream.indirect.gather [hbm4b:s3+s8], $0x1, s22, s8, $0xb8;
	[tilespmem:$0x5000] =	vst v63  }
0x13: {  	s23 =	simm.s32 $0x2980;
	s24 =	simm.s32 $0x180  }
0x14: {  	[tilespmem:s23], [sflag:$0x1] =	stream.indirect.gather [hbm4b:s3+s8], $0x1, s24, s8, $0xb8;
	[tilespmem:$0x5000] =	vst v63  }
0x15: {  	s25 =	simm.s32 $0x2A00;
	s26 =	simm.s32 $0x200  }
0x16: {  	[tilespmem:s25], [sflag:$0x1] =	stream.indirect.gather [hbm4b:s3+s8], $0x1, s26, s8, $0xb8;
	[tilespmem:$0x5000] =	vst v63  }
0x17: {  	s28 =	simm.s32 $0x2A80;
	s29 =	simm.s32 $0x280  }
0x18: {  	[tilespmem:s28], [sflag:$0x1] =	stream.indirect.gather [hbm4b:s3+s8], $0x1, s29, s8, $0xb8;
	[tilespmem:$0x5000] =	vst v63  }
0x19: {  	s30 =	simm.s32 $0x2B00;
	s31 =	simm.s32 $0x300  }
0x1a: {  	[tilespmem:s30], [sflag:$0x1] =	stream.indirect.gather [hbm4b:s3+s8], $0x1, s31, s8, $0xb8;
	[tilespmem:$0x5000] =	vst v63  }
0x1b: {  	s14 =	simm.s32 $0x380;
	s13 =	simm.s32 $0x2B80  }
0x1c: {  	[tilespmem:s13], [sflag:$0x1] =	stream.indirect.gather [hbm4b:s3+s8], $0x1, s14, s8, $0xb8;
	[tilespmem:$0x5000] =	vst v63  }
0x1d: {  	s15 =	simm.s32 $0x2C00;
	s16 =	simm.s32 $0x400  }
0x1e: {  	[tilespmem:s15], [sflag:$0x1] =	stream.indirect.gather [hbm4b:s3+s8], $0x1, s16, s8, $0xb8;
	[tilespmem:$0x5000] =	vst v63  }
0x1f: {  	s17 =	simm.s32 $0x2C80;
	s18 =	simm.s32 $0x480  }
0x20: {  	[tilespmem:s17], [sflag:$0x1] =	stream.indirect.gather [hbm4b:s3+s8], $0x1, s18, s8, $0xb8;
	[tilespmem:$0x5000] =	vst v63  }
0x21: {  	s19 =	simm.s32 $0x2D00;
	s20 =	simm.s32 $0x500  }
0x22: {  	[tilespmem:s19], [sflag:$0x1] =	stream.indirect.gather [hbm4b:s3+s8], $0x1, s20, s8, $0xb8;
	[tilespmem:$0x5000] =	vst v63  }
0x23: {  	s21 =	simm.s32 $0x2D80;
	s22 =	simm.s32 $0x580  }
0x24: {  	[tilespmem:s21], [sflag:$0x1] =	stream.indirect.gather [hbm4b:s3+s8], $0x1, s22, s8, $0xb8;
	[tilespmem:$0x5000] =	vst v63  }
0x25: {  	s23 =	simm.s32 $0x2E00;
	s24 =	simm.s32 $0x600  }
0x26: {  	[tilespmem:s23], [sflag:$0x1] =	stream.indirect.gather [hbm4b:s3+s8], $0x1, s24, s8, $0xb8;
	[tilespmem:$0x5000] =	vst v63  }
0x27: {  	s25 =	simm.s32 $0x2E80;
	s26 =	simm.s32 $0x680  }
0x28: {  	[tilespmem:s25], [sflag:$0x1] =	stream.indirect.gather [hbm4b:s3+s8], $0x1, s26, s8, $0xb8;
	[tilespmem:$0x5000] =	vst v63  }
0x29: {  	s28 =	simm.s32 $0x2F00;
	s29 =	simm.s32 $0x700  }
0x2a: {  	[tilespmem:s28], [sflag:$0x1] =	stream.indirect.gather [hbm4b:s3+s8], $0x1, s29, s8, $0xb8;
	[tilespmem:$0x5000] =	vst v63  }
0x2b: {  	s30 =	simm.s32 $0x2F80;
	s31 =	simm.s32 $0x780  }
0x2c: {  	[tilespmem:s30], [sflag:$0x1] =	stream.indirect.gather [hbm4b:s3+s8], $0x1, s31, s8, $0xb8;
	[tilespmem:$0x5000] =	vst v63  }
0x2d: {  	_ =	swait.ge [sflag:s9], $0x80  }
0x2e: {  	[sflag:s9] =	ssyncset.done $0x0  }
0x2f: {  	[sflag:s9] =	ssyncadd.s32 $0xFFFFFF80  }
0x30: {  	_ =	swait.ge [sflag:s9], $0x80  }
0x31: {  	[sflag:s9] =	ssyncset.done $0x0  }
0x32: {  	[sflag:s9] =	ssyncadd.s32 $0xFFFFFF80  }
0x33: {  	_ =	swait.ge [sflag:s9], $0x80  }
0x34: {  	[sflag:s9] =	ssyncset.done $0x0  }
0x35: {  	[sflag:s9] =	ssyncadd.s32 $0xFFFFFF80  }
0x36: {  	_ =	swait.ge [sflag:s9], $0x80  }
0x37: {  	[sflag:s9] =	ssyncset.done $0x0  }
0x38: {  	[sflag:s9] =	ssyncadd.s32 $0xFFFFFF80  }
0x39: {  	_ =	swait.ge [sflag:s9], $0x80  }
0x3a: {  	[sflag:s9] =	ssyncset.done $0x0  }
0x3b: {  	[sflag:s9] =	ssyncadd.s32 $0xFFFFFF80  }
0x3c: {  	_ =	swait.ge [sflag:s9], $0x80  }
0x3d: {  	[sflag:s9] =	ssyncset.done $0x0  }
0x3e: {  	[sflag:s9] =	ssyncadd.s32 $0xFFFFFF80  }
0x3f: {  	_ =	swait.ge [sflag:s9], $0x80  }
0x40: {  	[sflag:s9] =	ssyncset.done $0x0  }
0x41: {  	[sflag:s9] =	ssyncadd.s32 $0xFFFFFF80  }
0x42: {  	_ =	swait.ge [sflag:s9], $0x80  }
0x43: {  	[sflag:s9] =	ssyncset.done $0x0  }
0x44: {  	[sflag:s9] =	ssyncadd.s32 $0xFFFFFF80  }
0x45: {  	_ =	swait.ge [sflag:s9], $0x80  }
0x46: {  	[sflag:s9] =	ssyncset.done $0x0  }
0x47: {  	[sflag:s9] =	ssyncadd.s32 $0xFFFFFF80  }
0x48: {  	_ =	swait.ge [sflag:s9], $0x80  }
0x49: {  	[sflag:s9] =	ssyncset.done $0x0  }
0x4a: {  	[sflag:s9] =	ssyncadd.s32 $0xFFFFFF80  }
0x4b: {  	_ =	swait.ge [sflag:s9], $0x80  }
0x4c: {  	[sflag:s9] =	ssyncset.done $0x0  }
0x4d: {  	[sflag:s9] =	ssyncadd.s32 $0xFFFFFF80  }
0x4e: {  	_ =	swait.ge [sflag:s9], $0x80  }
0x4f: {  	[sflag:s9] =	ssyncset.done $0x0  }
0x50: {  	[sflag:s9] =	ssyncadd.s32 $0xFFFFFF80  }
0x51: {  	_ =	swait.ge [sflag:s9], $0x80  }
0x52: {  	[sflag:s9] =	ssyncset.done $0x0  }
0x53: {  	[sflag:s9] =	ssyncadd.s32 $0xFFFFFF80  }
0x54: {  	_ =	swait.ge [sflag:s9], $0x80  }
0x55: {  	[sflag:s9] =	ssyncset.done $0x0  }
0x56: {  	[sflag:s9] =	ssyncadd.s32 $0xFFFFFF80  }
0x57: {  	_ =	swait.ge [sflag:s9], $0x80  }
0x58: {  	[sflag:s9] =	ssyncset.done $0x0  }
0x59: {  	[sflag:s9] =	ssyncadd.s32 $0xFFFFFF80  }
0x5a: {  	_ =	swait.ge [sflag:s9], $0x80  }
0x5b: {  	s14 =	simm.s32 $0x800;
	s15 =	simm.s32 $0x4000;
	[sflag:s9] =	ssyncset.done $0x0  }
.LBB2_2:
0x5c: {  	s16 =	sadd.s32 $0x2800, s14  }
0x5d: {  	[sflag:s9] =	ssyncadd.s32 $0xFFFFFF80;
	s13 =	smov.u32 s15;
	s12 =	sadd.s32 $0x2000, s15  }
0x5e: {  	[tilespmem:s16], [sflag:$0x1] =	stream.indirect.gather [hbm4b:s3+s8], $0x1, s14, s8, $0xb8;
	[tilespmem:$0x5000] =	vst v63  }
0x5f: {  	p0 =	sne.s32 s15, $0x8000;
	s15 =	sadd.s32 $0x2880, s14;
	s16 =	sadd.s32 $0x80, s14  }
0x60: {  	[tilespmem:s15], [sflag:$0x1] =	stream.indirect.gather [hbm4b:s3+s8], $0x1, s16, s8, $0xb8;
	[tilespmem:$0x5000] =	vst v63  }
0x61: {  	s15 =	sadd.s32 $0x2900, s14;
	s16 =	sadd.s32 $0x100, s14  }
0x62: {  	[tilespmem:s15], [sflag:$0x1] =	stream.indirect.gather [hbm4b:s3+s8], $0x1, s16, s8, $0xb8;
	[tilespmem:$0x5000] =	vst v63  }
0x63: {  	s15 =	sadd.s32 $0x2980, s14;
	s16 =	sadd.s32 $0x180, s14  }
0x64: {  	[tilespmem:s15], [sflag:$0x1] =	stream.indirect.gather [hbm4b:s3+s8], $0x1, s16, s8, $0xb8;
	[tilespmem:$0x5000] =	vst v63  }
0x65: {  	s15 =	sadd.s32 $0x2A00, s14;
	s16 =	sadd.s32 $0x200, s14  }
0x66: {  	[tilespmem:s15], [sflag:$0x1] =	stream.indirect.gather [hbm4b:s3+s8], $0x1, s16, s8, $0xb8;
	[tilespmem:$0x5000] =	vst v63  }
0x67: {  	s15 =	sadd.s32 $0x2A80, s14;
	s16 =	sadd.s32 $0x280, s14  }
0x68: {  	[tilespmem:s15], [sflag:$0x1] =	stream.indirect.gather [hbm4b:s3+s8], $0x1, s16, s8, $0xb8;
	[tilespmem:$0x5000] =	vst v63  }
0x69: {  	s15 =	sadd.s32 $0x2B00, s14;
	s16 =	sadd.s32 $0x300, s14  }
0x6a: {  	[tilespmem:s15], [sflag:$0x1] =	stream.indirect.gather [hbm4b:s3+s8], $0x1, s16, s8, $0xb8;
	[tilespmem:$0x5000] =	vst v63  }
0x6b: {  	s15 =	sadd.s32 $0x2B80, s14;
	s16 =	sadd.s32 $0x380, s14  }
0x6c: {  	[tilespmem:s15], [sflag:$0x1] =	stream.indirect.gather [hbm4b:s3+s8], $0x1, s16, s8, $0xb8;
	[tilespmem:$0x5000] =	vst v63  }
0x6d: {  	s15 =	sadd.s32 $0x2C00, s14;
	s16 =	sadd.s32 $0x400, s14  }
0x6e: {  	[tilespmem:s15], [sflag:$0x1] =	stream.indirect.gather [hbm4b:s3+s8], $0x1, s16, s8, $0xb8;
	[tilespmem:$0x5000] =	vst v63  }
0x6f: {  	s15 =	sadd.s32 $0x2C80, s14;
	s16 =	sadd.s32 $0x480, s14  }
0x70: {  	[tilespmem:s15], [sflag:$0x1] =	stream.indirect.gather [hbm4b:s3+s8], $0x1, s16, s8, $0xb8;
	[tilespmem:$0x5000] =	vst v63  }
0x71: {  	s15 =	sadd.s32 $0x2D00, s14;
	s16 =	sadd.s32 $0x500, s14  }
0x72: {  	[tilespmem:s15], [sflag:$0x1] =	stream.indirect.gather [hbm4b:s3+s8], $0x1, s16, s8, $0xb8;
	[tilespmem:$0x5000] =	vst v63  }
0x73: {  	s15 =	sadd.s32 $0x2D80, s14;
	s16 =	sadd.s32 $0x580, s14  }
0x74: {  	[tilespmem:s15], [sflag:$0x1] =	stream.indirect.gather [hbm4b:s3+s8], $0x1, s16, s8, $0xb8;
	[tilespmem:$0x5000] =	vst v63  }
0x75: {  	s15 =	sadd.s32 $0x2E00, s14;
	s16 =	sadd.s32 $0x600, s14  }
0x76: {  	[tilespmem:s15], [sflag:$0x1] =	stream.indirect.gather [hbm4b:s3+s8], $0x1, s16, s8, $0xb8;
	[tilespmem:$0x5000] =	vst v63  }
0x77: {  	s15 =	sadd.s32 $0x2E80, s14;
	s16 =	sadd.s32 $0x680, s14  }
0x78: {  	[tilespmem:s15], [sflag:$0x1] =	stream.indirect.gather [hbm4b:s3+s8], $0x1, s16, s8, $0xb8;
	[tilespmem:$0x5000] =	vst v63  }
0x79: {  	s15 =	sadd.s32 $0x2F00, s14;
	s16 =	sadd.s32 $0x700, s14  }
0x7a: {  	[tilespmem:s15], [sflag:$0x1] =	stream.indirect.gather [hbm4b:s3+s8], $0x1, s16, s8, $0xb8;
	[tilespmem:$0x5000] =	vst v63  }
0x7b: {  	s15 =	sadd.s32 $0x2F80, s14;
	s14 =	sadd.s32 $0x780, s14  }
0x7c: {  	[tilespmem:s15], [sflag:$0x1] =	stream.indirect.gather [hbm4b:s3+s8], $0x1, s14, s8, $0xb8;
	[tilespmem:$0x5000] =	vst v63  }
0x7d: {  	_ =	swait.ge [sflag:s9], $0x80  }
0x7e: {  	[sflag:s9] =	ssyncset.done $0x0  }
0x7f: {  	[sflag:s9] =	ssyncadd.s32 $0xFFFFFF80  }
0x80: {  	_ =	swait.ge [sflag:s9], $0x80  }
0x81: {  	[sflag:s9] =	ssyncset.done $0x0  }
0x82: {  	[sflag:s9] =	ssyncadd.s32 $0xFFFFFF80  }
0x83: {  	_ =	swait.ge [sflag:s9], $0x80  }
0x84: {  	[sflag:s9] =	ssyncset.done $0x0  }
0x85: {  	[sflag:s9] =	ssyncadd.s32 $0xFFFFFF80  }
0x86: {  	_ =	swait.ge [sflag:s9], $0x80  }
0x87: {  	[sflag:s9] =	ssyncset.done $0x0  }
0x88: {  	[sflag:s9] =	ssyncadd.s32 $0xFFFFFF80  }
0x89: {  	_ =	swait.ge [sflag:s9], $0x80  }
0x8a: {  	[sflag:s9] =	ssyncset.done $0x0  }
0x8b: {  	[sflag:s9] =	ssyncadd.s32 $0xFFFFFF80  }
0x8c: {  	_ =	swait.ge [sflag:s9], $0x80  }
0x8d: {  	[sflag:s9] =	ssyncset.done $0x0  }
0x8e: {  	[sflag:s9] =	ssyncadd.s32 $0xFFFFFF80  }
0x8f: {  	_ =	swait.ge [sflag:s9], $0x80  }
0x90: {  	[sflag:s9] =	ssyncset.done $0x0  }
0x91: {  	[sflag:s9] =	ssyncadd.s32 $0xFFFFFF80  }
0x92: {  	_ =	swait.ge [sflag:s9], $0x80  }
0x93: {  	[sflag:s9] =	ssyncset.done $0x0  }
0x94: {  	[sflag:s9] =	ssyncadd.s32 $0xFFFFFF80  }
0x95: {  	_ =	swait.ge [sflag:s9], $0x80  }
0x96: {  	[sflag:s9] =	ssyncset.done $0x0  }
0x97: {  	[sflag:s9] =	ssyncadd.s32 $0xFFFFFF80  }
0x98: {  	_ =	swait.ge [sflag:s9], $0x80  }
0x99: {  	[sflag:s9] =	ssyncset.done $0x0  }
0x9a: {  	[sflag:s9] =	ssyncadd.s32 $0xFFFFFF80  }
0x9b: {  	_ =	swait.ge [sflag:s9], $0x80  }
0x9c: {  	[sflag:s9] =	ssyncset.done $0x0  }
0x9d: {  	[sflag:s9] =	ssyncadd.s32 $0xFFFFFF80  }
0x9e: {  	_ =	swait.ge [sflag:s9], $0x80  }
0x9f: {  	[sflag:s9] =	ssyncset.done $0x0  }
0xa0: {  	[sflag:s9] =	ssyncadd.s32 $0xFFFFFF80  }
0xa1: {  	_ =	swait.ge [sflag:s9], $0x80  }
0xa2: {  	[sflag:s9] =	ssyncset.done $0x0  }
0xa3: {  	[sflag:s9] =	ssyncadd.s32 $0xFFFFFF80  }
0xa4: {  	_ =	swait.ge [sflag:s9], $0x80  }
0xa5: {  	[sflag:s9] =	ssyncset.done $0x0  }
0xa6: {  	[sflag:s9] =	ssyncadd.s32 $0xFFFFFF80  }
.Ltmp0:
0xa7: {  	_ =	swait.ge [sflag:s9], $0x80;
	(pc) =	sbr.rel @p0 .LBB2_2-.Ltmp0, $4  }
0xa8: {  	[sflag:s9] =	ssyncset.done $0x0  }
0xa9: {  	[sflag:s9] =	ssyncadd.s32 $0xFFFFFF80  }
0xaa: {  	_ =	swait.ge [sflag:s9], $0x80  }
0xab: {  	s14 =	sshra.s32 s13, $0x2;
	s15 =	smov.u32 s12;
	[sflag:s9] =	ssyncset.done $0x0  }
0xac: {  	s12 =	sadd.s32 $0x2800, s14;
	[sflag:s9] =	ssyncadd.s32 $0xFFFFFF80  }
0xad: {  	[tilespmem:s12], [sflag:$0x1] =	stream.indirect.gather [hbm4b:s3+s8], $0x1, s14, s8, $0xb8;
	[tilespmem:$0x5000] =	vst v63  }
0xae: {  	s18 =	sadd.s32 $0x2880, s14;
	s13 =	sadd.s32 $0x80, s14  }
0xaf: {  	[tilespmem:s18], [sflag:$0x1] =	stream.indirect.gather [hbm4b:s3+s8], $0x1, s13, s8, $0xb8;
	[tilespmem:$0x5000] =	vst v63  }
0xb0: {  	s19 =	sadd.s32 $0x2900, s14;
	s20 =	sadd.s32 $0x100, s14  }
0xb1: {  	[tilespmem:s19], [sflag:$0x1] =	stream.indirect.gather [hbm4b:s3+s8], $0x1, s20, s8, $0xb8;
	[tilespmem:$0x5000] =	vst v63  }
0xb2: {  	s21 =	sadd.s32 $0x2980, s14;
	s22 =	sadd.s32 $0x180, s14  }
0xb3: {  	[tilespmem:s21], [sflag:$0x1] =	stream.indirect.gather [hbm4b:s3+s8], $0x1, s22, s8, $0xb8;
	[tilespmem:$0x5000] =	vst v63  }
0xb4: {  	s23 =	sadd.s32 $0x2A00, s14;
	s24 =	sadd.s32 $0x200, s14  }
0xb5: {  	[tilespmem:s23], [sflag:$0x1] =	stream.indirect.gather [hbm4b:s3+s8], $0x1, s24, s8, $0xb8;
	[tilespmem:$0x5000] =	vst v63  }
0xb6: {  	s25 =	sadd.s32 $0x2A80, s14;
	s26 =	sadd.s32 $0x280, s14  }
0xb7: {  	[tilespmem:s25], [sflag:$0x1] =	stream.indirect.gather [hbm4b:s3+s8], $0x1, s26, s8, $0xb8;
	[tilespmem:$0x5000] =	vst v63  }
0xb8: {  	s28 =	sadd.s32 $0x2B00, s14;
	s29 =	sadd.s32 $0x300, s14  }
0xb9: {  	[tilespmem:s28], [sflag:$0x1] =	stream.indirect.gather [hbm4b:s3+s8], $0x1, s29, s8, $0xb8;
	[tilespmem:$0x5000] =	vst v63  }
0xba: {  	s30 =	sadd.s32 $0x2B80, s14;
	s31 =	sadd.s32 $0x380, s14  }
0xbb: {  	[tilespmem:s30], [sflag:$0x1] =	stream.indirect.gather [hbm4b:s3+s8], $0x1, s31, s8, $0xb8;
	[tilespmem:$0x5000] =	vst v63  }
0xbc: {  	s15 =	sadd.s32 $0x2C00, s14;
	s16 =	sadd.s32 $0x400, s14  }
0xbd: {  	[tilespmem:s15], [sflag:$0x1] =	stream.indirect.gather [hbm4b:s3+s8], $0x1, s16, s8, $0xb8;
	[tilespmem:$0x5000] =	vst v63  }
0xbe: {  	s17 =	sadd.s32 $0x2C80, s14;
	s18 =	sadd.s32 $0x480, s14  }
0xbf: {  	[tilespmem:s17], [sflag:$0x1] =	stream.indirect.gather [hbm4b:s3+s8], $0x1, s18, s8, $0xb8;
	[tilespmem:$0x5000] =	vst v63  }
0xc0: {  	s19 =	sadd.s32 $0x2D00, s14;
	s20 =	sadd.s32 $0x500, s14  }
0xc1: {  	[tilespmem:s19], [sflag:$0x1] =	stream.indirect.gather [hbm4b:s3+s8], $0x1, s20, s8, $0xb8;
	[tilespmem:$0x5000] =	vst v63  }
0xc2: {  	s21 =	sadd.s32 $0x2D80, s14;
	s22 =	sadd.s32 $0x580, s14  }
0xc3: {  	[tilespmem:s21], [sflag:$0x1] =	stream.indirect.gather [hbm4b:s3+s8], $0x1, s22, s8, $0xb8;
	[tilespmem:$0x5000] =	vst v63  }
0xc4: {  	s23 =	sadd.s32 $0x2E00, s14;
	s24 =	sadd.s32 $0x600, s14  }
0xc5: {  	[tilespmem:s23], [sflag:$0x1] =	stream.indirect.gather [hbm4b:s3+s8], $0x1, s24, s8, $0xb8;
	[tilespmem:$0x5000] =	vst v63  }
0xc6: {  	s25 =	sadd.s32 $0x2E80, s14;
	s26 =	sadd.s32 $0x680, s14  }
0xc7: {  	[tilespmem:s25], [sflag:$0x1] =	stream.indirect.gather [hbm4b:s3+s8], $0x1, s26, s8, $0xb8;
	[tilespmem:$0x5000] =	vst v63  }
0xc8: {  	s28 =	sadd.s32 $0x2F00, s14;
	s29 =	sadd.s32 $0x700, s14  }
0xc9: {  	[tilespmem:s28], [sflag:$0x1] =	stream.indirect.gather [hbm4b:s3+s8], $0x1, s29, s8, $0xb8;
	[tilespmem:$0x5000] =	vst v63  }
0xca: {  	s30 =	sadd.s32 $0x2F80, s14;
	s31 =	sadd.s32 $0x780, s14  }
0xcb: {  	[tilespmem:s30], [sflag:$0x1] =	stream.indirect.gather [hbm4b:s3+s8], $0x1, s31, s8, $0xb8;
	[tilespmem:$0x5000] =	vst v63  }
0xcc: {  	_ =	swait.ge [sflag:s9], $0x80  }
0xcd: {  	[sflag:s9] =	ssyncset.done $0x0  }
0xce: {  	[sflag:s9] =	ssyncadd.s32 $0xFFFFFF80  }
0xcf: {  	_ =	swait.ge [sflag:s9], $0x80  }
0xd0: {  	[sflag:s9] =	ssyncset.done $0x0  }
0xd1: {  	[sflag:s9] =	ssyncadd.s32 $0xFFFFFF80  }
0xd2: {  	_ =	swait.ge [sflag:s9], $0x80  }
0xd3: {  	[sflag:s9] =	ssyncset.done $0x0  }
0xd4: {  	[sflag:s9] =	ssyncadd.s32 $0xFFFFFF80  }
0xd5: {  	_ =	swait.ge [sflag:s9], $0x80  }
0xd6: {  	[sflag:s9] =	ssyncset.done $0x0  }
0xd7: {  	[sflag:s9] =	ssyncadd.s32 $0xFFFFFF80  }
0xd8: {  	_ =	swait.ge [sflag:s9], $0x80  }
0xd9: {  	[sflag:s9] =	ssyncset.done $0x0  }
0xda: {  	[sflag:s9] =	ssyncadd.s32 $0xFFFFFF80  }
0xdb: {  	_ =	swait.ge [sflag:s9], $0x80  }
0xdc: {  	[sflag:s9] =	ssyncset.done $0x0  }
0xdd: {  	[sflag:s9] =	ssyncadd.s32 $0xFFFFFF80  }
0xde: {  	_ =	swait.ge [sflag:s9], $0x80  }
0xdf: {  	[sflag:s9] =	ssyncset.done $0x0  }
0xe0: {  	[sflag:s9] =	ssyncadd.s32 $0xFFFFFF80  }
0xe1: {  	_ =	swait.ge [sflag:s9], $0x80  }
0xe2: {  	[sflag:s9] =	ssyncset.done $0x0  }
0xe3: {  	[sflag:s9] =	ssyncadd.s32 $0xFFFFFF80  }
0xe4: {  	_ =	swait.ge [sflag:s9], $0x80  }
0xe5: {  	[sflag:s9] =	ssyncset.done $0x0  }
0xe6: {  	[sflag:s9] =	ssyncadd.s32 $0xFFFFFF80  }
0xe7: {  	_ =	swait.ge [sflag:s9], $0x80  }
0xe8: {  	[sflag:s9] =	ssyncset.done $0x0  }
0xe9: {  	[sflag:s9] =	ssyncadd.s32 $0xFFFFFF80  }
0xea: {  	_ =	swait.ge [sflag:s9], $0x80  }
0xeb: {  	[sflag:s9] =	ssyncset.done $0x0  }
0xec: {  	[sflag:s9] =	ssyncadd.s32 $0xFFFFFF80  }
0xed: {  	_ =	swait.ge [sflag:s9], $0x80  }
0xee: {  	[sflag:s9] =	ssyncset.done $0x0  }
0xef: {  	[sflag:s9] =	ssyncadd.s32 $0xFFFFFF80  }
0xf0: {  	_ =	swait.ge [sflag:s9], $0x80  }
0xf1: {  	[sflag:s9] =	ssyncset.done $0x0  }
0xf2: {  	[sflag:s9] =	ssyncadd.s32 $0xFFFFFF80  }
0xf3: {  	_ =	swait.ge [sflag:s9], $0x80  }
0xf4: {  	[sflag:s9] =	ssyncset.done $0x0  }
0xf5: {  	[sflag:s9] =	ssyncadd.s32 $0xFFFFFF80  }
0xf6: {  	_ =	swait.ge [sflag:s9], $0x80  }
0xf7: {  	[sflag:s9] =	ssyncset.done $0x0  }
0xf8: {  	[sflag:s9] =	ssyncadd.s32 $0xFFFFFF80  }
0xf9: {  	s11 =	sadd.s32 $0x1, s11;
	_ =	swait.ge [sflag:s9], $0x80  }
0xfa: {  	p0 =	sne.s32 s11, s6;
	[sflag:s9] =	ssyncset.done $0x0  }
.Ltmp1:
0xfb: {  	[sflag:s9] =	ssyncadd.s32 $0xFFFFFF80;
	(pc) =	sbr.rel @p0 .LBB2_1-.Ltmp1, $4  }
0xfc: {  	[hbm4b:s5+s2] =	stream.linear.scatter [tilespmem:s10], [sflag:$0x2], $0x2800, $0x38;
	[tilespmem:$0x5000] =	vst v63  }
0xfd: {  	_ =	swait.ge [sflag:s7], $0x2800  }
0xfe: {  	[sflag:s7] =	ssyncset.done $0x0  }
0xff: {  	[sflag:s7] =	ssyncadd.s32 $0xFFFFD800  }
0x100: {  	_ =	sfence.sel $0x180000  }
0x101: {  	[bflag:$0x0] =	sbarrier.arrive $0xFFFF  }
0x102: {  	p0 =	sne.s32 s0, $0x0;
	_ =	strace $0x90000047  }
0x103: {  	s0 =	sadd.s32 @!p0 $0x100000, s1;
	[bflag:$0x2] =	sbarrier.arrive $0xFFFF  }
0x104: {  	[sflag:s0] =	ssyncadd.tile.s32 @!p0 $0x1;
	_ =	shalt  }
.Lfunc_end2:
_tile_overlayer_lowered:
.L_overlay_start_2:
0x105: {  	(tag) =	ssettag $0x2  }
0x106: {  	s0 =	rddreg [dreg:$0x0];
	s2 =	stileid.u32  }
0x107: {  	s1 =	rddreg [dreg:$0x1];
	p0 =	sne.s32 s2, $0x0  }
0x108: {  	s3 =	rddreg [dreg:$0x2];
	[bflag:$0x3] =	sbarrier.arrive $0xFFFF;
	s2 =	simm.s32 @!p0 $0x1C02  }
0x109: {  	[timem:s3], [sflag:s2] =	dma.local @!p0 [hbm:s0], s1  }
0x10a: {  	s0 =	simm.s32 @!p0 $0x2  }
0x10b: {  	_ =	swait.ge @!p0 [sflag:s0], s1  }
0x10c: {  	s1 =	ssub.s32 @!p0 $0x0, s1;
	[sflag:s0] =	ssyncset.done @!p0 $0x0  }
0x10d: {  	[sflag:s0] =	ssyncadd.s32 @!p0 s1  }
0x10e: {  	[bflag:$0x3] =	sbarrier.arrive $0xFFFF  }
0x10f: {  	_ =	shalt  }

</sc_bundles>
